<compile_context>
chip_gen: v7x
topology: tpu7x:2x2x1
jax: 0.10.2.dev20260603
libtpu: 0.0.44.dev20260713+nightly
codegen_flags: <defaults>
</compile_context>

<pallas_src>
import functools

import jax
import jax.numpy as jnp
from jax import lax
from jax.experimental import pallas as pl
from jax.experimental.pallas import tpu as pltpu
from jax.experimental.pallas import tpu_sc as plsc

N = 100000
H = 4
K = 16
B = 4096
C = 1.0

NC = 2
NS = 16
NW = NC * NS
LANES = 16

SUP = 16
NSUP = N * H // SUP
HSUP = N // SUP
WPH = NW // H
CH = 784
LASTCH = HSUP - (WPH - 1) * CH
BW = B // NW
NBINS = H * K


def _sc_body(ysup_hbm, lamsup_hbm, idx_hbm,
             hist_out, yb_out, lamb_out,
             ybuf, hist, idxbuf, supidx, ygat, lamgat,
             youtb, loutb, sem_y, sem_l):
    cid = lax.axis_index("c")
    sid = lax.axis_index("s")
    wid = sid * NC + cid

    lane = lax.iota(jnp.int32, LANES)

    gbase = wid * BW
    pltpu.sync_copy(idx_hbm.at[pl.ds(gbase, BW)], idxbuf)
    for i in range(BW // LANES):
        sup = idxbuf[pl.ds(i * LANES, LANES)] // SUP
        for h in range(H):
            supidx[h, pl.ds(i * LANES, LANES)] = sup + h * HSUP
    cps = []
    for h in range(H):
        cps.append(pltpu.async_copy(ysup_hbm.at[supidx.at[h]],
                                    ygat.at[h], sem_y))
        cps.append(pltpu.async_copy(lamsup_hbm.at[supidx.at[h]],
                                    lamgat.at[h], sem_l))

    hmine = wid // WPH
    sub = wid % WPH
    rstart = hmine * HSUP + sub * CH

    @pl.when(sub < WPH - 1)
    def _():
        pltpu.sync_copy(ysup_hbm.at[pl.ds(rstart, CH)], ybuf.at[pl.ds(0, CH)])

    @pl.when(sub == WPH - 1)
    def _():
        pltpu.sync_copy(ysup_hbm.at[pl.ds(rstart, LASTCH)],
                        ybuf.at[pl.ds(0, LASTCH)])

    zeros16 = jnp.zeros((LANES,), jnp.int32)
    for r in range(NBINS):
        hist[r] = zeros16

    hbase = zeros16 + hmine * K
    ones = jnp.ones((LANES,), jnp.int32)
    nvec = jnp.where(sub == WPH - 1, LASTCH, CH)

    UNROLL = 8

    def body8(i, carry):
        for j in range(UNROLL):
            v = ybuf[i * UNROLL + j]
            plsc.addupdate_scatter(hist, [hbase + v, lane], ones)
        return carry

    def body1(i, carry):
        v = ybuf[i]
        plsc.addupdate_scatter(hist, [hbase + v, lane], ones)
        return carry

    n8 = nvec // UNROLL
    lax.fori_loop(0, n8, body8, 0)
    lax.fori_loop(n8 * UNROLL, nvec, body1, 0)

    pltpu.sync_copy(hist, hist_out.at[wid])

    for cp in cps:
        cp.wait()
    for i in range(BW // LANES):
        jvec = lane + i * LANES
        v = idxbuf[pl.ds(i * LANES, LANES)]
        col = v % SUP
        for h in range(H):
            yv = plsc.load_gather(ygat, [jnp.full((LANES,), h, jnp.int32),
                                         jvec, col])
            youtb[h, pl.ds(i * LANES, LANES)] = yv
            lv = plsc.load_gather(lamgat, [jnp.full((LANES,), h, jnp.int32),
                                           jvec, col])
            loutb[h, pl.ds(i * LANES, LANES)] = lv
    pltpu.sync_copy(youtb, yb_out.at[:, pl.ds(gbase, BW)])
    pltpu.sync_copy(loutb, lamb_out.at[:, pl.ds(gbase, BW)])


@functools.cache
def _make_sc_call():
    return pl.kernel(
        _sc_body,
        out_type=[
            jax.ShapeDtypeStruct((NW, NBINS, LANES), jnp.int32),
            jax.ShapeDtypeStruct((H, B), jnp.int32),
            jax.ShapeDtypeStruct((H, B), jnp.float32),
        ],
        mesh=plsc.VectorSubcoreMesh(core_axis_name="c", subcore_axis_name="s"),
        compiler_params=pltpu.CompilerParams(
            needs_layout_passes=False, use_tc_tiling_on_sc=False),
        scratch_types=[
            pltpu.VMEM((CH, SUP), jnp.int32),
            pltpu.VMEM((NBINS, LANES), jnp.int32),
            pltpu.VMEM((BW,), jnp.int32),
            pltpu.VMEM((H, BW), jnp.int32),
            pltpu.VMEM((H, BW, SUP), jnp.int32),
            pltpu.VMEM((H, BW, SUP), jnp.float32),
            pltpu.VMEM((H, BW), jnp.int32),
            pltpu.VMEM((H, BW), jnp.float32),
            pltpu.SemaphoreType.DMA,
            pltpu.SemaphoreType.DMA,
        ],
    )


def _exp_mat():
    eh = lax.broadcasted_iota(jnp.int32, (H, NBINS), 0)
    ej = lax.broadcasted_iota(jnp.int32, (H, NBINS), 1) // K
    return (eh == ej).astype(jnp.float32)


def _tc_body(x_ref, hist_ref, yb_ref, lamb_ref, out_ref):
    x = x_ref[...]
    counts = jnp.sum(hist_ref[...].astype(jnp.float32), axis=(0, 2))
    base = (C * lax.rsqrt(jnp.sqrt(counts))).reshape(1, NBINS)

    exp_mat = _exp_mat()
    m = jnp.max(x, axis=1, keepdims=True)
    e = jnp.exp(x - m)
    ssum4 = lax.dot_general(e, exp_mat, (((1,), (1,)), ((), ())),
                            preferred_element_type=jnp.float32)
    lse = lax.dot(jnp.log(ssum4), exp_mat,
                  preferred_element_type=jnp.float32) + m

    ybx = lax.dot_general(yb_ref[...].astype(jnp.float32), exp_mat,
                          (((0,), (0,)), ((), ())),
                          preferred_element_type=jnp.float32)
    lambx = lax.dot_general(lamb_ref[...], exp_mat, (((0,), (0,)), ((), ())),
                            preferred_element_type=jnp.float32)

    kmod = (lax.broadcasted_iota(jnp.int32, (B, NBINS), 1) % K).astype(
        jnp.float32)
    onehot = (kmod == ybx).astype(jnp.float32)
    gated = onehot * jnp.maximum(lse - x - base, 0.0)
    out_ref[...] = (jnp.sum(gated * lambx) * (1.0 / (B * H))).reshape(1, 1)


_tc_call = pl.pallas_call(
    _tc_body,
    out_shape=jax.ShapeDtypeStruct((1, 1), jnp.float32),
)


def kernel(logits, lam, Y, idx):
    Y = Y.astype(jnp.int32)
    idx = idx.astype(jnp.int32)
    ysup = jnp.transpose(Y).reshape(NSUP, SUP)
    lamsup = jnp.transpose(lam).reshape(NSUP, SUP)
    hist, yb, lamb = _make_sc_call()(ysup, lamsup, idx)
    out = _tc_call(logits.reshape(B, H * K), hist, yb, lamb)
    return out[0, 0]

# --- scband reference (transcript-rebuilt; emitter-appended) ---
"""Pipeline reference for scband-jage-rloss-57397942944436 (READ-ONLY COPY).

The authoritative reference and input builder live on the scoring server;
editing this copy changes nothing except your own understanding.
"""

import jax, jax.numpy as jnp
import numpy as np

N = 100000
H = 4
K = 16
B = 4096
C = 1.0
LAM0 = 1.0


def setup_inputs(seed: int = 0) -> dict:
    key = jax.random.key(seed)
    k1, k2, k3 = jax.random.split(key, 3)
    # Y: constructor label tensor, values in [0, K)
    Y = jax.random.randint(k1, (N, H), 0, K)
    # idx: batch sample indices into the N rows
    idx = jax.random.randint(k2, (B,), 0, N)
    # logits: per-level class logits for the batch
    logits = jax.random.normal(k3, (B, H, K), dtype=jnp.float32)
    # lam: the per-sample, per-level lambda buffer (joint=False -> shape (N, H))
    lam = jnp.full((N, H), LAM0, dtype=jnp.float32)
    return {"logits": logits, "lam": lam, "Y": Y, "idx": idx}


def reference(logits, lam, Y, idx):
    # _level_counts: per-level histogram of labels via bincount (core histogram_binning op)
    counts = jnp.stack([jnp.bincount(Y[:, h], length=K) for h in range(H)], axis=0)  # [H, K]
    # thresholds base: counts.rsqrt().sqrt() * C == C * counts**(-1/4)
    base = C * jnp.power(counts.astype(jnp.float32), -0.25)  # [H, K]
    # per-level log-probabilities
    log_q = jax.nn.log_softmax(logits, axis=-1)  # [B, H, K]
    # gather batch labels
    yb = jnp.take(Y, idx, axis=0)  # [B, H]
    # per-level NLL for the true labels
    nll = -jnp.take_along_axis(log_q, yb[:, :, None], axis=-1)[..., 0]  # [B, H]
    # gather per-(level,label) thresholds
    thr = base[jnp.arange(H)[None, :], yb]  # [B, H]
    # threshold-gated hinge on the NLL, weighted by per-sample lambda
    gated = jnp.where(nll > thr, nll - thr, jnp.zeros_like(nll))
    lam_b = jnp.take(lam, idx, axis=0)  # [B, H]
    loss = jnp.mean(lam_b * gated)
    return loss

if __name__ == "__main__":
    import jax
    _d = setup_inputs()
    print(jax.jit(kernel)(*tuple(_d.values())))

</pallas_src>

<mosaic_0001>
#map = affine_map<(d0, d1) -> (0, 0)>
#map1 = affine_map<(d0, d1) -> (0)>
#map2 = affine_map<(d0, d1) -> (0, 0, 0)>
module attributes {stable_mosaic.version = 14 : i64} {
  func.func @_sc_body(%arg0: i32, %arg1: i32, %arg2: memref<25000x16xi32, #tpu.memory_space<hbm>>, %arg3: memref<25000x16xf32, #tpu.memory_space<hbm>>, %arg4: memref<4096xi32, #tpu.memory_space<hbm>>, %arg5: memref<32x64x16xi32, #tpu.memory_space<hbm>>, %arg6: memref<4x4096xi32, #tpu.memory_space<hbm>>, %arg7: memref<4x4096xf32, #tpu.memory_space<hbm>>, %arg8: memref<784x16xi32, #tpu.memory_space<vmem>>, %arg9: memref<64x16xi32, #tpu.memory_space<vmem>>, %arg10: memref<128xi32, #tpu.memory_space<vmem>>, %arg11: memref<4x128xi32, #tpu.memory_space<vmem>>, %arg12: memref<4x128x16xi32, #tpu.memory_space<vmem>>, %arg13: memref<4x128x16xf32, #tpu.memory_space<vmem>>, %arg14: memref<4x128xi32, #tpu.memory_space<vmem>>, %arg15: memref<4x128xf32, #tpu.memory_space<vmem>>, %arg16: memref<!tpu.dma_semaphore, #tpu.memory_space<semaphore_mem>>, %arg17: memref<!tpu.dma_semaphore, #tpu.memory_space<semaphore_mem>>) attributes {dimension_semantics = [#tpu.dimension_semantics<core_parallel>, #tpu.dimension_semantics<subcore_parallel>], iteration_bounds = array<i64: 2, 16>, scalar_prefetch = 0 : i64, scratch_operands = 10 : i64, tpu.core_type = #tpu.core_type<sc_vector_subcore>, window_params = [{transform_indices = #map}, {transform_indices = #map}, {transform_indices = #map1}, {transform_indices = #map2}, {transform_indices = #map}, {transform_indices = #map}]} {
    %mul3A = arith.constant 2 : i32
    %mul3A_0 = arith.muli %arg1, %mul3A : i32
    %add3A = arith.addi %mul3A_0, %arg0 : i32
    %iota3A = tpu.iota {dimensions = array<i32: 0>} : vector<16xi32>
    %mul3A_1 = arith.constant 128 : i32
    %mul3A_2 = arith.muli %add3A, %mul3A_1 : i32
    "tpu.region"() ({
      %run_scoped3A = tpu.sem_alloc : memref<!tpu.dma_semaphore, #tpu.memory_space<semaphore_mem>>
      %dma_start3A_1697 = tpu.memref_slice %arg4[%mul3A_2] : memref<4096xi32, #tpu.memory_space<hbm>> -> memref<128xi32, #tpu.memory_space<hbm>>
      %dma_start3A_1698 = tpu.memref_slice %arg4[%mul3A_2] : memref<4096xi32, #tpu.memory_space<hbm>> -> memref<128xi32, #tpu.memory_space<hbm>>
      tpu.enqueue_dma source(%dma_start3A_1698 : memref<128xi32, #tpu.memory_space<hbm>>) target(%arg10 : memref<128xi32, #tpu.memory_space<vmem>>) target_semaphore(%run_scoped3A : memref<!tpu.dma_semaphore, #tpu.memory_space<semaphore_mem>>)
      %dma_wait3A_1699 = tpu.memref_slice %arg4[%mul3A_2] : memref<4096xi32, #tpu.memory_space<hbm>> -> memref<128xi32, #tpu.memory_space<hbm>>
      %dma_wait3A_1700 = tpu.memref_slice %arg4[%mul3A_2] : memref<4096xi32, #tpu.memory_space<hbm>> -> memref<128xi32, #tpu.memory_space<hbm>>
      tpu.wait_dma2 semaphore(%run_scoped3A : memref<!tpu.dma_semaphore, #tpu.memory_space<semaphore_mem>>) src(%dma_wait3A_1700 : memref<128xi32, #tpu.memory_space<hbm>>) dst(%arg10 : memref<128xi32, #tpu.memory_space<vmem>>)
      tpu.yield
    }) : () -> ()
    %get3A = arith.constant 0 : index
    %get3A_3 = tpu.vector_load %arg10[%get3A] {strides = array<i32>} : memref<128xi32, #tpu.memory_space<vmem>>, vector<16xi32>,
    %jit3A = arith.constant 16 : i32
    %div3A = vector.broadcast %jit3A : i32 to vector<16xi32>
    %div3A_4 = arith.divsi %get3A_3, %div3A : vector<16xi32>
    %sign3A = arith.constant 0 : i32
    %sign3A_5 = vector.broadcast %sign3A : i32 to vector<16xi32>
    %sign3A_6 = arith.cmpi sgt, %get3A_3, %sign3A_5 : vector<16xi32>
    %sign3A_7 = arith.extui %sign3A_6 : vector<16xi1> to vector<16xi32>
    %sign3A_8 = arith.constant 0 : i32
    %sign3A_9 = vector.broadcast %sign3A_8 : i32 to vector<16xi32>
    %sign3A_10 = arith.cmpi slt, %get3A_3, %sign3A_9 : vector<16xi32>
    %sign3A_11 = arith.extui %sign3A_10 : vector<16xi1> to vector<16xi32>
    %sign3A_12 = arith.subi %sign3A_7, %sign3A_11 : vector<16xi32>
    %sign3A_13 = arith.constant 0 : i32
    %sign3A_14 = arith.cmpi sgt, %jit3A, %sign3A_13 : i32
    %sign3A_15 = arith.extui %sign3A_14 : i1 to i32
    %sign3A_16 = arith.constant 0 : i32
    %sign3A_17 = arith.cmpi slt, %jit3A, %sign3A_16 : i32
    %sign3A_18 = arith.extui %sign3A_17 : i1 to i32
    %sign3A_19 = arith.subi %sign3A_15, %sign3A_18 : i32
    %ne3A = vector.broadcast %sign3A_19 : i32 to vector<16xi32>
    %ne3A_20 = arith.cmpi ne, %sign3A_12, %ne3A : vector<16xi32>
    %rem3A = vector.broadcast %jit3A : i32 to vector<16xi32>
    %rem3A_21 = arith.remsi %get3A_3, %rem3A : vector<16xi32>
    %ne3A_22 = arith.constant 0 : i32
    %ne3A_23 = vector.broadcast %ne3A_22 : i32 to vector<16xi32>
    %ne3A_24 = arith.cmpi ne, %rem3A_21, %ne3A_23 : vector<16xi32>
    %and3A = arith.andi %ne3A_20, %ne3A_24 : vector<16xi1>
    %sub3A = arith.constant 1 : i32
    %sub3A_25 = vector.broadcast %sub3A : i32 to vector<16xi32>
    %sub3A_26 = arith.subi %div3A_4, %sub3A_25 : vector<16xi32>
    %select_n3A = arith.select %and3A, %sub3A_26, %div3A_4 : vector<16xi1>, vector<16xi32>
    %add3A_27 = arith.constant 0 : i32
    %add3A_28 = vector.broadcast %add3A_27 : i32 to vector<16xi32>
    %add3A_29 = arith.addi %select_n3A, %add3A_28 : vector<16xi32>
    %swap3A = arith.constant 0 : i32
    %swap3A_30 = arith.index_cast %swap3A : i32 to index
    %swap3A_31 = arith.constant 0 : index
    %swap3A_32 = tpu.vector_load %arg11[%swap3A_30, %swap3A_31] {strides = array<i32>} : memref<4x128xi32, #tpu.memory_space<vmem>>, vector<16xi32>,
    tpu.vector_store %arg11[%swap3A_30, %swap3A_31], %add3A_29 {strides = array<i32>} : memref<4x128xi32, #tpu.memory_space<vmem>>, vector<16xi32>,
    %add3A_33 = arith.constant 6250 : i32
    %add3A_34 = vector.broadcast %add3A_33 : i32 to vector<16xi32>
    %add3A_35 = arith.addi %select_n3A, %add3A_34 : vector<16xi32>
    %swap3A_36 = arith.constant 1 : i32
    %swap3A_37 = arith.index_cast %swap3A_36 : i32 to index
    %swap3A_38 = arith.constant 0 : index
    %swap3A_39 = tpu.vector_load %arg11[%swap3A_37, %swap3A_38] {strides = array<i32>} : memref<4x128xi32, #tpu.memory_space<vmem>>, vector<16xi32>,
    tpu.vector_store %arg11[%swap3A_37, %swap3A_38], %add3A_35 {strides = array<i32>} : memref<4x128xi32, #tpu.memory_space<vmem>>, vector<16xi32>,
    %add3A_40 = arith.constant 12500 : i32
    %add3A_41 = vector.broadcast %add3A_40 : i32 to vector<16xi32>
    %add3A_42 = arith.addi %select_n3A, %add3A_41 : vector<16xi32>
    %swap3A_43 = arith.constant 2 : i32
    %swap3A_44 = arith.index_cast %swap3A_43 : i32 to index
    %swap3A_45 = arith.constant 0 : index
    %swap3A_46 = tpu.vector_load %arg11[%swap3A_44, %swap3A_45] {strides = array<i32>} : memref<4x128xi32, #tpu.memory_space<vmem>>, vector<16xi32>,
    tpu.vector_store %arg11[%swap3A_44, %swap3A_45], %add3A_42 {strides = array<i32>} : memref<4x128xi32, #tpu.memory_space<vmem>>, vector<16xi32>,
    %add3A_47 = arith.constant 18750 : i32
    %add3A_48 = vector.broadcast %add3A_47 : i32 to vector<16xi32>
    %add3A_49 = arith.addi %select_n3A, %add3A_48 : vector<16xi32>
    %swap3A_50 = arith.constant 3 : i32
    %swap3A_51 = arith.index_cast %swap3A_50 : i32 to index
    %swap3A_52 = arith.constant 0 : index
    %swap3A_53 = tpu.vector_load %arg11[%swap3A_51, %swap3A_52] {strides = array<i32>} : memref<4x128xi32, #tpu.memory_space<vmem>>, vector<16xi32>,
    tpu.vector_store %arg11[%swap3A_51, %swap3A_52], %add3A_49 {strides = array<i32>} : memref<4x128xi32, #tpu.memory_space<vmem>>, vector<16xi32>,
    %get3A_54 = arith.constant 16 : index
    %get3A_55 = tpu.vector_load %arg10[%get3A_54] {strides = array<i32>} : memref<128xi32, #tpu.memory_space<vmem>>, vector<16xi32>,
    %jit3A_56 = arith.constant 16 : i32
    %div3A_57 = vector.broadcast %jit3A_56 : i32 to vector<16xi32>
    %div3A_58 = arith.divsi %get3A_55, %div3A_57 : vector<16xi32>
    %sign3A_59 = arith.constant 0 : i32
    %sign3A_60 = vector.broadcast %sign3A_59 : i32 to vector<16xi32>
    %sign3A_61 = arith.cmpi sgt, %get3A_55, %sign3A_60 : vector<16xi32>
    %sign3A_62 = arith.extui %sign3A_61 : vector<16xi1> to vector<16xi32>
    %sign3A_63 = arith.constant 0 : i32
    %sign3A_64 = vector.broadcast %sign3A_63 : i32 to vector<16xi32>
    %sign3A_65 = arith.cmpi slt, %get3A_55, %sign3A_64 : vector<16xi32>
    %sign3A_66 = arith.extui %sign3A_65 : vector<16xi1> to vector<16xi32>
    %sign3A_67 = arith.subi %sign3A_62, %sign3A_66 : vector<16xi32>
    %sign3A_68 = arith.constant 0 : i32
    %sign3A_69 = arith.cmpi sgt, %jit3A_56, %sign3A_68 : i32
    %sign3A_70 = arith.extui %sign3A_69 : i1 to i32
    %sign3A_71 = arith.constant 0 : i32
    %sign3A_72 = arith.cmpi slt, %jit3A_56, %sign3A_71 : i32
    %sign3A_73 = arith.extui %sign3A_72 : i1 to i32
    %sign3A_74 = arith.subi %sign3A_70, %sign3A_73 : i32
    %ne3A_75 = vector.broadcast %sign3A_74 : i32 to vector<16xi32>
    %ne3A_76 = arith.cmpi ne, %sign3A_67, %ne3A_75 : vector<16xi32>
    %rem3A_77 = vector.broadcast %jit3A_56 : i32 to vector<16xi32>
    %rem3A_78 = arith.remsi %get3A_55, %rem3A_77 : vector<16xi32>
    %ne3A_79 = arith.constant 0 : i32
    %ne3A_80 = vector.broadcast %ne3A_79 : i32 to vector<16xi32>
    %ne3A_81 = arith.cmpi ne, %rem3A_78, %ne3A_80 : vector<16xi32>
    %and3A_82 = arith.andi %ne3A_76, %ne3A_81 : vector<16xi1>
    %sub3A_83 = arith.constant 1 : i32
    %sub3A_84 = vector.broadcast %sub3A_83 : i32 to vector<16xi32>
    %sub3A_85 = arith.subi %div3A_58, %sub3A_84 : vector<16xi32>
    %select_n3A_86 = arith.select %and3A_82, %sub3A_85, %div3A_58 : vector<16xi1>, vector<16xi32>
    %add3A_87 = arith.constant 0 : i32
    %add3A_88 = vector.broadcast %add3A_87 : i32 to vector<16xi32>
    %add3A_89 = arith.addi %select_n3A_86, %add3A_88 : vector<16xi32>
    %swap3A_90 = arith.constant 0 : i32
    %swap3A_91 = arith.index_cast %swap3A_90 : i32 to index
    %swap3A_92 = arith.constant 16 : index
    %swap3A_93 = tpu.vector_load %arg11[%swap3A_91, %swap3A_92] {strides = array<i32>} : memref<4x128xi32, #tpu.memory_space<vmem>>, vector<16xi32>,
    tpu.vector_store %arg11[%swap3A_91, %swap3A_92], %add3A_89 {strides = array<i32>} : memref<4x128xi32, #tpu.memory_space<vmem>>, vector<16xi32>,
    %add3A_94 = arith.constant 6250 : i32
    %add3A_95 = vector.broadcast %add3A_94 : i32 to vector<16xi32>
    %add3A_96 = arith.addi %select_n3A_86, %add3A_95 : vector<16xi32>
    %swap3A_97 = arith.constant 1 : i32
    %swap3A_98 = arith.index_cast %swap3A_97 : i32 to index
    %swap3A_99 = arith.constant 16 : index
    %swap3A_100 = tpu.vector_load %arg11[%swap3A_98, %swap3A_99] {strides = array<i32>} : memref<4x128xi32, #tpu.memory_space<vmem>>, vector<16xi32>,
    tpu.vector_store %arg11[%swap3A_98, %swap3A_99], %add3A_96 {strides = array<i32>} : memref<4x128xi32, #tpu.memory_space<vmem>>, vector<16xi32>,
    %add3A_101 = arith.constant 12500 : i32
    %add3A_102 = vector.broadcast %add3A_101 : i32 to vector<16xi32>
    %add3A_103 = arith.addi %select_n3A_86, %add3A_102 : vector<16xi32>
    %swap3A_104 = arith.constant 2 : i32
    %swap3A_105 = arith.index_cast %swap3A_104 : i32 to index
    %swap3A_106 = arith.constant 16 : index
    %swap3A_107 = tpu.vector_load %arg11[%swap3A_105, %swap3A_106] {strides = array<i32>} : memref<4x128xi32, #tpu.memory_space<vmem>>, vector<16xi32>,
    tpu.vector_store %arg11[%swap3A_105, %swap3A_106], %add3A_103 {strides = array<i32>} : memref<4x128xi32, #tpu.memory_space<vmem>>, vector<16xi32>,
    %add3A_108 = arith.constant 18750 : i32
    %add3A_109 = vector.broadcast %add3A_108 : i32 to vector<16xi32>
    %add3A_110 = arith.addi %select_n3A_86, %add3A_109 : vector<16xi32>
    %swap3A_111 = arith.constant 3 : i32
    %swap3A_112 = arith.index_cast %swap3A_111 : i32 to index
    %swap3A_113 = arith.constant 16 : index
    %swap3A_114 = tpu.vector_load %arg11[%swap3A_112, %swap3A_113] {strides = array<i32>} : memref<4x128xi32, #tpu.memory_space<vmem>>, vector<16xi32>,
    tpu.vector_store %arg11[%swap3A_112, %swap3A_113], %add3A_110 {strides = array<i32>} : memref<4x128xi32, #tpu.memory_space<vmem>>, vector<16xi32>,
    %get3A_115 = arith.constant 32 : index
    %get3A_116 = tpu.vector_load %arg10[%get3A_115] {strides = array<i32>} : memref<128xi32, #tpu.memory_space<vmem>>, vector<16xi32>,
    %jit3A_117 = arith.constant 16 : i32
    %div3A_118 = vector.broadcast %jit3A_117 : i32 to vector<16xi32>
    %div3A_119 = arith.divsi %get3A_116, %div3A_118 : vector<16xi32>
    %sign3A_120 = arith.constant 0 : i32
    %sign3A_121 = vector.broadcast %sign3A_120 : i32 to vector<16xi32>
    %sign3A_122 = arith.cmpi sgt, %get3A_116, %sign3A_121 : vector<16xi32>
    %sign3A_123 = arith.extui %sign3A_122 : vector<16xi1> to vector<16xi32>
    %sign3A_124 = arith.constant 0 : i32
    %sign3A_125 = vector.broadcast %sign3A_124 : i32 to vector<16xi32>
    %sign3A_126 = arith.cmpi slt, %get3A_116, %sign3A_125 : vector<16xi32>
    %sign3A_127 = arith.extui %sign3A_126 : vector<16xi1> to vector<16xi32>
    %sign3A_128 = arith.subi %sign3A_123, %sign3A_127 : vector<16xi32>
    %sign3A_129 = arith.constant 0 : i32
    %sign3A_130 = arith.cmpi sgt, %jit3A_117, %sign3A_129 : i32
    %sign3A_131 = arith.extui %sign3A_130 : i1 to i32
    %sign3A_132 = arith.constant 0 : i32
    %sign3A_133 = arith.cmpi slt, %jit3A_117, %sign3A_132 : i32
    %sign3A_134 = arith.extui %sign3A_133 : i1 to i32
    %sign3A_135 = arith.subi %sign3A_131, %sign3A_134 : i32
    %ne3A_136 = vector.broadcast %sign3A_135 : i32 to vector<16xi32>
    %ne3A_137 = arith.cmpi ne, %sign3A_128, %ne3A_136 : vector<16xi32>
    %rem3A_138 = vector.broadcast %jit3A_117 : i32 to vector<16xi32>
    %rem3A_139 = arith.remsi %get3A_116, %rem3A_138 : vector<16xi32>
    %ne3A_140 = arith.constant 0 : i32
    %ne3A_141 = vector.broadcast %ne3A_140 : i32 to vector<16xi32>
    %ne3A_142 = arith.cmpi ne, %rem3A_139, %ne3A_141 : vector<16xi32>
    %and3A_143 = arith.andi %ne3A_137, %ne3A_142 : vector<16xi1>
    %sub3A_144 = arith.constant 1 : i32
    %sub3A_145 = vector.broadcast %sub3A_144 : i32 to vector<16xi32>
    %sub3A_146 = arith.subi %div3A_119, %sub3A_145 : vector<16xi32>
    %select_n3A_147 = arith.select %and3A_143, %sub3A_146, %div3A_119 : vector<16xi1>, vector<16xi32>
    %add3A_148 = arith.constant 0 : i32
    %add3A_149 = vector.broadcast %add3A_148 : i32 to vector<16xi32>
    %add3A_150 = arith.addi %select_n3A_147, %add3A_149 : vector<16xi32>
    %swap3A_151 = arith.constant 0 : i32
    %swap3A_152 = arith.index_cast %swap3A_151 : i32 to index
    %swap3A_153 = arith.constant 32 : index
    %swap3A_154 = tpu.vector_load %arg11[%swap3A_152, %swap3A_153] {strides = array<i32>} : memref<4x128xi32, #tpu.memory_space<vmem>>, vector<16xi32>,
    tpu.vector_store %arg11[%swap3A_152, %swap3A_153], %add3A_150 {strides = array<i32>} : memref<4x128xi32, #tpu.memory_space<vmem>>, vector<16xi32>,
    %add3A_155 = arith.constant 6250 : i32
    %add3A_156 = vector.broadcast %add3A_155 : i32 to vector<16xi32>
    %add3A_157 = arith.addi %select_n3A_147, %add3A_156 : vector<16xi32>
    %swap3A_158 = arith.constant 1 : i32
    %swap3A_159 = arith.index_cast %swap3A_158 : i32 to index
    %swap3A_160 = arith.constant 32 : index
    %swap3A_161 = tpu.vector_load %arg11[%swap3A_159, %swap3A_160] {strides = array<i32>} : memref<4x128xi32, #tpu.memory_space<vmem>>, vector<16xi32>,
    tpu.vector_store %arg11[%swap3A_159, %swap3A_160], %add3A_157 {strides = array<i32>} : memref<4x128xi32, #tpu.memory_space<vmem>>, vector<16xi32>,
    %add3A_162 = arith.constant 12500 : i32
    %add3A_163 = vector.broadcast %add3A_162 : i32 to vector<16xi32>
    %add3A_164 = arith.addi %select_n3A_147, %add3A_163 : vector<16xi32>
    %swap3A_165 = arith.constant 2 : i32
    %swap3A_166 = arith.index_cast %swap3A_165 : i32 to index
    %swap3A_167 = arith.constant 32 : index
    %swap3A_168 = tpu.vector_load %arg11[%swap3A_166, %swap3A_167] {strides = array<i32>} : memref<4x128xi32, #tpu.memory_space<vmem>>, vector<16xi32>,
    tpu.vector_store %arg11[%swap3A_166, %swap3A_167], %add3A_164 {strides = array<i32>} : memref<4x128xi32, #tpu.memory_space<vmem>>, vector<16xi32>,
    %add3A_169 = arith.constant 18750 : i32
    %add3A_170 = vector.broadcast %add3A_169 : i32 to vector<16xi32>
    %add3A_171 = arith.addi %select_n3A_147, %add3A_170 : vector<16xi32>
    %swap3A_172 = arith.constant 3 : i32
    %swap3A_173 = arith.index_cast %swap3A_172 : i32 to index
    %swap3A_174 = arith.constant 32 : index
    %swap3A_175 = tpu.vector_load %arg11[%swap3A_173, %swap3A_174] {strides = array<i32>} : memref<4x128xi32, #tpu.memory_space<vmem>>, vector<16xi32>,
    tpu.vector_store %arg11[%swap3A_173, %swap3A_174], %add3A_171 {strides = array<i32>} : memref<4x128xi32, #tpu.memory_space<vmem>>, vector<16xi32>,
    %get3A_176 = arith.constant 48 : index
    %get3A_177 = tpu.vector_load %arg10[%get3A_176] {strides = array<i32>} : memref<128xi32, #tpu.memory_space<vmem>>, vector<16xi32>,
    %jit3A_178 = arith.constant 16 : i32
    %div3A_179 = vector.broadcast %jit3A_178 : i32 to vector<16xi32>
    %div3A_180 = arith.divsi %get3A_177, %div3A_179 : vector<16xi32>
    %sign3A_181 = arith.constant 0 : i32
    %sign3A_182 = vector.broadcast %sign3A_181 : i32 to vector<16xi32>
    %sign3A_183 = arith.cmpi sgt, %get3A_177, %sign3A_182 : vector<16xi32>
    %sign3A_184 = arith.extui %sign3A_183 : vector<16xi1> to vector<16xi32>
    %sign3A_185 = arith.constant 0 : i32
    %sign3A_186 = vector.broadcast %sign3A_185 : i32 to vector<16xi32>
    %sign3A_187 = arith.cmpi slt, %get3A_177, %sign3A_186 : vector<16xi32>
    %sign3A_188 = arith.extui %sign3A_187 : vector<16xi1> to vector<16xi32>
    %sign3A_189 = arith.subi %sign3A_184, %sign3A_188 : vector<16xi32>
    %sign3A_190 = arith.constant 0 : i32
    %sign3A_191 = arith.cmpi sgt, %jit3A_178, %sign3A_190 : i32
    %sign3A_192 = arith.extui %sign3A_191 : i1 to i32
    %sign3A_193 = arith.constant 0 : i32
    %sign3A_194 = arith.cmpi slt, %jit3A_178, %sign3A_193 : i32
    %sign3A_195 = arith.extui %sign3A_194 : i1 to i32
    %sign3A_196 = arith.subi %sign3A_192, %sign3A_195 : i32
    %ne3A_197 = vector.broadcast %sign3A_196 : i32 to vector<16xi32>
    %ne3A_198 = arith.cmpi ne, %sign3A_189, %ne3A_197 : vector<16xi32>
    %rem3A_199 = vector.broadcast %jit3A_178 : i32 to vector<16xi32>
    %rem3A_200 = arith.remsi %get3A_177, %rem3A_199 : vector<16xi32>
    %ne3A_201 = arith.constant 0 : i32
    %ne3A_202 = vector.broadcast %ne3A_201 : i32 to vector<16xi32>
    %ne3A_203 = arith.cmpi ne, %rem3A_200, %ne3A_202 : vector<16xi32>
    %and3A_204 = arith.andi %ne3A_198, %ne3A_203 : vector<16xi1>
    %sub3A_205 = arith.constant 1 : i32
    %sub3A_206 = vector.broadcast %sub3A_205 : i32 to vector<16xi32>
    %sub3A_207 = arith.subi %div3A_180, %sub3A_206 : vector<16xi32>
    %select_n3A_208 = arith.select %and3A_204, %sub3A_207, %div3A_180 : vector<16xi1>, vector<16xi32>
    %add3A_209 = arith.constant 0 : i32
    %add3A_210 = vector.broadcast %add3A_209 : i32 to vector<16xi32>
    %add3A_211 = arith.addi %select_n3A_208, %add3A_210 : vector<16xi32>
    %swap3A_212 = arith.constant 0 : i32
    %swap3A_213 = arith.index_cast %swap3A_212 : i32 to index
    %swap3A_214 = arith.constant 48 : index
    %swap3A_215 = tpu.vector_load %arg11[%swap3A_213, %swap3A_214] {strides = array<i32>} : memref<4x128xi32, #tpu.memory_space<vmem>>, vector<16xi32>,
    tpu.vector_store %arg11[%swap3A_213, %swap3A_214], %add3A_211 {strides = array<i32>} : memref<4x128xi32, #tpu.memory_space<vmem>>, vector<16xi32>,
    %add3A_216 = arith.constant 6250 : i32
    %add3A_217 = vector.broadcast %add3A_216 : i32 to vector<16xi32>
    %add3A_218 = arith.addi %select_n3A_208, %add3A_217 : vector<16xi32>
    %swap3A_219 = arith.constant 1 : i32
    %swap3A_220 = arith.index_cast %swap3A_219 : i32 to index
    %swap3A_221 = arith.constant 48 : index
    %swap3A_222 = tpu.vector_load %arg11[%swap3A_220, %swap3A_221] {strides = array<i32>} : memref<4x128xi32, #tpu.memory_space<vmem>>, vector<16xi32>,
    tpu.vector_store %arg11[%swap3A_220, %swap3A_221], %add3A_218 {strides = array<i32>} : memref<4x128xi32, #tpu.memory_space<vmem>>, vector<16xi32>,
    %add3A_223 = arith.constant 12500 : i32
    %add3A_224 = vector.broadcast %add3A_223 : i32 to vector<16xi32>
    %add3A_225 = arith.addi %select_n3A_208, %add3A_224 : vector<16xi32>
    %swap3A_226 = arith.constant 2 : i32
    %swap3A_227 = arith.index_cast %swap3A_226 : i32 to index
    %swap3A_228 = arith.constant 48 : index
    %swap3A_229 = tpu.vector_load %arg11[%swap3A_227, %swap3A_228] {strides = array<i32>} : memref<4x128xi32, #tpu.memory_space<vmem>>, vector<16xi32>,
    tpu.vector_store %arg11[%swap3A_227, %swap3A_228], %add3A_225 {strides = array<i32>} : memref<4x128xi32, #tpu.memory_space<vmem>>, vector<16xi32>,
    %add3A_230 = arith.constant 18750 : i32
    %add3A_231 = vector.broadcast %add3A_230 : i32 to vector<16xi32>
    %add3A_232 = arith.addi %select_n3A_208, %add3A_231 : vector<16xi32>
    %swap3A_233 = arith.constant 3 : i32
    %swap3A_234 = arith.index_cast %swap3A_233 : i32 to index
    %swap3A_235 = arith.constant 48 : index
    %swap3A_236 = tpu.vector_load %arg11[%swap3A_234, %swap3A_235] {strides = array<i32>} : memref<4x128xi32, #tpu.memory_space<vmem>>, vector<16xi32>,
    tpu.vector_store %arg11[%swap3A_234, %swap3A_235], %add3A_232 {strides = array<i32>} : memref<4x128xi32, #tpu.memory_space<vmem>>, vector<16xi32>,
    %get3A_237 = arith.constant 64 : index
    %get3A_238 = tpu.vector_load %arg10[%get3A_237] {strides = array<i32>} : memref<128xi32, #tpu.memory_space<vmem>>, vector<16xi32>,
    %jit3A_239 = arith.constant 16 : i32
    %div3A_240 = vector.broadcast %jit3A_239 : i32 to vector<16xi32>
    %div3A_241 = arith.divsi %get3A_238, %div3A_240 : vector<16xi32>
    %sign3A_242 = arith.constant 0 : i32
    %sign3A_243 = vector.broadcast %sign3A_242 : i32 to vector<16xi32>
    %sign3A_244 = arith.cmpi sgt, %get3A_238, %sign3A_243 : vector<16xi32>
    %sign3A_245 = arith.extui %sign3A_244 : vector<16xi1> to vector<16xi32>
    %sign3A_246 = arith.constant 0 : i32
    %sign3A_247 = vector.broadcast %sign3A_246 : i32 to vector<16xi32>
    %sign3A_248 = arith.cmpi slt, %get3A_238, %sign3A_247 : vector<16xi32>
    %sign3A_249 = arith.extui %sign3A_248 : vector<16xi1> to vector<16xi32>
    %sign3A_250 = arith.subi %sign3A_245, %sign3A_249 : vector<16xi32>
    %sign3A_251 = arith.constant 0 : i32
    %sign3A_252 = arith.cmpi sgt, %jit3A_239, %sign3A_251 : i32
    %sign3A_253 = arith.extui %sign3A_252 : i1 to i32
    %sign3A_254 = arith.constant 0 : i32
    %sign3A_255 = arith.cmpi slt, %jit3A_239, %sign3A_254 : i32
    %sign3A_256 = arith.extui %sign3A_255 : i1 to i32
    %sign3A_257 = arith.subi %sign3A_253, %sign3A_256 : i32
    %ne3A_258 = vector.broadcast %sign3A_257 : i32 to vector<16xi32>
    %ne3A_259 = arith.cmpi ne, %sign3A_250, %ne3A_258 : vector<16xi32>
    %rem3A_260 = vector.broadcast %jit3A_239 : i32 to vector<16xi32>
    %rem3A_261 = arith.remsi %get3A_238, %rem3A_260 : vector<16xi32>
    %ne3A_262 = arith.constant 0 : i32
    %ne3A_263 = vector.broadcast %ne3A_262 : i32 to vector<16xi32>
    %ne3A_264 = arith.cmpi ne, %rem3A_261, %ne3A_263 : vector<16xi32>
    %and3A_265 = arith.andi %ne3A_259, %ne3A_264 : vector<16xi1>
    %sub3A_266 = arith.constant 1 : i32
    %sub3A_267 = vector.broadcast %sub3A_266 : i32 to vector<16xi32>
    %sub3A_268 = arith.subi %div3A_241, %sub3A_267 : vector<16xi32>
    %select_n3A_269 = arith.select %and3A_265, %sub3A_268, %div3A_241 : vector<16xi1>, vector<16xi32>
    %add3A_270 = arith.constant 0 : i32
    %add3A_271 = vector.broadcast %add3A_270 : i32 to vector<16xi32>
    %add3A_272 = arith.addi %select_n3A_269, %add3A_271 : vector<16xi32>
    %swap3A_273 = arith.constant 0 : i32
    %swap3A_274 = arith.index_cast %swap3A_273 : i32 to index
    %swap3A_275 = arith.constant 64 : index
    %swap3A_276 = tpu.vector_load %arg11[%swap3A_274, %swap3A_275] {strides = array<i32>} : memref<4x128xi32, #tpu.memory_space<vmem>>, vector<16xi32>,
    tpu.vector_store %arg11[%swap3A_274, %swap3A_275], %add3A_272 {strides = array<i32>} : memref<4x128xi32, #tpu.memory_space<vmem>>, vector<16xi32>,
    %add3A_277 = arith.constant 6250 : i32
    %add3A_278 = vector.broadcast %add3A_277 : i32 to vector<16xi32>
    %add3A_279 = arith.addi %select_n3A_269, %add3A_278 : vector<16xi32>
    %swap3A_280 = arith.constant 1 : i32
    %swap3A_281 = arith.index_cast %swap3A_280 : i32 to index
    %swap3A_282 = arith.constant 64 : index
    %swap3A_283 = tpu.vector_load %arg11[%swap3A_281, %swap3A_282] {strides = array<i32>} : memref<4x128xi32, #tpu.memory_space<vmem>>, vector<16xi32>,
    tpu.vector_store %arg11[%swap3A_281, %swap3A_282], %add3A_279 {strides = array<i32>} : memref<4x128xi32, #tpu.memory_space<vmem>>, vector<16xi32>,
    %add3A_284 = arith.constant 12500 : i32
    %add3A_285 = vector.broadcast %add3A_284 : i32 to vector<16xi32>
    %add3A_286 = arith.addi %select_n3A_269, %add3A_285 : vector<16xi32>
    %swap3A_287 = arith.constant 2 : i32
    %swap3A_288 = arith.index_cast %swap3A_287 : i32 to index
    %swap3A_289 = arith.constant 64 : index
    %swap3A_290 = tpu.vector_load %arg11[%swap3A_288, %swap3A_289] {strides = array<i32>} : memref<4x128xi32, #tpu.memory_space<vmem>>, vector<16xi32>,
    tpu.vector_store %arg11[%swap3A_288, %swap3A_289], %add3A_286 {strides = array<i32>} : memref<4x128xi32, #tpu.memory_space<vmem>>, vector<16xi32>,
    %add3A_291 = arith.constant 18750 : i32
    %add3A_292 = vector.broadcast %add3A_291 : i32 to vector<16xi32>
    %add3A_293 = arith.addi %select_n3A_269, %add3A_292 : vector<16xi32>
    %swap3A_294 = arith.constant 3 : i32
    %swap3A_295 = arith.index_cast %swap3A_294 : i32 to index
    %swap3A_296 = arith.constant 64 : index
    %swap3A_297 = tpu.vector_load %arg11[%swap3A_295, %swap3A_296] {strides = array<i32>} : memref<4x128xi32, #tpu.memory_space<vmem>>, vector<16xi32>,
    tpu.vector_store %arg11[%swap3A_295, %swap3A_296], %add3A_293 {strides = array<i32>} : memref<4x128xi32, #tpu.memory_space<vmem>>, vector<16xi32>,
    %get3A_298 = arith.constant 80 : index
    %get3A_299 = tpu.vector_load %arg10[%get3A_298] {strides = array<i32>} : memref<128xi32, #tpu.memory_space<vmem>>, vector<16xi32>,
    %jit3A_300 = arith.constant 16 : i32
    %div3A_301 = vector.broadcast %jit3A_300 : i32 to vector<16xi32>
    %div3A_302 = arith.divsi %get3A_299, %div3A_301 : vector<16xi32>
    %sign3A_303 = arith.constant 0 : i32
    %sign3A_304 = vector.broadcast %sign3A_303 : i32 to vector<16xi32>
    %sign3A_305 = arith.cmpi sgt, %get3A_299, %sign3A_304 : vector<16xi32>
    %sign3A_306 = arith.extui %sign3A_305 : vector<16xi1> to vector<16xi32>
    %sign3A_307 = arith.constant 0 : i32
    %sign3A_308 = vector.broadcast %sign3A_307 : i32 to vector<16xi32>
    %sign3A_309 = arith.cmpi slt, %get3A_299, %sign3A_308 : vector<16xi32>
    %sign3A_310 = arith.extui %sign3A_309 : vector<16xi1> to vector<16xi32>
    %sign3A_311 = arith.subi %sign3A_306, %sign3A_310 : vector<16xi32>
    %sign3A_312 = arith.constant 0 : i32
    %sign3A_313 = arith.cmpi sgt, %jit3A_300, %sign3A_312 : i32
    %sign3A_314 = arith.extui %sign3A_313 : i1 to i32
    %sign3A_315 = arith.constant 0 : i32
    %sign3A_316 = arith.cmpi slt, %jit3A_300, %sign3A_315 : i32
    %sign3A_317 = arith.extui %sign3A_316 : i1 to i32
    %sign3A_318 = arith.subi %sign3A_314, %sign3A_317 : i32
    %ne3A_319 = vector.broadcast %sign3A_318 : i32 to vector<16xi32>
    %ne3A_320 = arith.cmpi ne, %sign3A_311, %ne3A_319 : vector<16xi32>
    %rem3A_321 = vector.broadcast %jit3A_300 : i32 to vector<16xi32>
    %rem3A_322 = arith.remsi %get3A_299, %rem3A_321 : vector<16xi32>
    %ne3A_323 = arith.constant 0 : i32
    %ne3A_324 = vector.broadcast %ne3A_323 : i32 to vector<16xi32>
    %ne3A_325 = arith.cmpi ne, %rem3A_322, %ne3A_324 : vector<16xi32>
    %and3A_326 = arith.andi %ne3A_320, %ne3A_325 : vector<16xi1>
    %sub3A_327 = arith.constant 1 : i32
    %sub3A_328 = vector.broadcast %sub3A_327 : i32 to vector<16xi32>
    %sub3A_329 = arith.subi %div3A_302, %sub3A_328 : vector<16xi32>
    %select_n3A_330 = arith.select %and3A_326, %sub3A_329, %div3A_302 : vector<16xi1>, vector<16xi32>
    %add3A_331 = arith.constant 0 : i32
    %add3A_332 = vector.broadcast %add3A_331 : i32 to vector<16xi32>
    %add3A_333 = arith.addi %select_n3A_330, %add3A_332 : vector<16xi32>
    %swap3A_334 = arith.constant 0 : i32
    %swap3A_335 = arith.index_cast %swap3A_334 : i32 to index
    %swap3A_336 = arith.constant 80 : index
    %swap3A_337 = tpu.vector_load %arg11[%swap3A_335, %swap3A_336] {strides = array<i32>} : memref<4x128xi32, #tpu.memory_space<vmem>>, vector<16xi32>,
    tpu.vector_store %arg11[%swap3A_335, %swap3A_336], %add3A_333 {strides = array<i32>} : memref<4x128xi32, #tpu.memory_space<vmem>>, vector<16xi32>,
    %add3A_338 = arith.constant 6250 : i32
    %add3A_339 = vector.broadcast %add3A_338 : i32 to vector<16xi32>
    %add3A_340 = arith.addi %select_n3A_330, %add3A_339 : vector<16xi32>
    %swap3A_341 = arith.constant 1 : i32
    %swap3A_342 = arith.index_cast %swap3A_341 : i32 to index
    %swap3A_343 = arith.constant 80 : index
    %swap3A_344 = tpu.vector_load %arg11[%swap3A_342, %swap3A_343] {strides = array<i32>} : memref<4x128xi32, #tpu.memory_space<vmem>>, vector<16xi32>,
    tpu.vector_store %arg11[%swap3A_342, %swap3A_343], %add3A_340 {strides = array<i32>} : memref<4x128xi32, #tpu.memory_space<vmem>>, vector<16xi32>,
    %add3A_345 = arith.constant 12500 : i32
    %add3A_346 = vector.broadcast %add3A_345 : i32 to vector<16xi32>
    %add3A_347 = arith.addi %select_n3A_330, %add3A_346 : vector<16xi32>
    %swap3A_348 = arith.constant 2 : i32
    %swap3A_349 = arith.index_cast %swap3A_348 : i32 to index
    %swap3A_350 = arith.constant 80 : index
    %swap3A_351 = tpu.vector_load %arg11[%swap3A_349, %swap3A_350] {strides = array<i32>} : memref<4x128xi32, #tpu.memory_space<vmem>>, vector<16xi32>,
    tpu.vector_store %arg11[%swap3A_349, %swap3A_350], %add3A_347 {strides = array<i32>} : memref<4x128xi32, #tpu.memory_space<vmem>>, vector<16xi32>,
    %add3A_352 = arith.constant 18750 : i32
    %add3A_353 = vector.broadcast %add3A_352 : i32 to vector<16xi32>
    %add3A_354 = arith.addi %select_n3A_330, %add3A_353 : vector<16xi32>
    %swap3A_355 = arith.constant 3 : i32
    %swap3A_356 = arith.index_cast %swap3A_355 : i32 to index
    %swap3A_357 = arith.constant 80 : index
    %swap3A_358 = tpu.vector_load %arg11[%swap3A_356, %swap3A_357] {strides = array<i32>} : memref<4x128xi32, #tpu.memory_space<vmem>>, vector<16xi32>,
    tpu.vector_store %arg11[%swap3A_356, %swap3A_357], %add3A_354 {strides = array<i32>} : memref<4x128xi32, #tpu.memory_space<vmem>>, vector<16xi32>,
    %get3A_359 = arith.constant 96 : index
    %get3A_360 = tpu.vector_load %arg10[%get3A_359] {strides = array<i32>} : memref<128xi32, #tpu.memory_space<vmem>>, vector<16xi32>,
    %jit3A_361 = arith.constant 16 : i32
    %div3A_362 = vector.broadcast %jit3A_361 : i32 to vector<16xi32>
    %div3A_363 = arith.divsi %get3A_360, %div3A_362 : vector<16xi32>
    %sign3A_364 = arith.constant 0 : i32
    %sign3A_365 = vector.broadcast %sign3A_364 : i32 to vector<16xi32>
    %sign3A_366 = arith.cmpi sgt, %get3A_360, %sign3A_365 : vector<16xi32>
    %sign3A_367 = arith.extui %sign3A_366 : vector<16xi1> to vector<16xi32>
    %sign3A_368 = arith.constant 0 : i32
    %sign3A_369 = vector.broadcast %sign3A_368 : i32 to vector<16xi32>
    %sign3A_370 = arith.cmpi slt, %get3A_360, %sign3A_369 : vector<16xi32>
    %sign3A_371 = arith.extui %sign3A_370 : vector<16xi1> to vector<16xi32>
    %sign3A_372 = arith.subi %sign3A_367, %sign3A_371 : vector<16xi32>
    %sign3A_373 = arith.constant 0 : i32
    %sign3A_374 = arith.cmpi sgt, %jit3A_361, %sign3A_373 : i32
    %sign3A_375 = arith.extui %sign3A_374 : i1 to i32
    %sign3A_376 = arith.constant 0 : i32
    %sign3A_377 = arith.cmpi slt, %jit3A_361, %sign3A_376 : i32
    %sign3A_378 = arith.extui %sign3A_377 : i1 to i32
    %sign3A_379 = arith.subi %sign3A_375, %sign3A_378 : i32
    %ne3A_380 = vector.broadcast %sign3A_379 : i32 to vector<16xi32>
    %ne3A_381 = arith.cmpi ne, %sign3A_372, %ne3A_380 : vector<16xi32>
    %rem3A_382 = vector.broadcast %jit3A_361 : i32 to vector<16xi32>
    %rem3A_383 = arith.remsi %get3A_360, %rem3A_382 : vector<16xi32>
    %ne3A_384 = arith.constant 0 : i32
    %ne3A_385 = vector.broadcast %ne3A_384 : i32 to vector<16xi32>
    %ne3A_386 = arith.cmpi ne, %rem3A_383, %ne3A_385 : vector<16xi32>
    %and3A_387 = arith.andi %ne3A_381, %ne3A_386 : vector<16xi1>
    %sub3A_388 = arith.constant 1 : i32
    %sub3A_389 = vector.broadcast %sub3A_388 : i32 to vector<16xi32>
    %sub3A_390 = arith.subi %div3A_363, %sub3A_389 : vector<16xi32>
    %select_n3A_391 = arith.select %and3A_387, %sub3A_390, %div3A_363 : vector<16xi1>, vector<16xi32>
    %add3A_392 = arith.constant 0 : i32
    %add3A_393 = vector.broadcast %add3A_392 : i32 to vector<16xi32>
    %add3A_394 = arith.addi %select_n3A_391, %add3A_393 : vector<16xi32>
    %swap3A_395 = arith.constant 0 : i32
    %swap3A_396 = arith.index_cast %swap3A_395 : i32 to index
    %swap3A_397 = arith.constant 96 : index
    %swap3A_398 = tpu.vector_load %arg11[%swap3A_396, %swap3A_397] {strides = array<i32>} : memref<4x128xi32, #tpu.memory_space<vmem>>, vector<16xi32>,
    tpu.vector_store %arg11[%swap3A_396, %swap3A_397], %add3A_394 {strides = array<i32>} : memref<4x128xi32, #tpu.memory_space<vmem>>, vector<16xi32>,
    %add3A_399 = arith.constant 6250 : i32
    %add3A_400 = vector.broadcast %add3A_399 : i32 to vector<16xi32>
    %add3A_401 = arith.addi %select_n3A_391, %add3A_400 : vector<16xi32>
    %swap3A_402 = arith.constant 1 : i32
    %swap3A_403 = arith.index_cast %swap3A_402 : i32 to index
    %swap3A_404 = arith.constant 96 : index
    %swap3A_405 = tpu.vector_load %arg11[%swap3A_403, %swap3A_404] {strides = array<i32>} : memref<4x128xi32, #tpu.memory_space<vmem>>, vector<16xi32>,
    tpu.vector_store %arg11[%swap3A_403, %swap3A_404], %add3A_401 {strides = array<i32>} : memref<4x128xi32, #tpu.memory_space<vmem>>, vector<16xi32>,
    %add3A_406 = arith.constant 12500 : i32
    %add3A_407 = vector.broadcast %add3A_406 : i32 to vector<16xi32>
    %add3A_408 = arith.addi %select_n3A_391, %add3A_407 : vector<16xi32>
    %swap3A_409 = arith.constant 2 : i32
    %swap3A_410 = arith.index_cast %swap3A_409 : i32 to index
    %swap3A_411 = arith.constant 96 : index
    %swap3A_412 = tpu.vector_load %arg11[%swap3A_410, %swap3A_411] {strides = array<i32>} : memref<4x128xi32, #tpu.memory_space<vmem>>, vector<16xi32>,
    tpu.vector_store %arg11[%swap3A_410, %swap3A_411], %add3A_408 {strides = array<i32>} : memref<4x128xi32, #tpu.memory_space<vmem>>, vector<16xi32>,
    %add3A_413 = arith.constant 18750 : i32
    %add3A_414 = vector.broadcast %add3A_413 : i32 to vector<16xi32>
    %add3A_415 = arith.addi %select_n3A_391, %add3A_414 : vector<16xi32>
    %swap3A_416 = arith.constant 3 : i32
    %swap3A_417 = arith.index_cast %swap3A_416 : i32 to index
    %swap3A_418 = arith.constant 96 : index
    %swap3A_419 = tpu.vector_load %arg11[%swap3A_417, %swap3A_418] {strides = array<i32>} : memref<4x128xi32, #tpu.memory_space<vmem>>, vector<16xi32>,
    tpu.vector_store %arg11[%swap3A_417, %swap3A_418], %add3A_415 {strides = array<i32>} : memref<4x128xi32, #tpu.memory_space<vmem>>, vector<16xi32>,
    %get3A_420 = arith.constant 112 : index
    %get3A_421 = tpu.vector_load %arg10[%get3A_420] {strides = array<i32>} : memref<128xi32, #tpu.memory_space<vmem>>, vector<16xi32>,
    %jit3A_422 = arith.constant 16 : i32
    %div3A_423 = vector.broadcast %jit3A_422 : i32 to vector<16xi32>
    %div3A_424 = arith.divsi %get3A_421, %div3A_423 : vector<16xi32>
    %sign3A_425 = arith.constant 0 : i32
    %sign3A_426 = vector.broadcast %sign3A_425 : i32 to vector<16xi32>
    %sign3A_427 = arith.cmpi sgt, %get3A_421, %sign3A_426 : vector<16xi32>
    %sign3A_428 = arith.extui %sign3A_427 : vector<16xi1> to vector<16xi32>
    %sign3A_429 = arith.constant 0 : i32
    %sign3A_430 = vector.broadcast %sign3A_429 : i32 to vector<16xi32>
    %sign3A_431 = arith.cmpi slt, %get3A_421, %sign3A_430 : vector<16xi32>
    %sign3A_432 = arith.extui %sign3A_431 : vector<16xi1> to vector<16xi32>
    %sign3A_433 = arith.subi %sign3A_428, %sign3A_432 : vector<16xi32>
    %sign3A_434 = arith.constant 0 : i32
    %sign3A_435 = arith.cmpi sgt, %jit3A_422, %sign3A_434 : i32
    %sign3A_436 = arith.extui %sign3A_435 : i1 to i32
    %sign3A_437 = arith.constant 0 : i32
    %sign3A_438 = arith.cmpi slt, %jit3A_422, %sign3A_437 : i32
    %sign3A_439 = arith.extui %sign3A_438 : i1 to i32
    %sign3A_440 = arith.subi %sign3A_436, %sign3A_439 : i32
    %ne3A_441 = vector.broadcast %sign3A_440 : i32 to vector<16xi32>
    %ne3A_442 = arith.cmpi ne, %sign3A_433, %ne3A_441 : vector<16xi32>
    %rem3A_443 = vector.broadcast %jit3A_422 : i32 to vector<16xi32>
    %rem3A_444 = arith.remsi %get3A_421, %rem3A_443 : vector<16xi32>
    %ne3A_445 = arith.constant 0 : i32
    %ne3A_446 = vector.broadcast %ne3A_445 : i32 to vector<16xi32>
    %ne3A_447 = arith.cmpi ne, %rem3A_444, %ne3A_446 : vector<16xi32>
    %and3A_448 = arith.andi %ne3A_442, %ne3A_447 : vector<16xi1>
    %sub3A_449 = arith.constant 1 : i32
    %sub3A_450 = vector.broadcast %sub3A_449 : i32 to vector<16xi32>
    %sub3A_451 = arith.subi %div3A_424, %sub3A_450 : vector<16xi32>
    %select_n3A_452 = arith.select %and3A_448, %sub3A_451, %div3A_424 : vector<16xi1>, vector<16xi32>
    %add3A_453 = arith.constant 0 : i32
    %add3A_454 = vector.broadcast %add3A_453 : i32 to vector<16xi32>
    %add3A_455 = arith.addi %select_n3A_452, %add3A_454 : vector<16xi32>
    %swap3A_456 = arith.constant 0 : i32
    %swap3A_457 = arith.index_cast %swap3A_456 : i32 to index
    %swap3A_458 = arith.constant 112 : index
    %swap3A_459 = tpu.vector_load %arg11[%swap3A_457, %swap3A_458] {strides = array<i32>} : memref<4x128xi32, #tpu.memory_space<vmem>>, vector<16xi32>,
    tpu.vector_store %arg11[%swap3A_457, %swap3A_458], %add3A_455 {strides = array<i32>} : memref<4x128xi32, #tpu.memory_space<vmem>>, vector<16xi32>,
    %add3A_460 = arith.constant 6250 : i32
    %add3A_461 = vector.broadcast %add3A_460 : i32 to vector<16xi32>
    %add3A_462 = arith.addi %select_n3A_452, %add3A_461 : vector<16xi32>
    %swap3A_463 = arith.constant 1 : i32
    %swap3A_464 = arith.index_cast %swap3A_463 : i32 to index
    %swap3A_465 = arith.constant 112 : index
    %swap3A_466 = tpu.vector_load %arg11[%swap3A_464, %swap3A_465] {strides = array<i32>} : memref<4x128xi32, #tpu.memory_space<vmem>>, vector<16xi32>,
    tpu.vector_store %arg11[%swap3A_464, %swap3A_465], %add3A_462 {strides = array<i32>} : memref<4x128xi32, #tpu.memory_space<vmem>>, vector<16xi32>,
    %add3A_467 = arith.constant 12500 : i32
    %add3A_468 = vector.broadcast %add3A_467 : i32 to vector<16xi32>
    %add3A_469 = arith.addi %select_n3A_452, %add3A_468 : vector<16xi32>
    %swap3A_470 = arith.constant 2 : i32
    %swap3A_471 = arith.index_cast %swap3A_470 : i32 to index
    %swap3A_472 = arith.constant 112 : index
    %swap3A_473 = tpu.vector_load %arg11[%swap3A_471, %swap3A_472] {strides = array<i32>} : memref<4x128xi32, #tpu.memory_space<vmem>>, vector<16xi32>,
    tpu.vector_store %arg11[%swap3A_471, %swap3A_472], %add3A_469 {strides = array<i32>} : memref<4x128xi32, #tpu.memory_space<vmem>>, vector<16xi32>,
    %add3A_474 = arith.constant 18750 : i32
    %add3A_475 = vector.broadcast %add3A_474 : i32 to vector<16xi32>
    %add3A_476 = arith.addi %select_n3A_452, %add3A_475 : vector<16xi32>
    %swap3A_477 = arith.constant 3 : i32
    %swap3A_478 = arith.index_cast %swap3A_477 : i32 to index
    %swap3A_479 = arith.constant 112 : index
    %swap3A_480 = tpu.vector_load %arg11[%swap3A_478, %swap3A_479] {strides = array<i32>} : memref<4x128xi32, #tpu.memory_space<vmem>>, vector<16xi32>,
    tpu.vector_store %arg11[%swap3A_478, %swap3A_479], %add3A_476 {strides = array<i32>} : memref<4x128xi32, #tpu.memory_space<vmem>>, vector<16xi32>,
    %dma_start3A = arith.constant 0 : i32
    %dma_start3A_481 = arith.constant 0 : i32
    %dma_start3A_482 = arith.constant 0 : i32
    %dma_start3A_483 = arith.constant 0 : i32
    %dma_start3A_484 = tpu.memref_slice %arg12[%dma_start3A_481, %dma_start3A_482, %dma_start3A_483] : memref<4x128x16xi32, #tpu.memory_space<vmem>> -> memref<1x128x16xi32, #tpu.memory_space<vmem>>
    %dma_start3A_485 = tpu.memref_squeeze %dma_start3A_484 : memref<1x128x16xi32, #tpu.memory_space<vmem>> -> memref<128x16xi32, #tpu.memory_space<vmem>>
    %dma_start3A_486 = arith.constant 0 : i32
    %dma_start3A_487 = tpu.memref_slice %arg11[%dma_start3A, %dma_start3A_486] : memref<4x128xi32, #tpu.memory_space<vmem>> -> memref<1x128xi32, #tpu.memory_space<vmem>>
    %dma_start3A_488 = tpu.memref_squeeze %dma_start3A_487 : memref<1x128xi32, #tpu.memory_space<vmem>> -> memref<128xi32, #tpu.memory_space<vmem>>
    %dma_start3A_489 = arith.constant 0 : i32
    %dma_start3A_490 = arith.constant 0 : i32
    %dma_start3A_491 = tpu.memref_slice %arg2[%dma_start3A_489, %dma_start3A_490] : memref<25000x16xi32, #tpu.memory_space<hbm>> -> memref<25000x16xi32, #tpu.memory_space<hbm>>
    tpu.enqueue_indirect_dma source(%dma_start3A_491 : memref<25000x16xi32, #tpu.memory_space<hbm>>) target(%dma_start3A_485 : memref<128x16xi32, #tpu.memory_space<vmem>>) offsets(%dma_start3A_488 : memref<128xi32, #tpu.memory_space<vmem>>) semaphore(%arg16 : memref<!tpu.dma_semaphore, #tpu.memory_space<semaphore_mem>>)
    %dma_start3A_492 = arith.constant 0 : i32
    %dma_start3A_493 = arith.constant 0 : i32
    %dma_start3A_494 = arith.constant 0 : i32
    %dma_start3A_495 = arith.constant 0 : i32
    %dma_start3A_496 = tpu.memref_slice %arg13[%dma_start3A_493, %dma_start3A_494, %dma_start3A_495] : memref<4x128x16xf32, #tpu.memory_space<vmem>> -> memref<1x128x16xf32, #tpu.memory_space<vmem>>
    %dma_start3A_497 = tpu.memref_squeeze %dma_start3A_496 : memref<1x128x16xf32, #tpu.memory_space<vmem>> -> memref<128x16xf32, #tpu.memory_space<vmem>>
    %dma_start3A_498 = arith.constant 0 : i32
    %dma_start3A_499 = tpu.memref_slice %arg11[%dma_start3A_492, %dma_start3A_498] : memref<4x128xi32, #tpu.memory_space<vmem>> -> memref<1x128xi32, #tpu.memory_space<vmem>>
    %dma_start3A_500 = tpu.memref_squeeze %dma_start3A_499 : memref<1x128xi32, #tpu.memory_space<vmem>> -> memref<128xi32, #tpu.memory_space<vmem>>
    %dma_start3A_501 = arith.constant 0 : i32
    %dma_start3A_502 = arith.constant 0 : i32
    %dma_start3A_503 = tpu.memref_slice %arg3[%dma_start3A_501, %dma_start3A_502] : memref<25000x16xf32, #tpu.memory_space<hbm>> -> memref<25000x16xf32, #tpu.memory_space<hbm>>
    tpu.enqueue_indirect_dma source(%dma_start3A_503 : memref<25000x16xf32, #tpu.memory_space<hbm>>) target(%dma_start3A_497 : memref<128x16xf32, #tpu.memory_space<vmem>>) offsets(%dma_start3A_500 : memref<128xi32, #tpu.memory_space<vmem>>) semaphore(%arg17 : memref<!tpu.dma_semaphore, #tpu.memory_space<semaphore_mem>>)
    %dma_start3A_504 = arith.constant 1 : i32
    %dma_start3A_505 = arith.constant 1 : i32
    %dma_start3A_506 = arith.constant 0 : i32
    %dma_start3A_507 = arith.constant 0 : i32
    %dma_start3A_508 = tpu.memref_slice %arg12[%dma_start3A_505, %dma_start3A_506, %dma_start3A_507] : memref<4x128x16xi32, #tpu.memory_space<vmem>> -> memref<1x128x16xi32, #tpu.memory_space<vmem>>
    %dma_start3A_509 = tpu.memref_squeeze %dma_start3A_508 : memref<1x128x16xi32, #tpu.memory_space<vmem>> -> memref<128x16xi32, #tpu.memory_space<vmem>>
    %dma_start3A_510 = arith.constant 0 : i32
    %dma_start3A_511 = tpu.memref_slice %arg11[%dma_start3A_504, %dma_start3A_510] : memref<4x128xi32, #tpu.memory_space<vmem>> -> memref<1x128xi32, #tpu.memory_space<vmem>>
    %dma_start3A_512 = tpu.memref_squeeze %dma_start3A_511 : memref<1x128xi32, #tpu.memory_space<vmem>> -> memref<128xi32, #tpu.memory_space<vmem>>
    %dma_start3A_513 = arith.constant 0 : i32
    %dma_start3A_514 = arith.constant 0 : i32
    %dma_start3A_515 = tpu.memref_slice %arg2[%dma_start3A_513, %dma_start3A_514] : memref<25000x16xi32, #tpu.memory_space<hbm>> -> memref<25000x16xi32, #tpu.memory_space<hbm>>
    tpu.enqueue_indirect_dma source(%dma_start3A_515 : memref<25000x16xi32, #tpu.memory_space<hbm>>) target(%dma_start3A_509 : memref<128x16xi32, #tpu.memory_space<vmem>>) offsets(%dma_start3A_512 : memref<128xi32, #tpu.memory_space<vmem>>) semaphore(%arg16 : memref<!tpu.dma_semaphore, #tpu.memory_space<semaphore_mem>>)
    %dma_start3A_516 = arith.constant 1 : i32
    %dma_start3A_517 = arith.constant 1 : i32
    %dma_start3A_518 = arith.constant 0 : i32
    %dma_start3A_519 = arith.constant 0 : i32
    %dma_start3A_520 = tpu.memref_slice %arg13[%dma_start3A_517, %dma_start3A_518, %dma_start3A_519] : memref<4x128x16xf32, #tpu.memory_space<vmem>> -> memref<1x128x16xf32, #tpu.memory_space<vmem>>
    %dma_start3A_521 = tpu.memref_squeeze %dma_start3A_520 : memref<1x128x16xf32, #tpu.memory_space<vmem>> -> memref<128x16xf32, #tpu.memory_space<vmem>>
    %dma_start3A_522 = arith.constant 0 : i32
    %dma_start3A_523 = tpu.memref_slice %arg11[%dma_start3A_516, %dma_start3A_522] : memref<4x128xi32, #tpu.memory_space<vmem>> -> memref<1x128xi32, #tpu.memory_space<vmem>>
    %dma_start3A_524 = tpu.memref_squeeze %dma_start3A_523 : memref<1x128xi32, #tpu.memory_space<vmem>> -> memref<128xi32, #tpu.memory_space<vmem>>
    %dma_start3A_525 = arith.constant 0 : i32
    %dma_start3A_526 = arith.constant 0 : i32
    %dma_start3A_527 = tpu.memref_slice %arg3[%dma_start3A_525, %dma_start3A_526] : memref<25000x16xf32, #tpu.memory_space<hbm>> -> memref<25000x16xf32, #tpu.memory_space<hbm>>
    tpu.enqueue_indirect_dma source(%dma_start3A_527 : memref<25000x16xf32, #tpu.memory_space<hbm>>) target(%dma_start3A_521 : memref<128x16xf32, #tpu.memory_space<vmem>>) offsets(%dma_start3A_524 : memref<128xi32, #tpu.memory_space<vmem>>) semaphore(%arg17 : memref<!tpu.dma_semaphore, #tpu.memory_space<semaphore_mem>>)
    %dma_start3A_528 = arith.constant 2 : i32
    %dma_start3A_529 = arith.constant 2 : i32
    %dma_start3A_530 = arith.constant 0 : i32
    %dma_start3A_531 = arith.constant 0 : i32
    %dma_start3A_532 = tpu.memref_slice %arg12[%dma_start3A_529, %dma_start3A_530, %dma_start3A_531] : memref<4x128x16xi32, #tpu.memory_space<vmem>> -> memref<1x128x16xi32, #tpu.memory_space<vmem>>
    %dma_start3A_533 = tpu.memref_squeeze %dma_start3A_532 : memref<1x128x16xi32, #tpu.memory_space<vmem>> -> memref<128x16xi32, #tpu.memory_space<vmem>>
    %dma_start3A_534 = arith.constant 0 : i32
    %dma_start3A_535 = tpu.memref_slice %arg11[%dma_start3A_528, %dma_start3A_534] : memref<4x128xi32, #tpu.memory_space<vmem>> -> memref<1x128xi32, #tpu.memory_space<vmem>>
    %dma_start3A_536 = tpu.memref_squeeze %dma_start3A_535 : memref<1x128xi32, #tpu.memory_space<vmem>> -> memref<128xi32, #tpu.memory_space<vmem>>
    %dma_start3A_537 = arith.constant 0 : i32
    %dma_start3A_538 = arith.constant 0 : i32
    %dma_start3A_539 = tpu.memref_slice %arg2[%dma_start3A_537, %dma_start3A_538] : memref<25000x16xi32, #tpu.memory_space<hbm>> -> memref<25000x16xi32, #tpu.memory_space<hbm>>
    tpu.enqueue_indirect_dma source(%dma_start3A_539 : memref<25000x16xi32, #tpu.memory_space<hbm>>) target(%dma_start3A_533 : memref<128x16xi32, #tpu.memory_space<vmem>>) offsets(%dma_start3A_536 : memref<128xi32, #tpu.memory_space<vmem>>) semaphore(%arg16 : memref<!tpu.dma_semaphore, #tpu.memory_space<semaphore_mem>>)
    %dma_start3A_540 = arith.constant 2 : i32
    %dma_start3A_541 = arith.constant 2 : i32
    %dma_start3A_542 = arith.constant 0 : i32
    %dma_start3A_543 = arith.constant 0 : i32
    %dma_start3A_544 = tpu.memref_slice %arg13[%dma_start3A_541, %dma_start3A_542, %dma_start3A_543] : memref<4x128x16xf32, #tpu.memory_space<vmem>> -> memref<1x128x16xf32, #tpu.memory_space<vmem>>
    %dma_start3A_545 = tpu.memref_squeeze %dma_start3A_544 : memref<1x128x16xf32, #tpu.memory_space<vmem>> -> memref<128x16xf32, #tpu.memory_space<vmem>>
    %dma_start3A_546 = arith.constant 0 : i32
    %dma_start3A_547 = tpu.memref_slice %arg11[%dma_start3A_540, %dma_start3A_546] : memref<4x128xi32, #tpu.memory_space<vmem>> -> memref<1x128xi32, #tpu.memory_space<vmem>>
    %dma_start3A_548 = tpu.memref_squeeze %dma_start3A_547 : memref<1x128xi32, #tpu.memory_space<vmem>> -> memref<128xi32, #tpu.memory_space<vmem>>
    %dma_start3A_549 = arith.constant 0 : i32
    %dma_start3A_550 = arith.constant 0 : i32
    %dma_start3A_551 = tpu.memref_slice %arg3[%dma_start3A_549, %dma_start3A_550] : memref<25000x16xf32, #tpu.memory_space<hbm>> -> memref<25000x16xf32, #tpu.memory_space<hbm>>
    tpu.enqueue_indirect_dma source(%dma_start3A_551 : memref<25000x16xf32, #tpu.memory_space<hbm>>) target(%dma_start3A_545 : memref<128x16xf32, #tpu.memory_space<vmem>>) offsets(%dma_start3A_548 : memref<128xi32, #tpu.memory_space<vmem>>) semaphore(%arg17 : memref<!tpu.dma_semaphore, #tpu.memory_space<semaphore_mem>>)
    %dma_start3A_552 = arith.constant 3 : i32
    %dma_start3A_553 = arith.constant 3 : i32
    %dma_start3A_554 = arith.constant 0 : i32
    %dma_start3A_555 = arith.constant 0 : i32
    %dma_start3A_556 = tpu.memref_slice %arg12[%dma_start3A_553, %dma_start3A_554, %dma_start3A_555] : memref<4x128x16xi32, #tpu.memory_space<vmem>> -> memref<1x128x16xi32, #tpu.memory_space<vmem>>
    %dma_start3A_557 = tpu.memref_squeeze %dma_start3A_556 : memref<1x128x16xi32, #tpu.memory_space<vmem>> -> memref<128x16xi32, #tpu.memory_space<vmem>>
    %dma_start3A_558 = arith.constant 0 : i32
    %dma_start3A_559 = tpu.memref_slice %arg11[%dma_start3A_552, %dma_start3A_558] : memref<4x128xi32, #tpu.memory_space<vmem>> -> memref<1x128xi32, #tpu.memory_space<vmem>>
    %dma_start3A_560 = tpu.memref_squeeze %dma_start3A_559 : memref<1x128xi32, #tpu.memory_space<vmem>> -> memref<128xi32, #tpu.memory_space<vmem>>
    %dma_start3A_561 = arith.constant 0 : i32
    %dma_start3A_562 = arith.constant 0 : i32
    %dma_start3A_563 = tpu.memref_slice %arg2[%dma_start3A_561, %dma_start3A_562] : memref<25000x16xi32, #tpu.memory_space<hbm>> -> memref<25000x16xi32, #tpu.memory_space<hbm>>
    tpu.enqueue_indirect_dma source(%dma_start3A_563 : memref<25000x16xi32, #tpu.memory_space<hbm>>) target(%dma_start3A_557 : memref<128x16xi32, #tpu.memory_space<vmem>>) offsets(%dma_start3A_560 : memref<128xi32, #tpu.memory_space<vmem>>) semaphore(%arg16 : memref<!tpu.dma_semaphore, #tpu.memory_space<semaphore_mem>>)
    %dma_start3A_564 = arith.constant 3 : i32
    %dma_start3A_565 = arith.constant 3 : i32
    %dma_start3A_566 = arith.constant 0 : i32
    %dma_start3A_567 = arith.constant 0 : i32
    %dma_start3A_568 = tpu.memref_slice %arg13[%dma_start3A_565, %dma_start3A_566, %dma_start3A_567] : memref<4x128x16xf32, #tpu.memory_space<vmem>> -> memref<1x128x16xf32, #tpu.memory_space<vmem>>
    %dma_start3A_569 = tpu.memref_squeeze %dma_start3A_568 : memref<1x128x16xf32, #tpu.memory_space<vmem>> -> memref<128x16xf32, #tpu.memory_space<vmem>>
    %dma_start3A_570 = arith.constant 0 : i32
    %dma_start3A_571 = tpu.memref_slice %arg11[%dma_start3A_564, %dma_start3A_570] : memref<4x128xi32, #tpu.memory_space<vmem>> -> memref<1x128xi32, #tpu.memory_space<vmem>>
    %dma_start3A_572 = tpu.memref_squeeze %dma_start3A_571 : memref<1x128xi32, #tpu.memory_space<vmem>> -> memref<128xi32, #tpu.memory_space<vmem>>
    %dma_start3A_573 = arith.constant 0 : i32
    %dma_start3A_574 = arith.constant 0 : i32
    %dma_start3A_575 = tpu.memref_slice %arg3[%dma_start3A_573, %dma_start3A_574] : memref<25000x16xf32, #tpu.memory_space<hbm>> -> memref<25000x16xf32, #tpu.memory_space<hbm>>
    tpu.enqueue_indirect_dma source(%dma_start3A_575 : memref<25000x16xf32, #tpu.memory_space<hbm>>) target(%dma_start3A_569 : memref<128x16xf32, #tpu.memory_space<vmem>>) offsets(%dma_start3A_572 : memref<128xi32, #tpu.memory_space<vmem>>) semaphore(%arg17 : memref<!tpu.dma_semaphore, #tpu.memory_space<semaphore_mem>>)
    %jit3A_576 = arith.constant 8 : i32
    %div3A_577 = arith.divsi %add3A, %jit3A_576 : i32
    %sign3A_578 = arith.constant 0 : i32
    %sign3A_579 = arith.cmpi sgt, %add3A, %sign3A_578 : i32
    %sign3A_580 = arith.extui %sign3A_579 : i1 to i32
    %sign3A_581 = arith.constant 0 : i32
    %sign3A_582 = arith.cmpi slt, %add3A, %sign3A_581 : i32
    %sign3A_583 = arith.extui %sign3A_582 : i1 to i32
    %sign3A_584 = arith.subi %sign3A_580, %sign3A_583 : i32
    %sign3A_585 = arith.constant 0 : i32
    %sign3A_586 = arith.cmpi sgt, %jit3A_576, %sign3A_585 : i32
    %sign3A_587 = arith.extui %sign3A_586 : i1 to i32
    %sign3A_588 = arith.constant 0 : i32
    %sign3A_589 = arith.cmpi slt, %jit3A_576, %sign3A_588 : i32
    %sign3A_590 = arith.extui %sign3A_589 : i1 to i32
    %sign3A_591 = arith.subi %sign3A_587, %sign3A_590 : i32
    %ne3A_592 = arith.cmpi ne, %sign3A_584, %sign3A_591 : i32
    %rem3A_593 = arith.remsi %add3A, %jit3A_576 : i32
    %ne3A_594 = arith.constant 0 : i32
    %ne3A_595 = arith.cmpi ne, %rem3A_593, %ne3A_594 : i32
    %and3A_596 = arith.andi %ne3A_592, %ne3A_595 : i1
    %sub3A_597 = arith.constant 1 : i32
    %sub3A_598 = arith.subi %div3A_577, %sub3A_597 : i32
    %select_n3A_599 = arith.select %and3A_596, %sub3A_598, %div3A_577 : i32
    %jit3A_600 = arith.constant 8 : i32
    %eq3A = arith.constant 0 : i32
    %eq3A_601 = arith.cmpi eq, %jit3A_600, %eq3A : i32
    %jit3A_602 = arith.constant 1 : i32
    %select_n3A_603 = arith.select %eq3A_601, %jit3A_602, %jit3A_600 : i32
    %rem3A_604 = arith.remsi %add3A, %select_n3A_603 : i32
    %ne3A_605 = arith.constant 0 : i32
    %ne3A_606 = arith.cmpi ne, %rem3A_604, %ne3A_605 : i32
    %lt3A = arith.constant 0 : i32
    %lt3A_607 = arith.cmpi slt, %rem3A_604, %lt3A : i32
    %lt3A_608 = arith.constant 0 : i32
    %lt3A_609 = arith.cmpi slt, %select_n3A_603, %lt3A_608 : i32
    %ne3A_610 = arith.xori %lt3A_607, %lt3A_609 : i1
    %and3A_611 = arith.andi %ne3A_610, %ne3A_606 : i1
    %add3A_612 = arith.addi %rem3A_604, %select_n3A_603 : i32
    %select_n3A_613 = arith.select %and3A_611, %add3A_612, %rem3A_604 : i32
    %mul3A_614 = arith.constant 6250 : i32
    %mul3A_615 = arith.muli %select_n3A_599, %mul3A_614 : i32
    %mul3A_616 = arith.constant 784 : i32
    %mul3A_617 = arith.muli %select_n3A_613, %mul3A_616 : i32
    %add3A_618 = arith.addi %mul3A_615, %mul3A_617 : i32
    %lt3A_619 = arith.constant 7 : i32
    %lt3A_620 = arith.cmpi slt, %select_n3A_613, %lt3A_619 : i32
    %convert_element_type3A = arith.extui %lt3A_620 : i1 to i32
    %cond3A = arith.constant 0 : i32
    %cond3A_621 = arith.cmpi ne, %convert_element_type3A, %cond3A : i32
    scf.if %cond3A_621 {
      "tpu.region"() ({
        %run_scoped3A = tpu.sem_alloc : memref<!tpu.dma_semaphore, #tpu.memory_space<semaphore_mem>>
        %dma_start3A_1697 = arith.constant 0 : i32
        %dma_start3A_1698 = arith.constant 0 : i32
        %dma_start3A_1699 = tpu.memref_slice %arg8[%dma_start3A_1697, %dma_start3A_1698] : memref<784x16xi32, #tpu.memory_space<vmem>> -> memref<784x16xi32, #tpu.memory_space<vmem>>
        %dma_start3A_1700 = arith.constant 0 : i32
        %dma_start3A_1701 = tpu.memref_slice %arg2[%add3A_618, %dma_start3A_1700] : memref<25000x16xi32, #tpu.memory_space<hbm>> -> memref<784x16xi32, #tpu.memory_space<hbm>>
        %dma_start3A_1702 = arith.constant 0 : i32
        %dma_start3A_1703 = arith.constant 0 : i32
        %dma_start3A_1704 = tpu.memref_slice %arg8[%dma_start3A_1702, %dma_start3A_1703] : memref<784x16xi32, #tpu.memory_space<vmem>> -> memref<784x16xi32, #tpu.memory_space<vmem>>
        %dma_start3A_1705 = arith.constant 0 : i32
        %dma_start3A_1706 = tpu.memref_slice %arg2[%add3A_618, %dma_start3A_1705] : memref<25000x16xi32, #tpu.memory_space<hbm>> -> memref<784x16xi32, #tpu.memory_space<hbm>>
        tpu.enqueue_dma source(%dma_start3A_1706 : memref<784x16xi32, #tpu.memory_space<hbm>>) target(%dma_start3A_1704 : memref<784x16xi32, #tpu.memory_space<vmem>>) target_semaphore(%run_scoped3A : memref<!tpu.dma_semaphore, #tpu.memory_space<semaphore_mem>>)
        %dma_wait3A_1707 = arith.constant 0 : i32
        %dma_wait3A_1708 = arith.constant 0 : i32
        %dma_wait3A_1709 = tpu.memref_slice %arg8[%dma_wait3A_1707, %dma_wait3A_1708] : memref<784x16xi32, #tpu.memory_space<vmem>> -> memref<784x16xi32, #tpu.memory_space<vmem>>
        %dma_wait3A_1710 = arith.constant 0 : i32
        %dma_wait3A_1711 = tpu.memref_slice %arg2[%add3A_618, %dma_wait3A_1710] : memref<25000x16xi32, #tpu.memory_space<hbm>> -> memref<784x16xi32, #tpu.memory_space<hbm>>
        %dma_wait3A_1712 = arith.constant 0 : i32
        %dma_wait3A_1713 = arith.constant 0 : i32
        %dma_wait3A_1714 = tpu.memref_slice %arg8[%dma_wait3A_1712, %dma_wait3A_1713] : memref<784x16xi32, #tpu.memory_space<vmem>> -> memref<784x16xi32, #tpu.memory_space<vmem>>
        %dma_wait3A_1715 = arith.constant 0 : i32
        %dma_wait3A_1716 = tpu.memref_slice %arg2[%add3A_618, %dma_wait3A_1715] : memref<25000x16xi32, #tpu.memory_space<hbm>> -> memref<784x16xi32, #tpu.memory_space<hbm>>
        tpu.wait_dma2 semaphore(%run_scoped3A : memref<!tpu.dma_semaphore, #tpu.memory_space<semaphore_mem>>) src(%dma_wait3A_1716 : memref<784x16xi32, #tpu.memory_space<hbm>>) dst(%dma_wait3A_1714 : memref<784x16xi32, #tpu.memory_space<vmem>>)
        tpu.yield
      }) : () -> ()
    } else {
    }
    %eq3A_622 = arith.constant 7 : i32
    %eq3A_623 = arith.cmpi eq, %select_n3A_613, %eq3A_622 : i32
    %convert_element_type3A_624 = arith.extui %eq3A_623 : i1 to i32
    %cond3A_625 = arith.constant 0 : i32
    %cond3A_626 = arith.cmpi ne, %convert_element_type3A_624, %cond3A_625 : i32
    scf.if %cond3A_626 {
      "tpu.region"() ({
        %run_scoped3A = tpu.sem_alloc : memref<!tpu.dma_semaphore, #tpu.memory_space<semaphore_mem>>
        %dma_start3A_1697 = arith.constant 0 : i32
        %dma_start3A_1698 = arith.constant 0 : i32
        %dma_start3A_1699 = tpu.memref_slice %arg8[%dma_start3A_1697, %dma_start3A_1698] : memref<784x16xi32, #tpu.memory_space<vmem>> -> memref<762x16xi32, #tpu.memory_space<vmem>>
        %dma_start3A_1700 = arith.constant 0 : i32
        %dma_start3A_1701 = tpu.memref_slice %arg2[%add3A_618, %dma_start3A_1700] : memref<25000x16xi32, #tpu.memory_space<hbm>> -> memref<762x16xi32, #tpu.memory_space<hbm>>
        %dma_start3A_1702 = arith.constant 0 : i32
        %dma_start3A_1703 = arith.constant 0 : i32
        %dma_start3A_1704 = tpu.memref_slice %arg8[%dma_start3A_1702, %dma_start3A_1703] : memref<784x16xi32, #tpu.memory_space<vmem>> -> memref<762x16xi32, #tpu.memory_space<vmem>>
        %dma_start3A_1705 = arith.constant 0 : i32
        %dma_start3A_1706 = tpu.memref_slice %arg2[%add3A_618, %dma_start3A_1705] : memref<25000x16xi32, #tpu.memory_space<hbm>> -> memref<762x16xi32, #tpu.memory_space<hbm>>
        tpu.enqueue_dma source(%dma_start3A_1706 : memref<762x16xi32, #tpu.memory_space<hbm>>) target(%dma_start3A_1704 : memref<762x16xi32, #tpu.memory_space<vmem>>) target_semaphore(%run_scoped3A : memref<!tpu.dma_semaphore, #tpu.memory_space<semaphore_mem>>)
        %dma_wait3A_1707 = arith.constant 0 : i32
        %dma_wait3A_1708 = arith.constant 0 : i32
        %dma_wait3A_1709 = tpu.memref_slice %arg8[%dma_wait3A_1707, %dma_wait3A_1708] : memref<784x16xi32, #tpu.memory_space<vmem>> -> memref<762x16xi32, #tpu.memory_space<vmem>>
        %dma_wait3A_1710 = arith.constant 0 : i32
        %dma_wait3A_1711 = tpu.memref_slice %arg2[%add3A_618, %dma_wait3A_1710] : memref<25000x16xi32, #tpu.memory_space<hbm>> -> memref<762x16xi32, #tpu.memory_space<hbm>>
        %dma_wait3A_1712 = arith.constant 0 : i32
        %dma_wait3A_1713 = arith.constant 0 : i32
        %dma_wait3A_1714 = tpu.memref_slice %arg8[%dma_wait3A_1712, %dma_wait3A_1713] : memref<784x16xi32, #tpu.memory_space<vmem>> -> memref<762x16xi32, #tpu.memory_space<vmem>>
        %dma_wait3A_1715 = arith.constant 0 : i32
        %dma_wait3A_1716 = tpu.memref_slice %arg2[%add3A_618, %dma_wait3A_1715] : memref<25000x16xi32, #tpu.memory_space<hbm>> -> memref<762x16xi32, #tpu.memory_space<hbm>>
        tpu.wait_dma2 semaphore(%run_scoped3A : memref<!tpu.dma_semaphore, #tpu.memory_space<semaphore_mem>>) src(%dma_wait3A_1716 : memref<762x16xi32, #tpu.memory_space<hbm>>) dst(%dma_wait3A_1714 : memref<762x16xi32, #tpu.memory_space<vmem>>)
        tpu.yield
      }) : () -> ()
    } else {
    }
    %broadcast_in_dim3A = arith.constant 0 : i32
    %broadcast_in_dim3A_627 = vector.broadcast %broadcast_in_dim3A : i32 to vector<16xi32>
    %swap3A_628 = arith.constant 0 : i32
    %swap3A_629 = arith.index_cast %swap3A_628 : i32 to index
    %swap3A_630 = arith.constant 0 : index
    %swap3A_631 = tpu.vector_load %arg9[%swap3A_629, %swap3A_630] {strides = array<i32>} : memref<64x16xi32, #tpu.memory_space<vmem>>, vector<16xi32>,
    tpu.vector_store %arg9[%swap3A_629, %swap3A_630], %broadcast_in_dim3A_627 {strides = array<i32>} : memref<64x16xi32, #tpu.memory_space<vmem>>, vector<16xi32>,
    %swap3A_632 = arith.constant 1 : i32
    %swap3A_633 = arith.index_cast %swap3A_632 : i32 to index
    %swap3A_634 = arith.constant 0 : index
    %swap3A_635 = tpu.vector_load %arg9[%swap3A_633, %swap3A_634] {strides = array<i32>} : memref<64x16xi32, #tpu.memory_space<vmem>>, vector<16xi32>,
    tpu.vector_store %arg9[%swap3A_633, %swap3A_634], %broadcast_in_dim3A_627 {strides = array<i32>} : memref<64x16xi32, #tpu.memory_space<vmem>>, vector<16xi32>,
    %swap3A_636 = arith.constant 2 : i32
    %swap3A_637 = arith.index_cast %swap3A_636 : i32 to index
    %swap3A_638 = arith.constant 0 : index
    %swap3A_639 = tpu.vector_load %arg9[%swap3A_637, %swap3A_638] {strides = array<i32>} : memref<64x16xi32, #tpu.memory_space<vmem>>, vector<16xi32>,
    tpu.vector_store %arg9[%swap3A_637, %swap3A_638], %broadcast_in_dim3A_627 {strides = array<i32>} : memref<64x16xi32, #tpu.memory_space<vmem>>, vector<16xi32>,
    %swap3A_640 = arith.constant 3 : i32
    %swap3A_641 = arith.index_cast %swap3A_640 : i32 to index
    %swap3A_642 = arith.constant 0 : index
    %swap3A_643 = tpu.vector_load %arg9[%swap3A_641, %swap3A_642] {strides = array<i32>} : memref<64x16xi32, #tpu.memory_space<vmem>>, vector<16xi32>,
    tpu.vector_store %arg9[%swap3A_641, %swap3A_642], %broadcast_in_dim3A_627 {strides = array<i32>} : memref<64x16xi32, #tpu.memory_space<vmem>>, vector<16xi32>,
    %swap3A_644 = arith.constant 4 : i32
    %swap3A_645 = arith.index_cast %swap3A_644 : i32 to index
    %swap3A_646 = arith.constant 0 : index
    %swap3A_647 = tpu.vector_load %arg9[%swap3A_645, %swap3A_646] {strides = array<i32>} : memref<64x16xi32, #tpu.memory_space<vmem>>, vector<16xi32>,
    tpu.vector_store %arg9[%swap3A_645, %swap3A_646], %broadcast_in_dim3A_627 {strides = array<i32>} : memref<64x16xi32, #tpu.memory_space<vmem>>, vector<16xi32>,
    %swap3A_648 = arith.constant 5 : i32
    %swap3A_649 = arith.index_cast %swap3A_648 : i32 to index
    %swap3A_650 = arith.constant 0 : index
    %swap3A_651 = tpu.vector_load %arg9[%swap3A_649, %swap3A_650] {strides = array<i32>} : memref<64x16xi32, #tpu.memory_space<vmem>>, vector<16xi32>,
    tpu.vector_store %arg9[%swap3A_649, %swap3A_650], %broadcast_in_dim3A_627 {strides = array<i32>} : memref<64x16xi32, #tpu.memory_space<vmem>>, vector<16xi32>,
    %swap3A_652 = arith.constant 6 : i32
    %swap3A_653 = arith.index_cast %swap3A_652 : i32 to index
    %swap3A_654 = arith.constant 0 : index
    %swap3A_655 = tpu.vector_load %arg9[%swap3A_653, %swap3A_654] {strides = array<i32>} : memref<64x16xi32, #tpu.memory_space<vmem>>, vector<16xi32>,
    tpu.vector_store %arg9[%swap3A_653, %swap3A_654], %broadcast_in_dim3A_627 {strides = array<i32>} : memref<64x16xi32, #tpu.memory_space<vmem>>, vector<16xi32>,
    %swap3A_656 = arith.constant 7 : i32
    %swap3A_657 = arith.index_cast %swap3A_656 : i32 to index
    %swap3A_658 = arith.constant 0 : index
    %swap3A_659 = tpu.vector_load %arg9[%swap3A_657, %swap3A_658] {strides = array<i32>} : memref<64x16xi32, #tpu.memory_space<vmem>>, vector<16xi32>,
    tpu.vector_store %arg9[%swap3A_657, %swap3A_658], %broadcast_in_dim3A_627 {strides = array<i32>} : memref<64x16xi32, #tpu.memory_space<vmem>>, vector<16xi32>,
    %swap3A_660 = arith.constant 8 : i32
    %swap3A_661 = arith.index_cast %swap3A_660 : i32 to index
    %swap3A_662 = arith.constant 0 : index
    %swap3A_663 = tpu.vector_load %arg9[%swap3A_661, %swap3A_662] {strides = array<i32>} : memref<64x16xi32, #tpu.memory_space<vmem>>, vector<16xi32>,
    tpu.vector_store %arg9[%swap3A_661, %swap3A_662], %broadcast_in_dim3A_627 {strides = array<i32>} : memref<64x16xi32, #tpu.memory_space<vmem>>, vector<16xi32>,
    %swap3A_664 = arith.constant 9 : i32
    %swap3A_665 = arith.index_cast %swap3A_664 : i32 to index
    %swap3A_666 = arith.constant 0 : index
    %swap3A_667 = tpu.vector_load %arg9[%swap3A_665, %swap3A_666] {strides = array<i32>} : memref<64x16xi32, #tpu.memory_space<vmem>>, vector<16xi32>,
    tpu.vector_store %arg9[%swap3A_665, %swap3A_666], %broadcast_in_dim3A_627 {strides = array<i32>} : memref<64x16xi32, #tpu.memory_space<vmem>>, vector<16xi32>,
    %swap3A_668 = arith.constant 10 : i32
    %swap3A_669 = arith.index_cast %swap3A_668 : i32 to index
    %swap3A_670 = arith.constant 0 : index
    %swap3A_671 = tpu.vector_load %arg9[%swap3A_669, %swap3A_670] {strides = array<i32>} : memref<64x16xi32, #tpu.memory_space<vmem>>, vector<16xi32>,
    tpu.vector_store %arg9[%swap3A_669, %swap3A_670], %broadcast_in_dim3A_627 {strides = array<i32>} : memref<64x16xi32, #tpu.memory_space<vmem>>, vector<16xi32>,
    %swap3A_672 = arith.constant 11 : i32
    %swap3A_673 = arith.index_cast %swap3A_672 : i32 to index
    %swap3A_674 = arith.constant 0 : index
    %swap3A_675 = tpu.vector_load %arg9[%swap3A_673, %swap3A_674] {strides = array<i32>} : memref<64x16xi32, #tpu.memory_space<vmem>>, vector<16xi32>,
    tpu.vector_store %arg9[%swap3A_673, %swap3A_674], %broadcast_in_dim3A_627 {strides = array<i32>} : memref<64x16xi32, #tpu.memory_space<vmem>>, vector<16xi32>,
    %swap3A_676 = arith.constant 12 : i32
    %swap3A_677 = arith.index_cast %swap3A_676 : i32 to index
    %swap3A_678 = arith.constant 0 : index
    %swap3A_679 = tpu.vector_load %arg9[%swap3A_677, %swap3A_678] {strides = array<i32>} : memref<64x16xi32, #tpu.memory_space<vmem>>, vector<16xi32>,
    tpu.vector_store %arg9[%swap3A_677, %swap3A_678], %broadcast_in_dim3A_627 {strides = array<i32>} : memref<64x16xi32, #tpu.memory_space<vmem>>, vector<16xi32>,
    %swap3A_680 = arith.constant 13 : i32
    %swap3A_681 = arith.index_cast %swap3A_680 : i32 to index
    %swap3A_682 = arith.constant 0 : index
    %swap3A_683 = tpu.vector_load %arg9[%swap3A_681, %swap3A_682] {strides = array<i32>} : memref<64x16xi32, #tpu.memory_space<vmem>>, vector<16xi32>,
    tpu.vector_store %arg9[%swap3A_681, %swap3A_682], %broadcast_in_dim3A_627 {strides = array<i32>} : memref<64x16xi32, #tpu.memory_space<vmem>>, vector<16xi32>,
    %swap3A_684 = arith.constant 14 : i32
    %swap3A_685 = arith.index_cast %swap3A_684 : i32 to index
    %swap3A_686 = arith.constant 0 : index
    %swap3A_687 = tpu.vector_load %arg9[%swap3A_685, %swap3A_686] {strides = array<i32>} : memref<64x16xi32, #tpu.memory_space<vmem>>, vector<16xi32>,
    tpu.vector_store %arg9[%swap3A_685, %swap3A_686], %broadcast_in_dim3A_627 {strides = array<i32>} : memref<64x16xi32, #tpu.memory_space<vmem>>, vector<16xi32>,
    %swap3A_688 = arith.constant 15 : i32
    %swap3A_689 = arith.index_cast %swap3A_688 : i32 to index
    %swap3A_690 = arith.constant 0 : index
    %swap3A_691 = tpu.vector_load %arg9[%swap3A_689, %swap3A_690] {strides = array<i32>} : memref<64x16xi32, #tpu.memory_space<vmem>>, vector<16xi32>,
    tpu.vector_store %arg9[%swap3A_689, %swap3A_690], %broadcast_in_dim3A_627 {strides = array<i32>} : memref<64x16xi32, #tpu.memory_space<vmem>>, vector<16xi32>,
    %swap3A_692 = arith.constant 16 : i32
    %swap3A_693 = arith.index_cast %swap3A_692 : i32 to index
    %swap3A_694 = arith.constant 0 : index
    %swap3A_695 = tpu.vector_load %arg9[%swap3A_693, %swap3A_694] {strides = array<i32>} : memref<64x16xi32, #tpu.memory_space<vmem>>, vector<16xi32>,
    tpu.vector_store %arg9[%swap3A_693, %swap3A_694], %broadcast_in_dim3A_627 {strides = array<i32>} : memref<64x16xi32, #tpu.memory_space<vmem>>, vector<16xi32>,
    %swap3A_696 = arith.constant 17 : i32
    %swap3A_697 = arith.index_cast %swap3A_696 : i32 to index
    %swap3A_698 = arith.constant 0 : index
    %swap3A_699 = tpu.vector_load %arg9[%swap3A_697, %swap3A_698] {strides = array<i32>} : memref<64x16xi32, #tpu.memory_space<vmem>>, vector<16xi32>,
    tpu.vector_store %arg9[%swap3A_697, %swap3A_698], %broadcast_in_dim3A_627 {strides = array<i32>} : memref<64x16xi32, #tpu.memory_space<vmem>>, vector<16xi32>,
    %swap3A_700 = arith.constant 18 : i32
    %swap3A_701 = arith.index_cast %swap3A_700 : i32 to index
    %swap3A_702 = arith.constant 0 : index
    %swap3A_703 = tpu.vector_load %arg9[%swap3A_701, %swap3A_702] {strides = array<i32>} : memref<64x16xi32, #tpu.memory_space<vmem>>, vector<16xi32>,
    tpu.vector_store %arg9[%swap3A_701, %swap3A_702], %broadcast_in_dim3A_627 {strides = array<i32>} : memref<64x16xi32, #tpu.memory_space<vmem>>, vector<16xi32>,
    %swap3A_704 = arith.constant 19 : i32
    %swap3A_705 = arith.index_cast %swap3A_704 : i32 to index
    %swap3A_706 = arith.constant 0 : index
    %swap3A_707 = tpu.vector_load %arg9[%swap3A_705, %swap3A_706] {strides = array<i32>} : memref<64x16xi32, #tpu.memory_space<vmem>>, vector<16xi32>,
    tpu.vector_store %arg9[%swap3A_705, %swap3A_706], %broadcast_in_dim3A_627 {strides = array<i32>} : memref<64x16xi32, #tpu.memory_space<vmem>>, vector<16xi32>,
    %swap3A_708 = arith.constant 20 : i32
    %swap3A_709 = arith.index_cast %swap3A_708 : i32 to index
    %swap3A_710 = arith.constant 0 : index
    %swap3A_711 = tpu.vector_load %arg9[%swap3A_709, %swap3A_710] {strides = array<i32>} : memref<64x16xi32, #tpu.memory_space<vmem>>, vector<16xi32>,
    tpu.vector_store %arg9[%swap3A_709, %swap3A_710], %broadcast_in_dim3A_627 {strides = array<i32>} : memref<64x16xi32, #tpu.memory_space<vmem>>, vector<16xi32>,
    %swap3A_712 = arith.constant 21 : i32
    %swap3A_713 = arith.index_cast %swap3A_712 : i32 to index
    %swap3A_714 = arith.constant 0 : index
    %swap3A_715 = tpu.vector_load %arg9[%swap3A_713, %swap3A_714] {strides = array<i32>} : memref<64x16xi32, #tpu.memory_space<vmem>>, vector<16xi32>,
    tpu.vector_store %arg9[%swap3A_713, %swap3A_714], %broadcast_in_dim3A_627 {strides = array<i32>} : memref<64x16xi32, #tpu.memory_space<vmem>>, vector<16xi32>,
    %swap3A_716 = arith.constant 22 : i32
    %swap3A_717 = arith.index_cast %swap3A_716 : i32 to index
    %swap3A_718 = arith.constant 0 : index
    %swap3A_719 = tpu.vector_load %arg9[%swap3A_717, %swap3A_718] {strides = array<i32>} : memref<64x16xi32, #tpu.memory_space<vmem>>, vector<16xi32>,
    tpu.vector_store %arg9[%swap3A_717, %swap3A_718], %broadcast_in_dim3A_627 {strides = array<i32>} : memref<64x16xi32, #tpu.memory_space<vmem>>, vector<16xi32>,
    %swap3A_720 = arith.constant 23 : i32
    %swap3A_721 = arith.index_cast %swap3A_720 : i32 to index
    %swap3A_722 = arith.constant 0 : index
    %swap3A_723 = tpu.vector_load %arg9[%swap3A_721, %swap3A_722] {strides = array<i32>} : memref<64x16xi32, #tpu.memory_space<vmem>>, vector<16xi32>,
    tpu.vector_store %arg9[%swap3A_721, %swap3A_722], %broadcast_in_dim3A_627 {strides = array<i32>} : memref<64x16xi32, #tpu.memory_space<vmem>>, vector<16xi32>,
    %swap3A_724 = arith.constant 24 : i32
    %swap3A_725 = arith.index_cast %swap3A_724 : i32 to index
    %swap3A_726 = arith.constant 0 : index
    %swap3A_727 = tpu.vector_load %arg9[%swap3A_725, %swap3A_726] {strides = array<i32>} : memref<64x16xi32, #tpu.memory_space<vmem>>, vector<16xi32>,
    tpu.vector_store %arg9[%swap3A_725, %swap3A_726], %broadcast_in_dim3A_627 {strides = array<i32>} : memref<64x16xi32, #tpu.memory_space<vmem>>, vector<16xi32>,
    %swap3A_728 = arith.constant 25 : i32
    %swap3A_729 = arith.index_cast %swap3A_728 : i32 to index
    %swap3A_730 = arith.constant 0 : index
    %swap3A_731 = tpu.vector_load %arg9[%swap3A_729, %swap3A_730] {strides = array<i32>} : memref<64x16xi32, #tpu.memory_space<vmem>>, vector<16xi32>,
    tpu.vector_store %arg9[%swap3A_729, %swap3A_730], %broadcast_in_dim3A_627 {strides = array<i32>} : memref<64x16xi32, #tpu.memory_space<vmem>>, vector<16xi32>,
    %swap3A_732 = arith.constant 26 : i32
    %swap3A_733 = arith.index_cast %swap3A_732 : i32 to index
    %swap3A_734 = arith.constant 0 : index
    %swap3A_735 = tpu.vector_load %arg9[%swap3A_733, %swap3A_734] {strides = array<i32>} : memref<64x16xi32, #tpu.memory_space<vmem>>, vector<16xi32>,
    tpu.vector_store %arg9[%swap3A_733, %swap3A_734], %broadcast_in_dim3A_627 {strides = array<i32>} : memref<64x16xi32, #tpu.memory_space<vmem>>, vector<16xi32>,
    %swap3A_736 = arith.constant 27 : i32
    %swap3A_737 = arith.index_cast %swap3A_736 : i32 to index
    %swap3A_738 = arith.constant 0 : index
    %swap3A_739 = tpu.vector_load %arg9[%swap3A_737, %swap3A_738] {strides = array<i32>} : memref<64x16xi32, #tpu.memory_space<vmem>>, vector<16xi32>,
    tpu.vector_store %arg9[%swap3A_737, %swap3A_738], %broadcast_in_dim3A_627 {strides = array<i32>} : memref<64x16xi32, #tpu.memory_space<vmem>>, vector<16xi32>,
    %swap3A_740 = arith.constant 28 : i32
    %swap3A_741 = arith.index_cast %swap3A_740 : i32 to index
    %swap3A_742 = arith.constant 0 : index
    %swap3A_743 = tpu.vector_load %arg9[%swap3A_741, %swap3A_742] {strides = array<i32>} : memref<64x16xi32, #tpu.memory_space<vmem>>, vector<16xi32>,
    tpu.vector_store %arg9[%swap3A_741, %swap3A_742], %broadcast_in_dim3A_627 {strides = array<i32>} : memref<64x16xi32, #tpu.memory_space<vmem>>, vector<16xi32>,
    %swap3A_744 = arith.constant 29 : i32
    %swap3A_745 = arith.index_cast %swap3A_744 : i32 to index
    %swap3A_746 = arith.constant 0 : index
    %swap3A_747 = tpu.vector_load %arg9[%swap3A_745, %swap3A_746] {strides = array<i32>} : memref<64x16xi32, #tpu.memory_space<vmem>>, vector<16xi32>,
    tpu.vector_store %arg9[%swap3A_745, %swap3A_746], %broadcast_in_dim3A_627 {strides = array<i32>} : memref<64x16xi32, #tpu.memory_space<vmem>>, vector<16xi32>,
    %swap3A_748 = arith.constant 30 : i32
    %swap3A_749 = arith.index_cast %swap3A_748 : i32 to index
    %swap3A_750 = arith.constant 0 : index
    %swap3A_751 = tpu.vector_load %arg9[%swap3A_749, %swap3A_750] {strides = array<i32>} : memref<64x16xi32, #tpu.memory_space<vmem>>, vector<16xi32>,
    tpu.vector_store %arg9[%swap3A_749, %swap3A_750], %broadcast_in_dim3A_627 {strides = array<i32>} : memref<64x16xi32, #tpu.memory_space<vmem>>, vector<16xi32>,
    %swap3A_752 = arith.constant 31 : i32
    %swap3A_753 = arith.index_cast %swap3A_752 : i32 to index
    %swap3A_754 = arith.constant 0 : index
    %swap3A_755 = tpu.vector_load %arg9[%swap3A_753, %swap3A_754] {strides = array<i32>} : memref<64x16xi32, #tpu.memory_space<vmem>>, vector<16xi32>,
    tpu.vector_store %arg9[%swap3A_753, %swap3A_754], %broadcast_in_dim3A_627 {strides = array<i32>} : memref<64x16xi32, #tpu.memory_space<vmem>>, vector<16xi32>,
    %swap3A_756 = arith.constant 32 : i32
    %swap3A_757 = arith.index_cast %swap3A_756 : i32 to index
    %swap3A_758 = arith.constant 0 : index
    %swap3A_759 = tpu.vector_load %arg9[%swap3A_757, %swap3A_758] {strides = array<i32>} : memref<64x16xi32, #tpu.memory_space<vmem>>, vector<16xi32>,
    tpu.vector_store %arg9[%swap3A_757, %swap3A_758], %broadcast_in_dim3A_627 {strides = array<i32>} : memref<64x16xi32, #tpu.memory_space<vmem>>, vector<16xi32>,
    %swap3A_760 = arith.constant 33 : i32
    %swap3A_761 = arith.index_cast %swap3A_760 : i32 to index
    %swap3A_762 = arith.constant 0 : index
    %swap3A_763 = tpu.vector_load %arg9[%swap3A_761, %swap3A_762] {strides = array<i32>} : memref<64x16xi32, #tpu.memory_space<vmem>>, vector<16xi32>,
    tpu.vector_store %arg9[%swap3A_761, %swap3A_762], %broadcast_in_dim3A_627 {strides = array<i32>} : memref<64x16xi32, #tpu.memory_space<vmem>>, vector<16xi32>,
    %swap3A_764 = arith.constant 34 : i32
    %swap3A_765 = arith.index_cast %swap3A_764 : i32 to index
    %swap3A_766 = arith.constant 0 : index
    %swap3A_767 = tpu.vector_load %arg9[%swap3A_765, %swap3A_766] {strides = array<i32>} : memref<64x16xi32, #tpu.memory_space<vmem>>, vector<16xi32>,
    tpu.vector_store %arg9[%swap3A_765, %swap3A_766], %broadcast_in_dim3A_627 {strides = array<i32>} : memref<64x16xi32, #tpu.memory_space<vmem>>, vector<16xi32>,
    %swap3A_768 = arith.constant 35 : i32
    %swap3A_769 = arith.index_cast %swap3A_768 : i32 to index
    %swap3A_770 = arith.constant 0 : index
    %swap3A_771 = tpu.vector_load %arg9[%swap3A_769, %swap3A_770] {strides = array<i32>} : memref<64x16xi32, #tpu.memory_space<vmem>>, vector<16xi32>,
    tpu.vector_store %arg9[%swap3A_769, %swap3A_770], %broadcast_in_dim3A_627 {strides = array<i32>} : memref<64x16xi32, #tpu.memory_space<vmem>>, vector<16xi32>,
    %swap3A_772 = arith.constant 36 : i32
    %swap3A_773 = arith.index_cast %swap3A_772 : i32 to index
    %swap3A_774 = arith.constant 0 : index
    %swap3A_775 = tpu.vector_load %arg9[%swap3A_773, %swap3A_774] {strides = array<i32>} : memref<64x16xi32, #tpu.memory_space<vmem>>, vector<16xi32>,
    tpu.vector_store %arg9[%swap3A_773, %swap3A_774], %broadcast_in_dim3A_627 {strides = array<i32>} : memref<64x16xi32, #tpu.memory_space<vmem>>, vector<16xi32>,
    %swap3A_776 = arith.constant 37 : i32
    %swap3A_777 = arith.index_cast %swap3A_776 : i32 to index
    %swap3A_778 = arith.constant 0 : index
    %swap3A_779 = tpu.vector_load %arg9[%swap3A_777, %swap3A_778] {strides = array<i32>} : memref<64x16xi32, #tpu.memory_space<vmem>>, vector<16xi32>,
    tpu.vector_store %arg9[%swap3A_777, %swap3A_778], %broadcast_in_dim3A_627 {strides = array<i32>} : memref<64x16xi32, #tpu.memory_space<vmem>>, vector<16xi32>,
    %swap3A_780 = arith.constant 38 : i32
    %swap3A_781 = arith.index_cast %swap3A_780 : i32 to index
    %swap3A_782 = arith.constant 0 : index
    %swap3A_783 = tpu.vector_load %arg9[%swap3A_781, %swap3A_782] {strides = array<i32>} : memref<64x16xi32, #tpu.memory_space<vmem>>, vector<16xi32>,
    tpu.vector_store %arg9[%swap3A_781, %swap3A_782], %broadcast_in_dim3A_627 {strides = array<i32>} : memref<64x16xi32, #tpu.memory_space<vmem>>, vector<16xi32>,
    %swap3A_784 = arith.constant 39 : i32
    %swap3A_785 = arith.index_cast %swap3A_784 : i32 to index
    %swap3A_786 = arith.constant 0 : index
    %swap3A_787 = tpu.vector_load %arg9[%swap3A_785, %swap3A_786] {strides = array<i32>} : memref<64x16xi32, #tpu.memory_space<vmem>>, vector<16xi32>,
    tpu.vector_store %arg9[%swap3A_785, %swap3A_786], %broadcast_in_dim3A_627 {strides = array<i32>} : memref<64x16xi32, #tpu.memory_space<vmem>>, vector<16xi32>,
    %swap3A_788 = arith.constant 40 : i32
    %swap3A_789 = arith.index_cast %swap3A_788 : i32 to index
    %swap3A_790 = arith.constant 0 : index
    %swap3A_791 = tpu.vector_load %arg9[%swap3A_789, %swap3A_790] {strides = array<i32>} : memref<64x16xi32, #tpu.memory_space<vmem>>, vector<16xi32>,
    tpu.vector_store %arg9[%swap3A_789, %swap3A_790], %broadcast_in_dim3A_627 {strides = array<i32>} : memref<64x16xi32, #tpu.memory_space<vmem>>, vector<16xi32>,
    %swap3A_792 = arith.constant 41 : i32
    %swap3A_793 = arith.index_cast %swap3A_792 : i32 to index
    %swap3A_794 = arith.constant 0 : index
    %swap3A_795 = tpu.vector_load %arg9[%swap3A_793, %swap3A_794] {strides = array<i32>} : memref<64x16xi32, #tpu.memory_space<vmem>>, vector<16xi32>,
    tpu.vector_store %arg9[%swap3A_793, %swap3A_794], %broadcast_in_dim3A_627 {strides = array<i32>} : memref<64x16xi32, #tpu.memory_space<vmem>>, vector<16xi32>,
    %swap3A_796 = arith.constant 42 : i32
    %swap3A_797 = arith.index_cast %swap3A_796 : i32 to index
    %swap3A_798 = arith.constant 0 : index
    %swap3A_799 = tpu.vector_load %arg9[%swap3A_797, %swap3A_798] {strides = array<i32>} : memref<64x16xi32, #tpu.memory_space<vmem>>, vector<16xi32>,
    tpu.vector_store %arg9[%swap3A_797, %swap3A_798], %broadcast_in_dim3A_627 {strides = array<i32>} : memref<64x16xi32, #tpu.memory_space<vmem>>, vector<16xi32>,
    %swap3A_800 = arith.constant 43 : i32
    %swap3A_801 = arith.index_cast %swap3A_800 : i32 to index
    %swap3A_802 = arith.constant 0 : index
    %swap3A_803 = tpu.vector_load %arg9[%swap3A_801, %swap3A_802] {strides = array<i32>} : memref<64x16xi32, #tpu.memory_space<vmem>>, vector<16xi32>,
    tpu.vector_store %arg9[%swap3A_801, %swap3A_802], %broadcast_in_dim3A_627 {strides = array<i32>} : memref<64x16xi32, #tpu.memory_space<vmem>>, vector<16xi32>,
    %swap3A_804 = arith.constant 44 : i32
    %swap3A_805 = arith.index_cast %swap3A_804 : i32 to index
    %swap3A_806 = arith.constant 0 : index
    %swap3A_807 = tpu.vector_load %arg9[%swap3A_805, %swap3A_806] {strides = array<i32>} : memref<64x16xi32, #tpu.memory_space<vmem>>, vector<16xi32>,
    tpu.vector_store %arg9[%swap3A_805, %swap3A_806], %broadcast_in_dim3A_627 {strides = array<i32>} : memref<64x16xi32, #tpu.memory_space<vmem>>, vector<16xi32>,
    %swap3A_808 = arith.constant 45 : i32
    %swap3A_809 = arith.index_cast %swap3A_808 : i32 to index
    %swap3A_810 = arith.constant 0 : index
    %swap3A_811 = tpu.vector_load %arg9[%swap3A_809, %swap3A_810] {strides = array<i32>} : memref<64x16xi32, #tpu.memory_space<vmem>>, vector<16xi32>,
    tpu.vector_store %arg9[%swap3A_809, %swap3A_810], %broadcast_in_dim3A_627 {strides = array<i32>} : memref<64x16xi32, #tpu.memory_space<vmem>>, vector<16xi32>,
    %swap3A_812 = arith.constant 46 : i32
    %swap3A_813 = arith.index_cast %swap3A_812 : i32 to index
    %swap3A_814 = arith.constant 0 : index
    %swap3A_815 = tpu.vector_load %arg9[%swap3A_813, %swap3A_814] {strides = array<i32>} : memref<64x16xi32, #tpu.memory_space<vmem>>, vector<16xi32>,
    tpu.vector_store %arg9[%swap3A_813, %swap3A_814], %broadcast_in_dim3A_627 {strides = array<i32>} : memref<64x16xi32, #tpu.memory_space<vmem>>, vector<16xi32>,
    %swap3A_816 = arith.constant 47 : i32
    %swap3A_817 = arith.index_cast %swap3A_816 : i32 to index
    %swap3A_818 = arith.constant 0 : index
    %swap3A_819 = tpu.vector_load %arg9[%swap3A_817, %swap3A_818] {strides = array<i32>} : memref<64x16xi32, #tpu.memory_space<vmem>>, vector<16xi32>,
    tpu.vector_store %arg9[%swap3A_817, %swap3A_818], %broadcast_in_dim3A_627 {strides = array<i32>} : memref<64x16xi32, #tpu.memory_space<vmem>>, vector<16xi32>,
    %swap3A_820 = arith.constant 48 : i32
    %swap3A_821 = arith.index_cast %swap3A_820 : i32 to index
    %swap3A_822 = arith.constant 0 : index
    %swap3A_823 = tpu.vector_load %arg9[%swap3A_821, %swap3A_822] {strides = array<i32>} : memref<64x16xi32, #tpu.memory_space<vmem>>, vector<16xi32>,
    tpu.vector_store %arg9[%swap3A_821, %swap3A_822], %broadcast_in_dim3A_627 {strides = array<i32>} : memref<64x16xi32, #tpu.memory_space<vmem>>, vector<16xi32>,
    %swap3A_824 = arith.constant 49 : i32
    %swap3A_825 = arith.index_cast %swap3A_824 : i32 to index
    %swap3A_826 = arith.constant 0 : index
    %swap3A_827 = tpu.vector_load %arg9[%swap3A_825, %swap3A_826] {strides = array<i32>} : memref<64x16xi32, #tpu.memory_space<vmem>>, vector<16xi32>,
    tpu.vector_store %arg9[%swap3A_825, %swap3A_826], %broadcast_in_dim3A_627 {strides = array<i32>} : memref<64x16xi32, #tpu.memory_space<vmem>>, vector<16xi32>,
    %swap3A_828 = arith.constant 50 : i32
    %swap3A_829 = arith.index_cast %swap3A_828 : i32 to index
    %swap3A_830 = arith.constant 0 : index
    %swap3A_831 = tpu.vector_load %arg9[%swap3A_829, %swap3A_830] {strides = array<i32>} : memref<64x16xi32, #tpu.memory_space<vmem>>, vector<16xi32>,
    tpu.vector_store %arg9[%swap3A_829, %swap3A_830], %broadcast_in_dim3A_627 {strides = array<i32>} : memref<64x16xi32, #tpu.memory_space<vmem>>, vector<16xi32>,
    %swap3A_832 = arith.constant 51 : i32
    %swap3A_833 = arith.index_cast %swap3A_832 : i32 to index
    %swap3A_834 = arith.constant 0 : index
    %swap3A_835 = tpu.vector_load %arg9[%swap3A_833, %swap3A_834] {strides = array<i32>} : memref<64x16xi32, #tpu.memory_space<vmem>>, vector<16xi32>,
    tpu.vector_store %arg9[%swap3A_833, %swap3A_834], %broadcast_in_dim3A_627 {strides = array<i32>} : memref<64x16xi32, #tpu.memory_space<vmem>>, vector<16xi32>,
    %swap3A_836 = arith.constant 52 : i32
    %swap3A_837 = arith.index_cast %swap3A_836 : i32 to index
    %swap3A_838 = arith.constant 0 : index
    %swap3A_839 = tpu.vector_load %arg9[%swap3A_837, %swap3A_838] {strides = array<i32>} : memref<64x16xi32, #tpu.memory_space<vmem>>, vector<16xi32>,
    tpu.vector_store %arg9[%swap3A_837, %swap3A_838], %broadcast_in_dim3A_627 {strides = array<i32>} : memref<64x16xi32, #tpu.memory_space<vmem>>, vector<16xi32>,
    %swap3A_840 = arith.constant 53 : i32
    %swap3A_841 = arith.index_cast %swap3A_840 : i32 to index
    %swap3A_842 = arith.constant 0 : index
    %swap3A_843 = tpu.vector_load %arg9[%swap3A_841, %swap3A_842] {strides = array<i32>} : memref<64x16xi32, #tpu.memory_space<vmem>>, vector<16xi32>,
    tpu.vector_store %arg9[%swap3A_841, %swap3A_842], %broadcast_in_dim3A_627 {strides = array<i32>} : memref<64x16xi32, #tpu.memory_space<vmem>>, vector<16xi32>,
    %swap3A_844 = arith.constant 54 : i32
    %swap3A_845 = arith.index_cast %swap3A_844 : i32 to index
    %swap3A_846 = arith.constant 0 : index
    %swap3A_847 = tpu.vector_load %arg9[%swap3A_845, %swap3A_846] {strides = array<i32>} : memref<64x16xi32, #tpu.memory_space<vmem>>, vector<16xi32>,
    tpu.vector_store %arg9[%swap3A_845, %swap3A_846], %broadcast_in_dim3A_627 {strides = array<i32>} : memref<64x16xi32, #tpu.memory_space<vmem>>, vector<16xi32>,
    %swap3A_848 = arith.constant 55 : i32
    %swap3A_849 = arith.index_cast %swap3A_848 : i32 to index
    %swap3A_850 = arith.constant 0 : index
    %swap3A_851 = tpu.vector_load %arg9[%swap3A_849, %swap3A_850] {strides = array<i32>} : memref<64x16xi32, #tpu.memory_space<vmem>>, vector<16xi32>,
    tpu.vector_store %arg9[%swap3A_849, %swap3A_850], %broadcast_in_dim3A_627 {strides = array<i32>} : memref<64x16xi32, #tpu.memory_space<vmem>>, vector<16xi32>,
    %swap3A_852 = arith.constant 56 : i32
    %swap3A_853 = arith.index_cast %swap3A_852 : i32 to index
    %swap3A_854 = arith.constant 0 : index
    %swap3A_855 = tpu.vector_load %arg9[%swap3A_853, %swap3A_854] {strides = array<i32>} : memref<64x16xi32, #tpu.memory_space<vmem>>, vector<16xi32>,
    tpu.vector_store %arg9[%swap3A_853, %swap3A_854], %broadcast_in_dim3A_627 {strides = array<i32>} : memref<64x16xi32, #tpu.memory_space<vmem>>, vector<16xi32>,
    %swap3A_856 = arith.constant 57 : i32
    %swap3A_857 = arith.index_cast %swap3A_856 : i32 to index
    %swap3A_858 = arith.constant 0 : index
    %swap3A_859 = tpu.vector_load %arg9[%swap3A_857, %swap3A_858] {strides = array<i32>} : memref<64x16xi32, #tpu.memory_space<vmem>>, vector<16xi32>,
    tpu.vector_store %arg9[%swap3A_857, %swap3A_858], %broadcast_in_dim3A_627 {strides = array<i32>} : memref<64x16xi32, #tpu.memory_space<vmem>>, vector<16xi32>,
    %swap3A_860 = arith.constant 58 : i32
    %swap3A_861 = arith.index_cast %swap3A_860 : i32 to index
    %swap3A_862 = arith.constant 0 : index
    %swap3A_863 = tpu.vector_load %arg9[%swap3A_861, %swap3A_862] {strides = array<i32>} : memref<64x16xi32, #tpu.memory_space<vmem>>, vector<16xi32>,
    tpu.vector_store %arg9[%swap3A_861, %swap3A_862], %broadcast_in_dim3A_627 {strides = array<i32>} : memref<64x16xi32, #tpu.memory_space<vmem>>, vector<16xi32>,
    %swap3A_864 = arith.constant 59 : i32
    %swap3A_865 = arith.index_cast %swap3A_864 : i32 to index
    %swap3A_866 = arith.constant 0 : index
    %swap3A_867 = tpu.vector_load %arg9[%swap3A_865, %swap3A_866] {strides = array<i32>} : memref<64x16xi32, #tpu.memory_space<vmem>>, vector<16xi32>,
    tpu.vector_store %arg9[%swap3A_865, %swap3A_866], %broadcast_in_dim3A_627 {strides = array<i32>} : memref<64x16xi32, #tpu.memory_space<vmem>>, vector<16xi32>,
    %swap3A_868 = arith.constant 60 : i32
    %swap3A_869 = arith.index_cast %swap3A_868 : i32 to index
    %swap3A_870 = arith.constant 0 : index
    %swap3A_871 = tpu.vector_load %arg9[%swap3A_869, %swap3A_870] {strides = array<i32>} : memref<64x16xi32, #tpu.memory_space<vmem>>, vector<16xi32>,
    tpu.vector_store %arg9[%swap3A_869, %swap3A_870], %broadcast_in_dim3A_627 {strides = array<i32>} : memref<64x16xi32, #tpu.memory_space<vmem>>, vector<16xi32>,
    %swap3A_872 = arith.constant 61 : i32
    %swap3A_873 = arith.index_cast %swap3A_872 : i32 to index
    %swap3A_874 = arith.constant 0 : index
    %swap3A_875 = tpu.vector_load %arg9[%swap3A_873, %swap3A_874] {strides = array<i32>} : memref<64x16xi32, #tpu.memory_space<vmem>>, vector<16xi32>,
    tpu.vector_store %arg9[%swap3A_873, %swap3A_874], %broadcast_in_dim3A_627 {strides = array<i32>} : memref<64x16xi32, #tpu.memory_space<vmem>>, vector<16xi32>,
    %swap3A_876 = arith.constant 62 : i32
    %swap3A_877 = arith.index_cast %swap3A_876 : i32 to index
    %swap3A_878 = arith.constant 0 : index
    %swap3A_879 = tpu.vector_load %arg9[%swap3A_877, %swap3A_878] {strides = array<i32>} : memref<64x16xi32, #tpu.memory_space<vmem>>, vector<16xi32>,
    tpu.vector_store %arg9[%swap3A_877, %swap3A_878], %broadcast_in_dim3A_627 {strides = array<i32>} : memref<64x16xi32, #tpu.memory_space<vmem>>, vector<16xi32>,
    %swap3A_880 = arith.constant 63 : i32
    %swap3A_881 = arith.index_cast %swap3A_880 : i32 to index
    %swap3A_882 = arith.constant 0 : index
    %swap3A_883 = tpu.vector_load %arg9[%swap3A_881, %swap3A_882] {strides = array<i32>} : memref<64x16xi32, #tpu.memory_space<vmem>>, vector<16xi32>,
    tpu.vector_store %arg9[%swap3A_881, %swap3A_882], %broadcast_in_dim3A_627 {strides = array<i32>} : memref<64x16xi32, #tpu.memory_space<vmem>>, vector<16xi32>,
    %mul3A_884 = arith.constant 16 : i32
    %mul3A_885 = arith.muli %select_n3A_599, %mul3A_884 : i32
    %add3A_886 = vector.broadcast %mul3A_885 : i32 to vector<16xi32>
    %add3A_887 = arith.addi %broadcast_in_dim3A_627, %add3A_886 : vector<16xi32>
    %broadcast_in_dim3A_888 = arith.constant 1 : i32
    %broadcast_in_dim3A_889 = vector.broadcast %broadcast_in_dim3A_888 : i32 to vector<16xi32>
    %eq3A_890 = arith.constant 7 : i32
    %eq3A_891 = arith.cmpi eq, %select_n3A_613, %eq3A_890 : i32
    %jit3A_892 = arith.constant 762 : i32
    %jit3A_893 = arith.constant 784 : i32
    %select_n3A_894 = arith.select %eq3A_891, %jit3A_892, %jit3A_893 : i32
    %jit3A_895 = arith.constant 8 : i32
    %div3A_896 = arith.divsi %select_n3A_894, %jit3A_895 : i32
    %sign3A_897 = arith.constant 0 : i32
    %sign3A_898 = arith.cmpi sgt, %select_n3A_894, %sign3A_897 : i32
    %sign3A_899 = arith.extui %sign3A_898 : i1 to i32
    %sign3A_900 = arith.constant 0 : i32
    %sign3A_901 = arith.cmpi slt, %select_n3A_894, %sign3A_900 : i32
    %sign3A_902 = arith.extui %sign3A_901 : i1 to i32
    %sign3A_903 = arith.subi %sign3A_899, %sign3A_902 : i32
    %sign3A_904 = arith.constant 0 : i32
    %sign3A_905 = arith.cmpi sgt, %jit3A_895, %sign3A_904 : i32
    %sign3A_906 = arith.extui %sign3A_905 : i1 to i32
    %sign3A_907 = arith.constant 0 : i32
    %sign3A_908 = arith.cmpi slt, %jit3A_895, %sign3A_907 : i32
    %sign3A_909 = arith.extui %sign3A_908 : i1 to i32
    %sign3A_910 = arith.subi %sign3A_906, %sign3A_909 : i32
    %ne3A_911 = arith.cmpi ne, %sign3A_903, %sign3A_910 : i32
    %rem3A_912 = arith.remsi %select_n3A_894, %jit3A_895 : i32
    %ne3A_913 = arith.constant 0 : i32
    %ne3A_914 = arith.cmpi ne, %rem3A_912, %ne3A_913 : i32
    %and3A_915 = arith.andi %ne3A_911, %ne3A_914 : i1
    %sub3A_916 = arith.constant 1 : i32
    %sub3A_917 = arith.subi %div3A_896, %sub3A_916 : i32
    %select_n3A_918 = arith.select %and3A_915, %sub3A_917, %div3A_896 : i32
    %while3A = arith.constant 0 : i32
    %while3A_919 = arith.constant 0 : i32
    %while3A_920 = arith.subi %select_n3A_918, %while3A_919 : i32
    %while3A_921 = arith.addi %while3A_919, %while3A_920 : i32
    %while3A_922 = arith.constant 1 : i32
    %while3A_923 = arith.divsi %while3A_920, %while3A_922 : i32
    %while3A_924 = arith.muli %while3A_923, %while3A_922 : i32
    %while3A_925 = arith.addi %while3A_919, %while3A_924 : i32
    %while3A_926 = arith.constant 1 : i32
    scf.for %while3A_1697 = %while3A_919 to %while3A_925 step %while3A_926  : i32 {
      %mul3A_1698 = arith.constant 8 : i32
      %mul3A_1699 = arith.muli %while3A_1697, %mul3A_1698 : i32
      %add3A_1700 = arith.constant 0 : i32
      %add3A_1701 = arith.addi %mul3A_1699, %add3A_1700 : i32
      %get3A_1702 = arith.index_cast %add3A_1701 : i32 to index
      %get3A_1703 = arith.constant 0 : index
      %get3A_1704 = tpu.vector_load %arg8[%get3A_1702, %get3A_1703] {strides = array<i32>} : memref<784x16xi32, #tpu.memory_space<vmem>>, vector<16xi32>,
      %add3A_1705 = arith.addi %add3A_887, %get3A_1704 : vector<16xi32>
      tpu.vector_store_idx %arg9[%add3A_1705, %iota3A], %broadcast_in_dim3A_889 {add = true} : memref<64x16xi32, #tpu.memory_space<vmem>>[vector<16xi32>, vector<16xi32>], vector<16xi32>,
      %mul3A_1706 = arith.constant 8 : i32
      %mul3A_1707 = arith.muli %while3A_1697, %mul3A_1706 : i32
      %add3A_1708 = arith.constant 1 : i32
      %add3A_1709 = arith.addi %mul3A_1707, %add3A_1708 : i32
      %get3A_1710 = arith.index_cast %add3A_1709 : i32 to index
      %get3A_1711 = arith.constant 0 : index
      %get3A_1712 = tpu.vector_load %arg8[%get3A_1710, %get3A_1711] {strides = array<i32>} : memref<784x16xi32, #tpu.memory_space<vmem>>, vector<16xi32>,
      %add3A_1713 = arith.addi %add3A_887, %get3A_1712 : vector<16xi32>
      tpu.vector_store_idx %arg9[%add3A_1713, %iota3A], %broadcast_in_dim3A_889 {add = true} : memref<64x16xi32, #tpu.memory_space<vmem>>[vector<16xi32>, vector<16xi32>], vector<16xi32>,
      %mul3A_1714 = arith.constant 8 : i32
      %mul3A_1715 = arith.muli %while3A_1697, %mul3A_1714 : i32
      %add3A_1716 = arith.constant 2 : i32
      %add3A_1717 = arith.addi %mul3A_1715, %add3A_1716 : i32
      %get3A_1718 = arith.index_cast %add3A_1717 : i32 to index
      %get3A_1719 = arith.constant 0 : index
      %get3A_1720 = tpu.vector_load %arg8[%get3A_1718, %get3A_1719] {strides = array<i32>} : memref<784x16xi32, #tpu.memory_space<vmem>>, vector<16xi32>,
      %add3A_1721 = arith.addi %add3A_887, %get3A_1720 : vector<16xi32>
      tpu.vector_store_idx %arg9[%add3A_1721, %iota3A], %broadcast_in_dim3A_889 {add = true} : memref<64x16xi32, #tpu.memory_space<vmem>>[vector<16xi32>, vector<16xi32>], vector<16xi32>,
      %mul3A_1722 = arith.constant 8 : i32
      %mul3A_1723 = arith.muli %while3A_1697, %mul3A_1722 : i32
      %add3A_1724 = arith.constant 3 : i32
      %add3A_1725 = arith.addi %mul3A_1723, %add3A_1724 : i32
      %get3A_1726 = arith.index_cast %add3A_1725 : i32 to index
      %get3A_1727 = arith.constant 0 : index
      %get3A_1728 = tpu.vector_load %arg8[%get3A_1726, %get3A_1727] {strides = array<i32>} : memref<784x16xi32, #tpu.memory_space<vmem>>, vector<16xi32>,
      %add3A_1729 = arith.addi %add3A_887, %get3A_1728 : vector<16xi32>
      tpu.vector_store_idx %arg9[%add3A_1729, %iota3A], %broadcast_in_dim3A_889 {add = true} : memref<64x16xi32, #tpu.memory_space<vmem>>[vector<16xi32>, vector<16xi32>], vector<16xi32>,
      %mul3A_1730 = arith.constant 8 : i32
      %mul3A_1731 = arith.muli %while3A_1697, %mul3A_1730 : i32
      %add3A_1732 = arith.constant 4 : i32
      %add3A_1733 = arith.addi %mul3A_1731, %add3A_1732 : i32
      %get3A_1734 = arith.index_cast %add3A_1733 : i32 to index
      %get3A_1735 = arith.constant 0 : index
      %get3A_1736 = tpu.vector_load %arg8[%get3A_1734, %get3A_1735] {strides = array<i32>} : memref<784x16xi32, #tpu.memory_space<vmem>>, vector<16xi32>,
      %add3A_1737 = arith.addi %add3A_887, %get3A_1736 : vector<16xi32>
      tpu.vector_store_idx %arg9[%add3A_1737, %iota3A], %broadcast_in_dim3A_889 {add = true} : memref<64x16xi32, #tpu.memory_space<vmem>>[vector<16xi32>, vector<16xi32>], vector<16xi32>,
      %mul3A_1738 = arith.constant 8 : i32
      %mul3A_1739 = arith.muli %while3A_1697, %mul3A_1738 : i32
      %add3A_1740 = arith.constant 5 : i32
      %add3A_1741 = arith.addi %mul3A_1739, %add3A_1740 : i32
      %get3A_1742 = arith.index_cast %add3A_1741 : i32 to index
      %get3A_1743 = arith.constant 0 : index
      %get3A_1744 = tpu.vector_load %arg8[%get3A_1742, %get3A_1743] {strides = array<i32>} : memref<784x16xi32, #tpu.memory_space<vmem>>, vector<16xi32>,
      %add3A_1745 = arith.addi %add3A_887, %get3A_1744 : vector<16xi32>
      tpu.vector_store_idx %arg9[%add3A_1745, %iota3A], %broadcast_in_dim3A_889 {add = true} : memref<64x16xi32, #tpu.memory_space<vmem>>[vector<16xi32>, vector<16xi32>], vector<16xi32>,
      %mul3A_1746 = arith.constant 8 : i32
      %mul3A_1747 = arith.muli %while3A_1697, %mul3A_1746 : i32
      %add3A_1748 = arith.constant 6 : i32
      %add3A_1749 = arith.addi %mul3A_1747, %add3A_1748 : i32
      %get3A_1750 = arith.index_cast %add3A_1749 : i32 to index
      %get3A_1751 = arith.constant 0 : index
      %get3A_1752 = tpu.vector_load %arg8[%get3A_1750, %get3A_1751] {strides = array<i32>} : memref<784x16xi32, #tpu.memory_space<vmem>>, vector<16xi32>,
      %add3A_1753 = arith.addi %add3A_887, %get3A_1752 : vector<16xi32>
      tpu.vector_store_idx %arg9[%add3A_1753, %iota3A], %broadcast_in_dim3A_889 {add = true} : memref<64x16xi32, #tpu.memory_space<vmem>>[vector<16xi32>, vector<16xi32>], vector<16xi32>,
      %mul3A_1754 = arith.constant 8 : i32
      %mul3A_1755 = arith.muli %while3A_1697, %mul3A_1754 : i32
      %add3A_1756 = arith.constant 7 : i32
      %add3A_1757 = arith.addi %mul3A_1755, %add3A_1756 : i32
      %get3A_1758 = arith.index_cast %add3A_1757 : i32 to index
      %get3A_1759 = arith.constant 0 : index
      %get3A_1760 = tpu.vector_load %arg8[%get3A_1758, %get3A_1759] {strides = array<i32>} : memref<784x16xi32, #tpu.memory_space<vmem>>, vector<16xi32>,
      %add3A_1761 = arith.addi %add3A_887, %get3A_1760 : vector<16xi32>
      tpu.vector_store_idx %arg9[%add3A_1761, %iota3A], %broadcast_in_dim3A_889 {add = true} : memref<64x16xi32, #tpu.memory_space<vmem>>[vector<16xi32>, vector<16xi32>], vector<16xi32>,
    }
    %while3A_927 = arith.constant 1 : i32
    scf.for %while3A_1697 = %while3A_925 to %while3A_921 step %while3A_927  : i32 {
      %mul3A_1698 = arith.constant 8 : i32
      %mul3A_1699 = arith.muli %while3A_1697, %mul3A_1698 : i32
      %add3A_1700 = arith.constant 0 : i32
      %add3A_1701 = arith.addi %mul3A_1699, %add3A_1700 : i32
      %get3A_1702 = arith.index_cast %add3A_1701 : i32 to index
      %get3A_1703 = arith.constant 0 : index
      %get3A_1704 = tpu.vector_load %arg8[%get3A_1702, %get3A_1703] {strides = array<i32>} : memref<784x16xi32, #tpu.memory_space<vmem>>, vector<16xi32>,
      %add3A_1705 = arith.addi %add3A_887, %get3A_1704 : vector<16xi32>
      tpu.vector_store_idx %arg9[%add3A_1705, %iota3A], %broadcast_in_dim3A_889 {add = true} : memref<64x16xi32, #tpu.memory_space<vmem>>[vector<16xi32>, vector<16xi32>], vector<16xi32>,
      %mul3A_1706 = arith.constant 8 : i32
      %mul3A_1707 = arith.muli %while3A_1697, %mul3A_1706 : i32
      %add3A_1708 = arith.constant 1 : i32
      %add3A_1709 = arith.addi %mul3A_1707, %add3A_1708 : i32
      %get3A_1710 = arith.index_cast %add3A_1709 : i32 to index
      %get3A_1711 = arith.constant 0 : index
      %get3A_1712 = tpu.vector_load %arg8[%get3A_1710, %get3A_1711] {strides = array<i32>} : memref<784x16xi32, #tpu.memory_space<vmem>>, vector<16xi32>,
      %add3A_1713 = arith.addi %add3A_887, %get3A_1712 : vector<16xi32>
      tpu.vector_store_idx %arg9[%add3A_1713, %iota3A], %broadcast_in_dim3A_889 {add = true} : memref<64x16xi32, #tpu.memory_space<vmem>>[vector<16xi32>, vector<16xi32>], vector<16xi32>,
      %mul3A_1714 = arith.constant 8 : i32
      %mul3A_1715 = arith.muli %while3A_1697, %mul3A_1714 : i32
      %add3A_1716 = arith.constant 2 : i32
      %add3A_1717 = arith.addi %mul3A_1715, %add3A_1716 : i32
      %get3A_1718 = arith.index_cast %add3A_1717 : i32 to index
      %get3A_1719 = arith.constant 0 : index
      %get3A_1720 = tpu.vector_load %arg8[%get3A_1718, %get3A_1719] {strides = array<i32>} : memref<784x16xi32, #tpu.memory_space<vmem>>, vector<16xi32>,
      %add3A_1721 = arith.addi %add3A_887, %get3A_1720 : vector<16xi32>
      tpu.vector_store_idx %arg9[%add3A_1721, %iota3A], %broadcast_in_dim3A_889 {add = true} : memref<64x16xi32, #tpu.memory_space<vmem>>[vector<16xi32>, vector<16xi32>], vector<16xi32>,
      %mul3A_1722 = arith.constant 8 : i32
      %mul3A_1723 = arith.muli %while3A_1697, %mul3A_1722 : i32
      %add3A_1724 = arith.constant 3 : i32
      %add3A_1725 = arith.addi %mul3A_1723, %add3A_1724 : i32
      %get3A_1726 = arith.index_cast %add3A_1725 : i32 to index
      %get3A_1727 = arith.constant 0 : index
      %get3A_1728 = tpu.vector_load %arg8[%get3A_1726, %get3A_1727] {strides = array<i32>} : memref<784x16xi32, #tpu.memory_space<vmem>>, vector<16xi32>,
      %add3A_1729 = arith.addi %add3A_887, %get3A_1728 : vector<16xi32>
      tpu.vector_store_idx %arg9[%add3A_1729, %iota3A], %broadcast_in_dim3A_889 {add = true} : memref<64x16xi32, #tpu.memory_space<vmem>>[vector<16xi32>, vector<16xi32>], vector<16xi32>,
      %mul3A_1730 = arith.constant 8 : i32
      %mul3A_1731 = arith.muli %while3A_1697, %mul3A_1730 : i32
      %add3A_1732 = arith.constant 4 : i32
      %add3A_1733 = arith.addi %mul3A_1731, %add3A_1732 : i32
      %get3A_1734 = arith.index_cast %add3A_1733 : i32 to index
      %get3A_1735 = arith.constant 0 : index
      %get3A_1736 = tpu.vector_load %arg8[%get3A_1734, %get3A_1735] {strides = array<i32>} : memref<784x16xi32, #tpu.memory_space<vmem>>, vector<16xi32>,
      %add3A_1737 = arith.addi %add3A_887, %get3A_1736 : vector<16xi32>
      tpu.vector_store_idx %arg9[%add3A_1737, %iota3A], %broadcast_in_dim3A_889 {add = true} : memref<64x16xi32, #tpu.memory_space<vmem>>[vector<16xi32>, vector<16xi32>], vector<16xi32>,
      %mul3A_1738 = arith.constant 8 : i32
      %mul3A_1739 = arith.muli %while3A_1697, %mul3A_1738 : i32
      %add3A_1740 = arith.constant 5 : i32
      %add3A_1741 = arith.addi %mul3A_1739, %add3A_1740 : i32
      %get3A_1742 = arith.index_cast %add3A_1741 : i32 to index
      %get3A_1743 = arith.constant 0 : index
      %get3A_1744 = tpu.vector_load %arg8[%get3A_1742, %get3A_1743] {strides = array<i32>} : memref<784x16xi32, #tpu.memory_space<vmem>>, vector<16xi32>,
      %add3A_1745 = arith.addi %add3A_887, %get3A_1744 : vector<16xi32>
      tpu.vector_store_idx %arg9[%add3A_1745, %iota3A], %broadcast_in_dim3A_889 {add = true} : memref<64x16xi32, #tpu.memory_space<vmem>>[vector<16xi32>, vector<16xi32>], vector<16xi32>,
      %mul3A_1746 = arith.constant 8 : i32
      %mul3A_1747 = arith.muli %while3A_1697, %mul3A_1746 : i32
      %add3A_1748 = arith.constant 6 : i32
      %add3A_1749 = arith.addi %mul3A_1747, %add3A_1748 : i32
      %get3A_1750 = arith.index_cast %add3A_1749 : i32 to index
      %get3A_1751 = arith.constant 0 : index
      %get3A_1752 = tpu.vector_load %arg8[%get3A_1750, %get3A_1751] {strides = array<i32>} : memref<784x16xi32, #tpu.memory_space<vmem>>, vector<16xi32>,
      %add3A_1753 = arith.addi %add3A_887, %get3A_1752 : vector<16xi32>
      tpu.vector_store_idx %arg9[%add3A_1753, %iota3A], %broadcast_in_dim3A_889 {add = true} : memref<64x16xi32, #tpu.memory_space<vmem>>[vector<16xi32>, vector<16xi32>], vector<16xi32>,
      %mul3A_1754 = arith.constant 8 : i32
      %mul3A_1755 = arith.muli %while3A_1697, %mul3A_1754 : i32
      %add3A_1756 = arith.constant 7 : i32
      %add3A_1757 = arith.addi %mul3A_1755, %add3A_1756 : i32
      %get3A_1758 = arith.index_cast %add3A_1757 : i32 to index
      %get3A_1759 = arith.constant 0 : index
      %get3A_1760 = tpu.vector_load %arg8[%get3A_1758, %get3A_1759] {strides = array<i32>} : memref<784x16xi32, #tpu.memory_space<vmem>>, vector<16xi32>,
      %add3A_1761 = arith.addi %add3A_887, %get3A_1760 : vector<16xi32>
      tpu.vector_store_idx %arg9[%add3A_1761, %iota3A], %broadcast_in_dim3A_889 {add = true} : memref<64x16xi32, #tpu.memory_space<vmem>>[vector<16xi32>, vector<16xi32>], vector<16xi32>,
    }
    %mul3A_928 = arith.constant 8 : i32
    %mul3A_929 = arith.muli %select_n3A_918, %mul3A_928 : i32
    %while3A_930 = arith.constant 0 : i32
    %while3A_931 = arith.subi %select_n3A_894, %mul3A_929 : i32
    %while3A_932 = arith.addi %mul3A_929, %while3A_931 : i32
    %while3A_933 = arith.constant 1 : i32
    %while3A_934 = arith.divsi %while3A_931, %while3A_933 : i32
    %while3A_935 = arith.muli %while3A_934, %while3A_933 : i32
    %while3A_936 = arith.addi %mul3A_929, %while3A_935 : i32
    %while3A_937 = arith.constant 1 : i32
    scf.for %while3A_1697 = %mul3A_929 to %while3A_936 step %while3A_937  : i32 {
      %get3A_1698 = arith.index_cast %while3A_1697 : i32 to index
      %get3A_1699 = arith.constant 0 : index
      %get3A_1700 = tpu.vector_load %arg8[%get3A_1698, %get3A_1699] {strides = array<i32>} : memref<784x16xi32, #tpu.memory_space<vmem>>, vector<16xi32>,
      %add3A_1701 = arith.addi %add3A_887, %get3A_1700 : vector<16xi32>
      tpu.vector_store_idx %arg9[%add3A_1701, %iota3A], %broadcast_in_dim3A_889 {add = true} : memref<64x16xi32, #tpu.memory_space<vmem>>[vector<16xi32>, vector<16xi32>], vector<16xi32>,
    }
    %while3A_938 = arith.constant 1 : i32
    scf.for %while3A_1697 = %while3A_936 to %while3A_932 step %while3A_938  : i32 {
      %get3A_1698 = arith.index_cast %while3A_1697 : i32 to index
      %get3A_1699 = arith.constant 0 : index
      %get3A_1700 = tpu.vector_load %arg8[%get3A_1698, %get3A_1699] {strides = array<i32>} : memref<784x16xi32, #tpu.memory_space<vmem>>, vector<16xi32>,
      %add3A_1701 = arith.addi %add3A_887, %get3A_1700 : vector<16xi32>
      tpu.vector_store_idx %arg9[%add3A_1701, %iota3A], %broadcast_in_dim3A_889 {add = true} : memref<64x16xi32, #tpu.memory_space<vmem>>[vector<16xi32>, vector<16xi32>], vector<16xi32>,
    }
    "tpu.region"() ({
      %run_scoped3A = tpu.sem_alloc : memref<!tpu.dma_semaphore, #tpu.memory_space<semaphore_mem>>
      %dma_start3A_1697 = arith.constant 0 : i32
      %dma_start3A_1698 = arith.constant 0 : i32
      %dma_start3A_1699 = tpu.memref_slice %arg5[%add3A, %dma_start3A_1697, %dma_start3A_1698] : memref<32x64x16xi32, #tpu.memory_space<hbm>> -> memref<1x64x16xi32, #tpu.memory_space<hbm>>
      %dma_start3A_1700 = tpu.memref_squeeze %dma_start3A_1699 : memref<1x64x16xi32, #tpu.memory_space<hbm>> -> memref<64x16xi32, #tpu.memory_space<hbm>>
      %dma_start3A_1701 = arith.constant 0 : i32
      %dma_start3A_1702 = arith.constant 0 : i32
      %dma_start3A_1703 = tpu.memref_slice %arg5[%add3A, %dma_start3A_1701, %dma_start3A_1702] : memref<32x64x16xi32, #tpu.memory_space<hbm>> -> memref<1x64x16xi32, #tpu.memory_space<hbm>>
      %dma_start3A_1704 = tpu.memref_squeeze %dma_start3A_1703 : memref<1x64x16xi32, #tpu.memory_space<hbm>> -> memref<64x16xi32, #tpu.memory_space<hbm>>
      tpu.enqueue_dma source(%arg9 : memref<64x16xi32, #tpu.memory_space<vmem>>) target(%dma_start3A_1704 : memref<64x16xi32, #tpu.memory_space<hbm>>) target_semaphore(%run_scoped3A : memref<!tpu.dma_semaphore, #tpu.memory_space<semaphore_mem>>)
      %dma_wait3A_1705 = arith.constant 0 : i32
      %dma_wait3A_1706 = arith.constant 0 : i32
      %dma_wait3A_1707 = tpu.memref_slice %arg5[%add3A, %dma_wait3A_1705, %dma_wait3A_1706] : memref<32x64x16xi32, #tpu.memory_space<hbm>> -> memref<1x64x16xi32, #tpu.memory_space<hbm>>
      %dma_wait3A_1708 = tpu.memref_squeeze %dma_wait3A_1707 : memref<1x64x16xi32, #tpu.memory_space<hbm>> -> memref<64x16xi32, #tpu.memory_space<hbm>>
      %dma_wait3A_1709 = arith.constant 0 : i32
      %dma_wait3A_1710 = arith.constant 0 : i32
      %dma_wait3A_1711 = tpu.memref_slice %arg5[%add3A, %dma_wait3A_1709, %dma_wait3A_1710] : memref<32x64x16xi32, #tpu.memory_space<hbm>> -> memref<1x64x16xi32, #tpu.memory_space<hbm>>
      %dma_wait3A_1712 = tpu.memref_squeeze %dma_wait3A_1711 : memref<1x64x16xi32, #tpu.memory_space<hbm>> -> memref<64x16xi32, #tpu.memory_space<hbm>>
      tpu.wait_dma2 semaphore(%run_scoped3A : memref<!tpu.dma_semaphore, #tpu.memory_space<semaphore_mem>>) src(%arg9 : memref<64x16xi32, #tpu.memory_space<vmem>>) dst(%dma_wait3A_1712 : memref<64x16xi32, #tpu.memory_space<hbm>>)
      tpu.yield
    }) : () -> ()
    %dma_wait3A = arith.constant 0 : i32
    %dma_wait3A_939 = arith.constant 0 : i32
    %dma_wait3A_940 = arith.constant 0 : i32
    %dma_wait3A_941 = arith.constant 0 : i32
    %dma_wait3A_942 = tpu.memref_slice %arg12[%dma_wait3A_939, %dma_wait3A_940, %dma_wait3A_941] : memref<4x128x16xi32, #tpu.memory_space<vmem>> -> memref<1x128x16xi32, #tpu.memory_space<vmem>>
    %dma_wait3A_943 = tpu.memref_squeeze %dma_wait3A_942 : memref<1x128x16xi32, #tpu.memory_space<vmem>> -> memref<128x16xi32, #tpu.memory_space<vmem>>
    %dma_wait3A_944 = arith.constant 0 : i32
    %dma_wait3A_945 = tpu.memref_slice %arg11[%dma_wait3A, %dma_wait3A_944] : memref<4x128xi32, #tpu.memory_space<vmem>> -> memref<1x128xi32, #tpu.memory_space<vmem>>
    %dma_wait3A_946 = tpu.memref_squeeze %dma_wait3A_945 : memref<1x128xi32, #tpu.memory_space<vmem>> -> memref<128xi32, #tpu.memory_space<vmem>>
    %dma_wait3A_947 = arith.constant 0 : i32
    %dma_wait3A_948 = arith.constant 0 : i32
    %dma_wait3A_949 = tpu.memref_slice %arg2[%dma_wait3A_947, %dma_wait3A_948] : memref<25000x16xi32, #tpu.memory_space<hbm>> -> memref<25000x16xi32, #tpu.memory_space<hbm>>
    tpu.wait_indirect_dma semaphore(%arg16 : memref<!tpu.dma_semaphore, #tpu.memory_space<semaphore_mem>>) src(%dma_wait3A_949 : memref<25000x16xi32, #tpu.memory_space<hbm>>) dst(%dma_wait3A_943 : memref<128x16xi32, #tpu.memory_space<vmem>>)
    %dma_wait3A_950 = arith.constant 0 : i32
    %dma_wait3A_951 = arith.constant 0 : i32
    %dma_wait3A_952 = arith.constant 0 : i32
    %dma_wait3A_953 = arith.constant 0 : i32
    %dma_wait3A_954 = tpu.memref_slice %arg13[%dma_wait3A_951, %dma_wait3A_952, %dma_wait3A_953] : memref<4x128x16xf32, #tpu.memory_space<vmem>> -> memref<1x128x16xf32, #tpu.memory_space<vmem>>
    %dma_wait3A_955 = tpu.memref_squeeze %dma_wait3A_954 : memref<1x128x16xf32, #tpu.memory_space<vmem>> -> memref<128x16xf32, #tpu.memory_space<vmem>>
    %dma_wait3A_956 = arith.constant 0 : i32
    %dma_wait3A_957 = tpu.memref_slice %arg11[%dma_wait3A_950, %dma_wait3A_956] : memref<4x128xi32, #tpu.memory_space<vmem>> -> memref<1x128xi32, #tpu.memory_space<vmem>>
    %dma_wait3A_958 = tpu.memref_squeeze %dma_wait3A_957 : memref<1x128xi32, #tpu.memory_space<vmem>> -> memref<128xi32, #tpu.memory_space<vmem>>
    %dma_wait3A_959 = arith.constant 0 : i32
    %dma_wait3A_960 = arith.constant 0 : i32
    %dma_wait3A_961 = tpu.memref_slice %arg3[%dma_wait3A_959, %dma_wait3A_960] : memref<25000x16xf32, #tpu.memory_space<hbm>> -> memref<25000x16xf32, #tpu.memory_space<hbm>>
    tpu.wait_indirect_dma semaphore(%arg17 : memref<!tpu.dma_semaphore, #tpu.memory_space<semaphore_mem>>) src(%dma_wait3A_961 : memref<25000x16xf32, #tpu.memory_space<hbm>>) dst(%dma_wait3A_955 : memref<128x16xf32, #tpu.memory_space<vmem>>)
    %dma_wait3A_962 = arith.constant 1 : i32
    %dma_wait3A_963 = arith.constant 1 : i32
    %dma_wait3A_964 = arith.constant 0 : i32
    %dma_wait3A_965 = arith.constant 0 : i32
    %dma_wait3A_966 = tpu.memref_slice %arg12[%dma_wait3A_963, %dma_wait3A_964, %dma_wait3A_965] : memref<4x128x16xi32, #tpu.memory_space<vmem>> -> memref<1x128x16xi32, #tpu.memory_space<vmem>>
    %dma_wait3A_967 = tpu.memref_squeeze %dma_wait3A_966 : memref<1x128x16xi32, #tpu.memory_space<vmem>> -> memref<128x16xi32, #tpu.memory_space<vmem>>
    %dma_wait3A_968 = arith.constant 0 : i32
    %dma_wait3A_969 = tpu.memref_slice %arg11[%dma_wait3A_962, %dma_wait3A_968] : memref<4x128xi32, #tpu.memory_space<vmem>> -> memref<1x128xi32, #tpu.memory_space<vmem>>
    %dma_wait3A_970 = tpu.memref_squeeze %dma_wait3A_969 : memref<1x128xi32, #tpu.memory_space<vmem>> -> memref<128xi32, #tpu.memory_space<vmem>>
    %dma_wait3A_971 = arith.constant 0 : i32
    %dma_wait3A_972 = arith.constant 0 : i32
    %dma_wait3A_973 = tpu.memref_slice %arg2[%dma_wait3A_971, %dma_wait3A_972] : memref<25000x16xi32, #tpu.memory_space<hbm>> -> memref<25000x16xi32, #tpu.memory_space<hbm>>
    tpu.wait_indirect_dma semaphore(%arg16 : memref<!tpu.dma_semaphore, #tpu.memory_space<semaphore_mem>>) src(%dma_wait3A_973 : memref<25000x16xi32, #tpu.memory_space<hbm>>) dst(%dma_wait3A_967 : memref<128x16xi32, #tpu.memory_space<vmem>>)
    %dma_wait3A_974 = arith.constant 1 : i32
    %dma_wait3A_975 = arith.constant 1 : i32
    %dma_wait3A_976 = arith.constant 0 : i32
    %dma_wait3A_977 = arith.constant 0 : i32
    %dma_wait3A_978 = tpu.memref_slice %arg13[%dma_wait3A_975, %dma_wait3A_976, %dma_wait3A_977] : memref<4x128x16xf32, #tpu.memory_space<vmem>> -> memref<1x128x16xf32, #tpu.memory_space<vmem>>
    %dma_wait3A_979 = tpu.memref_squeeze %dma_wait3A_978 : memref<1x128x16xf32, #tpu.memory_space<vmem>> -> memref<128x16xf32, #tpu.memory_space<vmem>>
    %dma_wait3A_980 = arith.constant 0 : i32
    %dma_wait3A_981 = tpu.memref_slice %arg11[%dma_wait3A_974, %dma_wait3A_980] : memref<4x128xi32, #tpu.memory_space<vmem>> -> memref<1x128xi32, #tpu.memory_space<vmem>>
    %dma_wait3A_982 = tpu.memref_squeeze %dma_wait3A_981 : memref<1x128xi32, #tpu.memory_space<vmem>> -> memref<128xi32, #tpu.memory_space<vmem>>
    %dma_wait3A_983 = arith.constant 0 : i32
    %dma_wait3A_984 = arith.constant 0 : i32
    %dma_wait3A_985 = tpu.memref_slice %arg3[%dma_wait3A_983, %dma_wait3A_984] : memref<25000x16xf32, #tpu.memory_space<hbm>> -> memref<25000x16xf32, #tpu.memory_space<hbm>>
    tpu.wait_indirect_dma semaphore(%arg17 : memref<!tpu.dma_semaphore, #tpu.memory_space<semaphore_mem>>) src(%dma_wait3A_985 : memref<25000x16xf32, #tpu.memory_space<hbm>>) dst(%dma_wait3A_979 : memref<128x16xf32, #tpu.memory_space<vmem>>)
    %dma_wait3A_986 = arith.constant 2 : i32
    %dma_wait3A_987 = arith.constant 2 : i32
    %dma_wait3A_988 = arith.constant 0 : i32
    %dma_wait3A_989 = arith.constant 0 : i32
    %dma_wait3A_990 = tpu.memref_slice %arg12[%dma_wait3A_987, %dma_wait3A_988, %dma_wait3A_989] : memref<4x128x16xi32, #tpu.memory_space<vmem>> -> memref<1x128x16xi32, #tpu.memory_space<vmem>>
    %dma_wait3A_991 = tpu.memref_squeeze %dma_wait3A_990 : memref<1x128x16xi32, #tpu.memory_space<vmem>> -> memref<128x16xi32, #tpu.memory_space<vmem>>
    %dma_wait3A_992 = arith.constant 0 : i32
    %dma_wait3A_993 = tpu.memref_slice %arg11[%dma_wait3A_986, %dma_wait3A_992] : memref<4x128xi32, #tpu.memory_space<vmem>> -> memref<1x128xi32, #tpu.memory_space<vmem>>
    %dma_wait3A_994 = tpu.memref_squeeze %dma_wait3A_993 : memref<1x128xi32, #tpu.memory_space<vmem>> -> memref<128xi32, #tpu.memory_space<vmem>>
    %dma_wait3A_995 = arith.constant 0 : i32
    %dma_wait3A_996 = arith.constant 0 : i32
    %dma_wait3A_997 = tpu.memref_slice %arg2[%dma_wait3A_995, %dma_wait3A_996] : memref<25000x16xi32, #tpu.memory_space<hbm>> -> memref<25000x16xi32, #tpu.memory_space<hbm>>
    tpu.wait_indirect_dma semaphore(%arg16 : memref<!tpu.dma_semaphore, #tpu.memory_space<semaphore_mem>>) src(%dma_wait3A_997 : memref<25000x16xi32, #tpu.memory_space<hbm>>) dst(%dma_wait3A_991 : memref<128x16xi32, #tpu.memory_space<vmem>>)
    %dma_wait3A_998 = arith.constant 2 : i32
    %dma_wait3A_999 = arith.constant 2 : i32
    %dma_wait3A_1000 = arith.constant 0 : i32
    %dma_wait3A_1001 = arith.constant 0 : i32
    %dma_wait3A_1002 = tpu.memref_slice %arg13[%dma_wait3A_999, %dma_wait3A_1000, %dma_wait3A_1001] : memref<4x128x16xf32, #tpu.memory_space<vmem>> -> memref<1x128x16xf32, #tpu.memory_space<vmem>>
    %dma_wait3A_1003 = tpu.memref_squeeze %dma_wait3A_1002 : memref<1x128x16xf32, #tpu.memory_space<vmem>> -> memref<128x16xf32, #tpu.memory_space<vmem>>
    %dma_wait3A_1004 = arith.constant 0 : i32
    %dma_wait3A_1005 = tpu.memref_slice %arg11[%dma_wait3A_998, %dma_wait3A_1004] : memref<4x128xi32, #tpu.memory_space<vmem>> -> memref<1x128xi32, #tpu.memory_space<vmem>>
    %dma_wait3A_1006 = tpu.memref_squeeze %dma_wait3A_1005 : memref<1x128xi32, #tpu.memory_space<vmem>> -> memref<128xi32, #tpu.memory_space<vmem>>
    %dma_wait3A_1007 = arith.constant 0 : i32
    %dma_wait3A_1008 = arith.constant 0 : i32
    %dma_wait3A_1009 = tpu.memref_slice %arg3[%dma_wait3A_1007, %dma_wait3A_1008] : memref<25000x16xf32, #tpu.memory_space<hbm>> -> memref<25000x16xf32, #tpu.memory_space<hbm>>
    tpu.wait_indirect_dma semaphore(%arg17 : memref<!tpu.dma_semaphore, #tpu.memory_space<semaphore_mem>>) src(%dma_wait3A_1009 : memref<25000x16xf32, #tpu.memory_space<hbm>>) dst(%dma_wait3A_1003 : memref<128x16xf32, #tpu.memory_space<vmem>>)
    %dma_wait3A_1010 = arith.constant 3 : i32
    %dma_wait3A_1011 = arith.constant 3 : i32
    %dma_wait3A_1012 = arith.constant 0 : i32
    %dma_wait3A_1013 = arith.constant 0 : i32
    %dma_wait3A_1014 = tpu.memref_slice %arg12[%dma_wait3A_1011, %dma_wait3A_1012, %dma_wait3A_1013] : memref<4x128x16xi32, #tpu.memory_space<vmem>> -> memref<1x128x16xi32, #tpu.memory_space<vmem>>
    %dma_wait3A_1015 = tpu.memref_squeeze %dma_wait3A_1014 : memref<1x128x16xi32, #tpu.memory_space<vmem>> -> memref<128x16xi32, #tpu.memory_space<vmem>>
    %dma_wait3A_1016 = arith.constant 0 : i32
    %dma_wait3A_1017 = tpu.memref_slice %arg11[%dma_wait3A_1010, %dma_wait3A_1016] : memref<4x128xi32, #tpu.memory_space<vmem>> -> memref<1x128xi32, #tpu.memory_space<vmem>>
    %dma_wait3A_1018 = tpu.memref_squeeze %dma_wait3A_1017 : memref<1x128xi32, #tpu.memory_space<vmem>> -> memref<128xi32, #tpu.memory_space<vmem>>
    %dma_wait3A_1019 = arith.constant 0 : i32
    %dma_wait3A_1020 = arith.constant 0 : i32
    %dma_wait3A_1021 = tpu.memref_slice %arg2[%dma_wait3A_1019, %dma_wait3A_1020] : memref<25000x16xi32, #tpu.memory_space<hbm>> -> memref<25000x16xi32, #tpu.memory_space<hbm>>
    tpu.wait_indirect_dma semaphore(%arg16 : memref<!tpu.dma_semaphore, #tpu.memory_space<semaphore_mem>>) src(%dma_wait3A_1021 : memref<25000x16xi32, #tpu.memory_space<hbm>>) dst(%dma_wait3A_1015 : memref<128x16xi32, #tpu.memory_space<vmem>>)
    %dma_wait3A_1022 = arith.constant 3 : i32
    %dma_wait3A_1023 = arith.constant 3 : i32
    %dma_wait3A_1024 = arith.constant 0 : i32
    %dma_wait3A_1025 = arith.constant 0 : i32
    %dma_wait3A_1026 = tpu.memref_slice %arg13[%dma_wait3A_1023, %dma_wait3A_1024, %dma_wait3A_1025] : memref<4x128x16xf32, #tpu.memory_space<vmem>> -> memref<1x128x16xf32, #tpu.memory_space<vmem>>
    %dma_wait3A_1027 = tpu.memref_squeeze %dma_wait3A_1026 : memref<1x128x16xf32, #tpu.memory_space<vmem>> -> memref<128x16xf32, #tpu.memory_space<vmem>>
    %dma_wait3A_1028 = arith.constant 0 : i32
    %dma_wait3A_1029 = tpu.memref_slice %arg11[%dma_wait3A_1022, %dma_wait3A_1028] : memref<4x128xi32, #tpu.memory_space<vmem>> -> memref<1x128xi32, #tpu.memory_space<vmem>>
    %dma_wait3A_1030 = tpu.memref_squeeze %dma_wait3A_1029 : memref<1x128xi32, #tpu.memory_space<vmem>> -> memref<128xi32, #tpu.memory_space<vmem>>
    %dma_wait3A_1031 = arith.constant 0 : i32
    %dma_wait3A_1032 = arith.constant 0 : i32
    %dma_wait3A_1033 = tpu.memref_slice %arg3[%dma_wait3A_1031, %dma_wait3A_1032] : memref<25000x16xf32, #tpu.memory_space<hbm>> -> memref<25000x16xf32, #tpu.memory_space<hbm>>
    tpu.wait_indirect_dma semaphore(%arg17 : memref<!tpu.dma_semaphore, #tpu.memory_space<semaphore_mem>>) src(%dma_wait3A_1033 : memref<25000x16xf32, #tpu.memory_space<hbm>>) dst(%dma_wait3A_1027 : memref<128x16xf32, #tpu.memory_space<vmem>>)
    %add3A_1034 = arith.constant 0 : i32
    %add3A_1035 = vector.broadcast %add3A_1034 : i32 to vector<16xi32>
    %add3A_1036 = arith.addi %iota3A, %add3A_1035 : vector<16xi32>
    %get3A_1037 = arith.constant 0 : index
    %get3A_1038 = tpu.vector_load %arg10[%get3A_1037] {strides = array<i32>} : memref<128xi32, #tpu.memory_space<vmem>>, vector<16xi32>,
    %jit3A_1039 = arith.constant 16 : i32
    %eq3A_1040 = arith.constant 0 : i32
    %eq3A_1041 = arith.cmpi eq, %jit3A_1039, %eq3A_1040 : i32
    %jit3A_1042 = arith.constant 1 : i32
    %select_n3A_1043 = arith.select %eq3A_1041, %jit3A_1042, %jit3A_1039 : i32
    %rem3A_1044 = vector.broadcast %select_n3A_1043 : i32 to vector<16xi32>
    %rem3A_1045 = arith.remsi %get3A_1038, %rem3A_1044 : vector<16xi32>
    %ne3A_1046 = arith.constant 0 : i32
    %ne3A_1047 = vector.broadcast %ne3A_1046 : i32 to vector<16xi32>
    %ne3A_1048 = arith.cmpi ne, %rem3A_1045, %ne3A_1047 : vector<16xi32>
    %lt3A_1049 = arith.constant 0 : i32
    %lt3A_1050 = vector.broadcast %lt3A_1049 : i32 to vector<16xi32>
    %lt3A_1051 = arith.cmpi slt, %rem3A_1045, %lt3A_1050 : vector<16xi32>
    %lt3A_1052 = arith.constant 0 : i32
    %lt3A_1053 = arith.cmpi slt, %select_n3A_1043, %lt3A_1052 : i32
    %ne3A_1054 = vector.broadcast %lt3A_1053 : i1 to vector<16xi1>
    %ne3A_1055 = vector.broadcast %ne3A_1054 : vector<16xi1> to vector<16xi1>
    %ne3A_1056 = arith.xori %lt3A_1051, %ne3A_1055 : vector<16xi1>
    %and3A_1057 = arith.andi %ne3A_1056, %ne3A_1048 : vector<16xi1>
    %add3A_1058 = vector.broadcast %select_n3A_1043 : i32 to vector<16xi32>
    %add3A_1059 = arith.addi %rem3A_1045, %add3A_1058 : vector<16xi32>
    %select_n3A_1060 = arith.select %and3A_1057, %add3A_1059, %rem3A_1045 : vector<16xi1>, vector<16xi32>
    %broadcast_in_dim3A_1061 = arith.constant 0 : i32
    %broadcast_in_dim3A_1062 = vector.broadcast %broadcast_in_dim3A_1061 : i32 to vector<16xi32>
    %gather3A = tpu.vector_load_idx %arg12[%broadcast_in_dim3A_1062, %add3A_1036, %select_n3A_1060] : memref<4x128x16xi32, #tpu.memory_space<vmem>>[vector<16xi32>, vector<16xi32>, vector<16xi32>], vector<16xi32>,
    %swap3A_1063 = arith.constant 0 : i32
    %swap3A_1064 = arith.index_cast %swap3A_1063 : i32 to index
    %swap3A_1065 = arith.constant 0 : index
    %swap3A_1066 = tpu.vector_load %arg14[%swap3A_1064, %swap3A_1065] {strides = array<i32>} : memref<4x128xi32, #tpu.memory_space<vmem>>, vector<16xi32>,
    tpu.vector_store %arg14[%swap3A_1064, %swap3A_1065], %gather3A {strides = array<i32>} : memref<4x128xi32, #tpu.memory_space<vmem>>, vector<16xi32>,
    %broadcast_in_dim3A_1067 = arith.constant 0 : i32
    %broadcast_in_dim3A_1068 = vector.broadcast %broadcast_in_dim3A_1067 : i32 to vector<16xi32>
    %gather3A_1069 = tpu.vector_load_idx %arg13[%broadcast_in_dim3A_1068, %add3A_1036, %select_n3A_1060] : memref<4x128x16xf32, #tpu.memory_space<vmem>>[vector<16xi32>, vector<16xi32>, vector<16xi32>], vector<16xf32>,
    %swap3A_1070 = arith.constant 0 : i32
    %swap3A_1071 = arith.index_cast %swap3A_1070 : i32 to index
    %swap3A_1072 = arith.constant 0 : index
    %swap3A_1073 = tpu.vector_load %arg15[%swap3A_1071, %swap3A_1072] {strides = array<i32>} : memref<4x128xf32, #tpu.memory_space<vmem>>, vector<16xf32>,
    tpu.vector_store %arg15[%swap3A_1071, %swap3A_1072], %gather3A_1069 {strides = array<i32>} : memref<4x128xf32, #tpu.memory_space<vmem>>, vector<16xf32>,
    %broadcast_in_dim3A_1074 = arith.constant 1 : i32
    %broadcast_in_dim3A_1075 = vector.broadcast %broadcast_in_dim3A_1074 : i32 to vector<16xi32>
    %gather3A_1076 = tpu.vector_load_idx %arg12[%broadcast_in_dim3A_1075, %add3A_1036, %select_n3A_1060] : memref<4x128x16xi32, #tpu.memory_space<vmem>>[vector<16xi32>, vector<16xi32>, vector<16xi32>], vector<16xi32>,
    %swap3A_1077 = arith.constant 1 : i32
    %swap3A_1078 = arith.index_cast %swap3A_1077 : i32 to index
    %swap3A_1079 = arith.constant 0 : index
    %swap3A_1080 = tpu.vector_load %arg14[%swap3A_1078, %swap3A_1079] {strides = array<i32>} : memref<4x128xi32, #tpu.memory_space<vmem>>, vector<16xi32>,
    tpu.vector_store %arg14[%swap3A_1078, %swap3A_1079], %gather3A_1076 {strides = array<i32>} : memref<4x128xi32, #tpu.memory_space<vmem>>, vector<16xi32>,
    %broadcast_in_dim3A_1081 = arith.constant 1 : i32
    %broadcast_in_dim3A_1082 = vector.broadcast %broadcast_in_dim3A_1081 : i32 to vector<16xi32>
    %gather3A_1083 = tpu.vector_load_idx %arg13[%broadcast_in_dim3A_1082, %add3A_1036, %select_n3A_1060] : memref<4x128x16xf32, #tpu.memory_space<vmem>>[vector<16xi32>, vector<16xi32>, vector<16xi32>], vector<16xf32>,
    %swap3A_1084 = arith.constant 1 : i32
    %swap3A_1085 = arith.index_cast %swap3A_1084 : i32 to index
    %swap3A_1086 = arith.constant 0 : index
    %swap3A_1087 = tpu.vector_load %arg15[%swap3A_1085, %swap3A_1086] {strides = array<i32>} : memref<4x128xf32, #tpu.memory_space<vmem>>, vector<16xf32>,
    tpu.vector_store %arg15[%swap3A_1085, %swap3A_1086], %gather3A_1083 {strides = array<i32>} : memref<4x128xf32, #tpu.memory_space<vmem>>, vector<16xf32>,
    %broadcast_in_dim3A_1088 = arith.constant 2 : i32
    %broadcast_in_dim3A_1089 = vector.broadcast %broadcast_in_dim3A_1088 : i32 to vector<16xi32>
    %gather3A_1090 = tpu.vector_load_idx %arg12[%broadcast_in_dim3A_1089, %add3A_1036, %select_n3A_1060] : memref<4x128x16xi32, #tpu.memory_space<vmem>>[vector<16xi32>, vector<16xi32>, vector<16xi32>], vector<16xi32>,
    %swap3A_1091 = arith.constant 2 : i32
    %swap3A_1092 = arith.index_cast %swap3A_1091 : i32 to index
    %swap3A_1093 = arith.constant 0 : index
    %swap3A_1094 = tpu.vector_load %arg14[%swap3A_1092, %swap3A_1093] {strides = array<i32>} : memref<4x128xi32, #tpu.memory_space<vmem>>, vector<16xi32>,
    tpu.vector_store %arg14[%swap3A_1092, %swap3A_1093], %gather3A_1090 {strides = array<i32>} : memref<4x128xi32, #tpu.memory_space<vmem>>, vector<16xi32>,
    %broadcast_in_dim3A_1095 = arith.constant 2 : i32
    %broadcast_in_dim3A_1096 = vector.broadcast %broadcast_in_dim3A_1095 : i32 to vector<16xi32>
    %gather3A_1097 = tpu.vector_load_idx %arg13[%broadcast_in_dim3A_1096, %add3A_1036, %select_n3A_1060] : memref<4x128x16xf32, #tpu.memory_space<vmem>>[vector<16xi32>, vector<16xi32>, vector<16xi32>], vector<16xf32>,
    %swap3A_1098 = arith.constant 2 : i32
    %swap3A_1099 = arith.index_cast %swap3A_1098 : i32 to index
    %swap3A_1100 = arith.constant 0 : index
    %swap3A_1101 = tpu.vector_load %arg15[%swap3A_1099, %swap3A_1100] {strides = array<i32>} : memref<4x128xf32, #tpu.memory_space<vmem>>, vector<16xf32>,
    tpu.vector_store %arg15[%swap3A_1099, %swap3A_1100], %gather3A_1097 {strides = array<i32>} : memref<4x128xf32, #tpu.memory_space<vmem>>, vector<16xf32>,
    %broadcast_in_dim3A_1102 = arith.constant 3 : i32
    %broadcast_in_dim3A_1103 = vector.broadcast %broadcast_in_dim3A_1102 : i32 to vector<16xi32>
    %gather3A_1104 = tpu.vector_load_idx %arg12[%broadcast_in_dim3A_1103, %add3A_1036, %select_n3A_1060] : memref<4x128x16xi32, #tpu.memory_space<vmem>>[vector<16xi32>, vector<16xi32>, vector<16xi32>], vector<16xi32>,
    %swap3A_1105 = arith.constant 3 : i32
    %swap3A_1106 = arith.index_cast %swap3A_1105 : i32 to index
    %swap3A_1107 = arith.constant 0 : index
    %swap3A_1108 = tpu.vector_load %arg14[%swap3A_1106, %swap3A_1107] {strides = array<i32>} : memref<4x128xi32, #tpu.memory_space<vmem>>, vector<16xi32>,
    tpu.vector_store %arg14[%swap3A_1106, %swap3A_1107], %gather3A_1104 {strides = array<i32>} : memref<4x128xi32, #tpu.memory_space<vmem>>, vector<16xi32>,
    %broadcast_in_dim3A_1109 = arith.constant 3 : i32
    %broadcast_in_dim3A_1110 = vector.broadcast %broadcast_in_dim3A_1109 : i32 to vector<16xi32>
    %gather3A_1111 = tpu.vector_load_idx %arg13[%broadcast_in_dim3A_1110, %add3A_1036, %select_n3A_1060] : memref<4x128x16xf32, #tpu.memory_space<vmem>>[vector<16xi32>, vector<16xi32>, vector<16xi32>], vector<16xf32>,
    %swap3A_1112 = arith.constant 3 : i32
    %swap3A_1113 = arith.index_cast %swap3A_1112 : i32 to index
    %swap3A_1114 = arith.constant 0 : index
    %swap3A_1115 = tpu.vector_load %arg15[%swap3A_1113, %swap3A_1114] {strides = array<i32>} : memref<4x128xf32, #tpu.memory_space<vmem>>, vector<16xf32>,
    tpu.vector_store %arg15[%swap3A_1113, %swap3A_1114], %gather3A_1111 {strides = array<i32>} : memref<4x128xf32, #tpu.memory_space<vmem>>, vector<16xf32>,
    %add3A_1116 = arith.constant 16 : i32
    %add3A_1117 = vector.broadcast %add3A_1116 : i32 to vector<16xi32>
    %add3A_1118 = arith.addi %iota3A, %add3A_1117 : vector<16xi32>
    %get3A_1119 = arith.constant 16 : index
    %get3A_1120 = tpu.vector_load %arg10[%get3A_1119] {strides = array<i32>} : memref<128xi32, #tpu.memory_space<vmem>>, vector<16xi32>,
    %jit3A_1121 = arith.constant 16 : i32
    %eq3A_1122 = arith.constant 0 : i32
    %eq3A_1123 = arith.cmpi eq, %jit3A_1121, %eq3A_1122 : i32
    %jit3A_1124 = arith.constant 1 : i32
    %select_n3A_1125 = arith.select %eq3A_1123, %jit3A_1124, %jit3A_1121 : i32
    %rem3A_1126 = vector.broadcast %select_n3A_1125 : i32 to vector<16xi32>
    %rem3A_1127 = arith.remsi %get3A_1120, %rem3A_1126 : vector<16xi32>
    %ne3A_1128 = arith.constant 0 : i32
    %ne3A_1129 = vector.broadcast %ne3A_1128 : i32 to vector<16xi32>
    %ne3A_1130 = arith.cmpi ne, %rem3A_1127, %ne3A_1129 : vector<16xi32>
    %lt3A_1131 = arith.constant 0 : i32
    %lt3A_1132 = vector.broadcast %lt3A_1131 : i32 to vector<16xi32>
    %lt3A_1133 = arith.cmpi slt, %rem3A_1127, %lt3A_1132 : vector<16xi32>
    %lt3A_1134 = arith.constant 0 : i32
    %lt3A_1135 = arith.cmpi slt, %select_n3A_1125, %lt3A_1134 : i32
    %ne3A_1136 = vector.broadcast %lt3A_1135 : i1 to vector<16xi1>
    %ne3A_1137 = vector.broadcast %ne3A_1136 : vector<16xi1> to vector<16xi1>
    %ne3A_1138 = arith.xori %lt3A_1133, %ne3A_1137 : vector<16xi1>
    %and3A_1139 = arith.andi %ne3A_1138, %ne3A_1130 : vector<16xi1>
    %add3A_1140 = vector.broadcast %select_n3A_1125 : i32 to vector<16xi32>
    %add3A_1141 = arith.addi %rem3A_1127, %add3A_1140 : vector<16xi32>
    %select_n3A_1142 = arith.select %and3A_1139, %add3A_1141, %rem3A_1127 : vector<16xi1>, vector<16xi32>
    %broadcast_in_dim3A_1143 = arith.constant 0 : i32
    %broadcast_in_dim3A_1144 = vector.broadcast %broadcast_in_dim3A_1143 : i32 to vector<16xi32>
    %gather3A_1145 = tpu.vector_load_idx %arg12[%broadcast_in_dim3A_1144, %add3A_1118, %select_n3A_1142] : memref<4x128x16xi32, #tpu.memory_space<vmem>>[vector<16xi32>, vector<16xi32>, vector<16xi32>], vector<16xi32>,
    %swap3A_1146 = arith.constant 0 : i32
    %swap3A_1147 = arith.index_cast %swap3A_1146 : i32 to index
    %swap3A_1148 = arith.constant 16 : index
    %swap3A_1149 = tpu.vector_load %arg14[%swap3A_1147, %swap3A_1148] {strides = array<i32>} : memref<4x128xi32, #tpu.memory_space<vmem>>, vector<16xi32>,
    tpu.vector_store %arg14[%swap3A_1147, %swap3A_1148], %gather3A_1145 {strides = array<i32>} : memref<4x128xi32, #tpu.memory_space<vmem>>, vector<16xi32>,
    %broadcast_in_dim3A_1150 = arith.constant 0 : i32
    %broadcast_in_dim3A_1151 = vector.broadcast %broadcast_in_dim3A_1150 : i32 to vector<16xi32>
    %gather3A_1152 = tpu.vector_load_idx %arg13[%broadcast_in_dim3A_1151, %add3A_1118, %select_n3A_1142] : memref<4x128x16xf32, #tpu.memory_space<vmem>>[vector<16xi32>, vector<16xi32>, vector<16xi32>], vector<16xf32>,
    %swap3A_1153 = arith.constant 0 : i32
    %swap3A_1154 = arith.index_cast %swap3A_1153 : i32 to index
    %swap3A_1155 = arith.constant 16 : index
    %swap3A_1156 = tpu.vector_load %arg15[%swap3A_1154, %swap3A_1155] {strides = array<i32>} : memref<4x128xf32, #tpu.memory_space<vmem>>, vector<16xf32>,
    tpu.vector_store %arg15[%swap3A_1154, %swap3A_1155], %gather3A_1152 {strides = array<i32>} : memref<4x128xf32, #tpu.memory_space<vmem>>, vector<16xf32>,
    %broadcast_in_dim3A_1157 = arith.constant 1 : i32
    %broadcast_in_dim3A_1158 = vector.broadcast %broadcast_in_dim3A_1157 : i32 to vector<16xi32>
    %gather3A_1159 = tpu.vector_load_idx %arg12[%broadcast_in_dim3A_1158, %add3A_1118, %select_n3A_1142] : memref<4x128x16xi32, #tpu.memory_space<vmem>>[vector<16xi32>, vector<16xi32>, vector<16xi32>], vector<16xi32>,
    %swap3A_1160 = arith.constant 1 : i32
    %swap3A_1161 = arith.index_cast %swap3A_1160 : i32 to index
    %swap3A_1162 = arith.constant 16 : index
    %swap3A_1163 = tpu.vector_load %arg14[%swap3A_1161, %swap3A_1162] {strides = array<i32>} : memref<4x128xi32, #tpu.memory_space<vmem>>, vector<16xi32>,
    tpu.vector_store %arg14[%swap3A_1161, %swap3A_1162], %gather3A_1159 {strides = array<i32>} : memref<4x128xi32, #tpu.memory_space<vmem>>, vector<16xi32>,
    %broadcast_in_dim3A_1164 = arith.constant 1 : i32
    %broadcast_in_dim3A_1165 = vector.broadcast %broadcast_in_dim3A_1164 : i32 to vector<16xi32>
    %gather3A_1166 = tpu.vector_load_idx %arg13[%broadcast_in_dim3A_1165, %add3A_1118, %select_n3A_1142] : memref<4x128x16xf32, #tpu.memory_space<vmem>>[vector<16xi32>, vector<16xi32>, vector<16xi32>], vector<16xf32>,
    %swap3A_1167 = arith.constant 1 : i32
    %swap3A_1168 = arith.index_cast %swap3A_1167 : i32 to index
    %swap3A_1169 = arith.constant 16 : index
    %swap3A_1170 = tpu.vector_load %arg15[%swap3A_1168, %swap3A_1169] {strides = array<i32>} : memref<4x128xf32, #tpu.memory_space<vmem>>, vector<16xf32>,
    tpu.vector_store %arg15[%swap3A_1168, %swap3A_1169], %gather3A_1166 {strides = array<i32>} : memref<4x128xf32, #tpu.memory_space<vmem>>, vector<16xf32>,
    %broadcast_in_dim3A_1171 = arith.constant 2 : i32
    %broadcast_in_dim3A_1172 = vector.broadcast %broadcast_in_dim3A_1171 : i32 to vector<16xi32>
    %gather3A_1173 = tpu.vector_load_idx %arg12[%broadcast_in_dim3A_1172, %add3A_1118, %select_n3A_1142] : memref<4x128x16xi32, #tpu.memory_space<vmem>>[vector<16xi32>, vector<16xi32>, vector<16xi32>], vector<16xi32>,
    %swap3A_1174 = arith.constant 2 : i32
    %swap3A_1175 = arith.index_cast %swap3A_1174 : i32 to index
    %swap3A_1176 = arith.constant 16 : index
    %swap3A_1177 = tpu.vector_load %arg14[%swap3A_1175, %swap3A_1176] {strides = array<i32>} : memref<4x128xi32, #tpu.memory_space<vmem>>, vector<16xi32>,
    tpu.vector_store %arg14[%swap3A_1175, %swap3A_1176], %gather3A_1173 {strides = array<i32>} : memref<4x128xi32, #tpu.memory_space<vmem>>, vector<16xi32>,
    %broadcast_in_dim3A_1178 = arith.constant 2 : i32
    %broadcast_in_dim3A_1179 = vector.broadcast %broadcast_in_dim3A_1178 : i32 to vector<16xi32>
    %gather3A_1180 = tpu.vector_load_idx %arg13[%broadcast_in_dim3A_1179, %add3A_1118, %select_n3A_1142] : memref<4x128x16xf32, #tpu.memory_space<vmem>>[vector<16xi32>, vector<16xi32>, vector<16xi32>], vector<16xf32>,
    %swap3A_1181 = arith.constant 2 : i32
    %swap3A_1182 = arith.index_cast %swap3A_1181 : i32 to index
    %swap3A_1183 = arith.constant 16 : index
    %swap3A_1184 = tpu.vector_load %arg15[%swap3A_1182, %swap3A_1183] {strides = array<i32>} : memref<4x128xf32, #tpu.memory_space<vmem>>, vector<16xf32>,
    tpu.vector_store %arg15[%swap3A_1182, %swap3A_1183], %gather3A_1180 {strides = array<i32>} : memref<4x128xf32, #tpu.memory_space<vmem>>, vector<16xf32>,
    %broadcast_in_dim3A_1185 = arith.constant 3 : i32
    %broadcast_in_dim3A_1186 = vector.broadcast %broadcast_in_dim3A_1185 : i32 to vector<16xi32>
    %gather3A_1187 = tpu.vector_load_idx %arg12[%broadcast_in_dim3A_1186, %add3A_1118, %select_n3A_1142] : memref<4x128x16xi32, #tpu.memory_space<vmem>>[vector<16xi32>, vector<16xi32>, vector<16xi32>], vector<16xi32>,
    %swap3A_1188 = arith.constant 3 : i32
    %swap3A_1189 = arith.index_cast %swap3A_1188 : i32 to index
    %swap3A_1190 = arith.constant 16 : index
    %swap3A_1191 = tpu.vector_load %arg14[%swap3A_1189, %swap3A_1190] {strides = array<i32>} : memref<4x128xi32, #tpu.memory_space<vmem>>, vector<16xi32>,
    tpu.vector_store %arg14[%swap3A_1189, %swap3A_1190], %gather3A_1187 {strides = array<i32>} : memref<4x128xi32, #tpu.memory_space<vmem>>, vector<16xi32>,
    %broadcast_in_dim3A_1192 = arith.constant 3 : i32
    %broadcast_in_dim3A_1193 = vector.broadcast %broadcast_in_dim3A_1192 : i32 to vector<16xi32>
    %gather3A_1194 = tpu.vector_load_idx %arg13[%broadcast_in_dim3A_1193, %add3A_1118, %select_n3A_1142] : memref<4x128x16xf32, #tpu.memory_space<vmem>>[vector<16xi32>, vector<16xi32>, vector<16xi32>], vector<16xf32>,
    %swap3A_1195 = arith.constant 3 : i32
    %swap3A_1196 = arith.index_cast %swap3A_1195 : i32 to index
    %swap3A_1197 = arith.constant 16 : index
    %swap3A_1198 = tpu.vector_load %arg15[%swap3A_1196, %swap3A_1197] {strides = array<i32>} : memref<4x128xf32, #tpu.memory_space<vmem>>, vector<16xf32>,
    tpu.vector_store %arg15[%swap3A_1196, %swap3A_1197], %gather3A_1194 {strides = array<i32>} : memref<4x128xf32, #tpu.memory_space<vmem>>, vector<16xf32>,
    %add3A_1199 = arith.constant 32 : i32
    %add3A_1200 = vector.broadcast %add3A_1199 : i32 to vector<16xi32>
    %add3A_1201 = arith.addi %iota3A, %add3A_1200 : vector<16xi32>
    %get3A_1202 = arith.constant 32 : index
    %get3A_1203 = tpu.vector_load %arg10[%get3A_1202] {strides = array<i32>} : memref<128xi32, #tpu.memory_space<vmem>>, vector<16xi32>,
    %jit3A_1204 = arith.constant 16 : i32
    %eq3A_1205 = arith.constant 0 : i32
    %eq3A_1206 = arith.cmpi eq, %jit3A_1204, %eq3A_1205 : i32
    %jit3A_1207 = arith.constant 1 : i32
    %select_n3A_1208 = arith.select %eq3A_1206, %jit3A_1207, %jit3A_1204 : i32
    %rem3A_1209 = vector.broadcast %select_n3A_1208 : i32 to vector<16xi32>
    %rem3A_1210 = arith.remsi %get3A_1203, %rem3A_1209 : vector<16xi32>
    %ne3A_1211 = arith.constant 0 : i32
    %ne3A_1212 = vector.broadcast %ne3A_1211 : i32 to vector<16xi32>
    %ne3A_1213 = arith.cmpi ne, %rem3A_1210, %ne3A_1212 : vector<16xi32>
    %lt3A_1214 = arith.constant 0 : i32
    %lt3A_1215 = vector.broadcast %lt3A_1214 : i32 to vector<16xi32>
    %lt3A_1216 = arith.cmpi slt, %rem3A_1210, %lt3A_1215 : vector<16xi32>
    %lt3A_1217 = arith.constant 0 : i32
    %lt3A_1218 = arith.cmpi slt, %select_n3A_1208, %lt3A_1217 : i32
    %ne3A_1219 = vector.broadcast %lt3A_1218 : i1 to vector<16xi1>
    %ne3A_1220 = vector.broadcast %ne3A_1219 : vector<16xi1> to vector<16xi1>
    %ne3A_1221 = arith.xori %lt3A_1216, %ne3A_1220 : vector<16xi1>
    %and3A_1222 = arith.andi %ne3A_1221, %ne3A_1213 : vector<16xi1>
    %add3A_1223 = vector.broadcast %select_n3A_1208 : i32 to vector<16xi32>
    %add3A_1224 = arith.addi %rem3A_1210, %add3A_1223 : vector<16xi32>
    %select_n3A_1225 = arith.select %and3A_1222, %add3A_1224, %rem3A_1210 : vector<16xi1>, vector<16xi32>
    %broadcast_in_dim3A_1226 = arith.constant 0 : i32
    %broadcast_in_dim3A_1227 = vector.broadcast %broadcast_in_dim3A_1226 : i32 to vector<16xi32>
    %gather3A_1228 = tpu.vector_load_idx %arg12[%broadcast_in_dim3A_1227, %add3A_1201, %select_n3A_1225] : memref<4x128x16xi32, #tpu.memory_space<vmem>>[vector<16xi32>, vector<16xi32>, vector<16xi32>], vector<16xi32>,
    %swap3A_1229 = arith.constant 0 : i32
    %swap3A_1230 = arith.index_cast %swap3A_1229 : i32 to index
    %swap3A_1231 = arith.constant 32 : index
    %swap3A_1232 = tpu.vector_load %arg14[%swap3A_1230, %swap3A_1231] {strides = array<i32>} : memref<4x128xi32, #tpu.memory_space<vmem>>, vector<16xi32>,
    tpu.vector_store %arg14[%swap3A_1230, %swap3A_1231], %gather3A_1228 {strides = array<i32>} : memref<4x128xi32, #tpu.memory_space<vmem>>, vector<16xi32>,
    %broadcast_in_dim3A_1233 = arith.constant 0 : i32
    %broadcast_in_dim3A_1234 = vector.broadcast %broadcast_in_dim3A_1233 : i32 to vector<16xi32>
    %gather3A_1235 = tpu.vector_load_idx %arg13[%broadcast_in_dim3A_1234, %add3A_1201, %select_n3A_1225] : memref<4x128x16xf32, #tpu.memory_space<vmem>>[vector<16xi32>, vector<16xi32>, vector<16xi32>], vector<16xf32>,
    %swap3A_1236 = arith.constant 0 : i32
    %swap3A_1237 = arith.index_cast %swap3A_1236 : i32 to index
    %swap3A_1238 = arith.constant 32 : index
    %swap3A_1239 = tpu.vector_load %arg15[%swap3A_1237, %swap3A_1238] {strides = array<i32>} : memref<4x128xf32, #tpu.memory_space<vmem>>, vector<16xf32>,
    tpu.vector_store %arg15[%swap3A_1237, %swap3A_1238], %gather3A_1235 {strides = array<i32>} : memref<4x128xf32, #tpu.memory_space<vmem>>, vector<16xf32>,
    %broadcast_in_dim3A_1240 = arith.constant 1 : i32
    %broadcast_in_dim3A_1241 = vector.broadcast %broadcast_in_dim3A_1240 : i32 to vector<16xi32>
    %gather3A_1242 = tpu.vector_load_idx %arg12[%broadcast_in_dim3A_1241, %add3A_1201, %select_n3A_1225] : memref<4x128x16xi32, #tpu.memory_space<vmem>>[vector<16xi32>, vector<16xi32>, vector<16xi32>], vector<16xi32>,
    %swap3A_1243 = arith.constant 1 : i32
    %swap3A_1244 = arith.index_cast %swap3A_1243 : i32 to index
    %swap3A_1245 = arith.constant 32 : index
    %swap3A_1246 = tpu.vector_load %arg14[%swap3A_1244, %swap3A_1245] {strides = array<i32>} : memref<4x128xi32, #tpu.memory_space<vmem>>, vector<16xi32>,
    tpu.vector_store %arg14[%swap3A_1244, %swap3A_1245], %gather3A_1242 {strides = array<i32>} : memref<4x128xi32, #tpu.memory_space<vmem>>, vector<16xi32>,
    %broadcast_in_dim3A_1247 = arith.constant 1 : i32
    %broadcast_in_dim3A_1248 = vector.broadcast %broadcast_in_dim3A_1247 : i32 to vector<16xi32>
    %gather3A_1249 = tpu.vector_load_idx %arg13[%broadcast_in_dim3A_1248, %add3A_1201, %select_n3A_1225] : memref<4x128x16xf32, #tpu.memory_space<vmem>>[vector<16xi32>, vector<16xi32>, vector<16xi32>], vector<16xf32>,
    %swap3A_1250 = arith.constant 1 : i32
    %swap3A_1251 = arith.index_cast %swap3A_1250 : i32 to index
    %swap3A_1252 = arith.constant 32 : index
    %swap3A_1253 = tpu.vector_load %arg15[%swap3A_1251, %swap3A_1252] {strides = array<i32>} : memref<4x128xf32, #tpu.memory_space<vmem>>, vector<16xf32>,
    tpu.vector_store %arg15[%swap3A_1251, %swap3A_1252], %gather3A_1249 {strides = array<i32>} : memref<4x128xf32, #tpu.memory_space<vmem>>, vector<16xf32>,
    %broadcast_in_dim3A_1254 = arith.constant 2 : i32
    %broadcast_in_dim3A_1255 = vector.broadcast %broadcast_in_dim3A_1254 : i32 to vector<16xi32>
    %gather3A_1256 = tpu.vector_load_idx %arg12[%broadcast_in_dim3A_1255, %add3A_1201, %select_n3A_1225] : memref<4x128x16xi32, #tpu.memory_space<vmem>>[vector<16xi32>, vector<16xi32>, vector<16xi32>], vector<16xi32>,
    %swap3A_1257 = arith.constant 2 : i32
    %swap3A_1258 = arith.index_cast %swap3A_1257 : i32 to index
    %swap3A_1259 = arith.constant 32 : index
    %swap3A_1260 = tpu.vector_load %arg14[%swap3A_1258, %swap3A_1259] {strides = array<i32>} : memref<4x128xi32, #tpu.memory_space<vmem>>, vector<16xi32>,
    tpu.vector_store %arg14[%swap3A_1258, %swap3A_1259], %gather3A_1256 {strides = array<i32>} : memref<4x128xi32, #tpu.memory_space<vmem>>, vector<16xi32>,
    %broadcast_in_dim3A_1261 = arith.constant 2 : i32
    %broadcast_in_dim3A_1262 = vector.broadcast %broadcast_in_dim3A_1261 : i32 to vector<16xi32>
    %gather3A_1263 = tpu.vector_load_idx %arg13[%broadcast_in_dim3A_1262, %add3A_1201, %select_n3A_1225] : memref<4x128x16xf32, #tpu.memory_space<vmem>>[vector<16xi32>, vector<16xi32>, vector<16xi32>], vector<16xf32>,
    %swap3A_1264 = arith.constant 2 : i32
    %swap3A_1265 = arith.index_cast %swap3A_1264 : i32 to index
    %swap3A_1266 = arith.constant 32 : index
    %swap3A_1267 = tpu.vector_load %arg15[%swap3A_1265, %swap3A_1266] {strides = array<i32>} : memref<4x128xf32, #tpu.memory_space<vmem>>, vector<16xf32>,
    tpu.vector_store %arg15[%swap3A_1265, %swap3A_1266], %gather3A_1263 {strides = array<i32>} : memref<4x128xf32, #tpu.memory_space<vmem>>, vector<16xf32>,
    %broadcast_in_dim3A_1268 = arith.constant 3 : i32
    %broadcast_in_dim3A_1269 = vector.broadcast %broadcast_in_dim3A_1268 : i32 to vector<16xi32>
    %gather3A_1270 = tpu.vector_load_idx %arg12[%broadcast_in_dim3A_1269, %add3A_1201, %select_n3A_1225] : memref<4x128x16xi32, #tpu.memory_space<vmem>>[vector<16xi32>, vector<16xi32>, vector<16xi32>], vector<16xi32>,
    %swap3A_1271 = arith.constant 3 : i32
    %swap3A_1272 = arith.index_cast %swap3A_1271 : i32 to index
    %swap3A_1273 = arith.constant 32 : index
    %swap3A_1274 = tpu.vector_load %arg14[%swap3A_1272, %swap3A_1273] {strides = array<i32>} : memref<4x128xi32, #tpu.memory_space<vmem>>, vector<16xi32>,
    tpu.vector_store %arg14[%swap3A_1272, %swap3A_1273], %gather3A_1270 {strides = array<i32>} : memref<4x128xi32, #tpu.memory_space<vmem>>, vector<16xi32>,
    %broadcast_in_dim3A_1275 = arith.constant 3 : i32
    %broadcast_in_dim3A_1276 = vector.broadcast %broadcast_in_dim3A_1275 : i32 to vector<16xi32>
    %gather3A_1277 = tpu.vector_load_idx %arg13[%broadcast_in_dim3A_1276, %add3A_1201, %select_n3A_1225] : memref<4x128x16xf32, #tpu.memory_space<vmem>>[vector<16xi32>, vector<16xi32>, vector<16xi32>], vector<16xf32>,
    %swap3A_1278 = arith.constant 3 : i32
    %swap3A_1279 = arith.index_cast %swap3A_1278 : i32 to index
    %swap3A_1280 = arith.constant 32 : index
    %swap3A_1281 = tpu.vector_load %arg15[%swap3A_1279, %swap3A_1280] {strides = array<i32>} : memref<4x128xf32, #tpu.memory_space<vmem>>, vector<16xf32>,
    tpu.vector_store %arg15[%swap3A_1279, %swap3A_1280], %gather3A_1277 {strides = array<i32>} : memref<4x128xf32, #tpu.memory_space<vmem>>, vector<16xf32>,
    %add3A_1282 = arith.constant 48 : i32
    %add3A_1283 = vector.broadcast %add3A_1282 : i32 to vector<16xi32>
    %add3A_1284 = arith.addi %iota3A, %add3A_1283 : vector<16xi32>
    %get3A_1285 = arith.constant 48 : index
    %get3A_1286 = tpu.vector_load %arg10[%get3A_1285] {strides = array<i32>} : memref<128xi32, #tpu.memory_space<vmem>>, vector<16xi32>,
    %jit3A_1287 = arith.constant 16 : i32
    %eq3A_1288 = arith.constant 0 : i32
    %eq3A_1289 = arith.cmpi eq, %jit3A_1287, %eq3A_1288 : i32
    %jit3A_1290 = arith.constant 1 : i32
    %select_n3A_1291 = arith.select %eq3A_1289, %jit3A_1290, %jit3A_1287 : i32
    %rem3A_1292 = vector.broadcast %select_n3A_1291 : i32 to vector<16xi32>
    %rem3A_1293 = arith.remsi %get3A_1286, %rem3A_1292 : vector<16xi32>
    %ne3A_1294 = arith.constant 0 : i32
    %ne3A_1295 = vector.broadcast %ne3A_1294 : i32 to vector<16xi32>
    %ne3A_1296 = arith.cmpi ne, %rem3A_1293, %ne3A_1295 : vector<16xi32>
    %lt3A_1297 = arith.constant 0 : i32
    %lt3A_1298 = vector.broadcast %lt3A_1297 : i32 to vector<16xi32>
    %lt3A_1299 = arith.cmpi slt, %rem3A_1293, %lt3A_1298 : vector<16xi32>
    %lt3A_1300 = arith.constant 0 : i32
    %lt3A_1301 = arith.cmpi slt, %select_n3A_1291, %lt3A_1300 : i32
    %ne3A_1302 = vector.broadcast %lt3A_1301 : i1 to vector<16xi1>
    %ne3A_1303 = vector.broadcast %ne3A_1302 : vector<16xi1> to vector<16xi1>
    %ne3A_1304 = arith.xori %lt3A_1299, %ne3A_1303 : vector<16xi1>
    %and3A_1305 = arith.andi %ne3A_1304, %ne3A_1296 : vector<16xi1>
    %add3A_1306 = vector.broadcast %select_n3A_1291 : i32 to vector<16xi32>
    %add3A_1307 = arith.addi %rem3A_1293, %add3A_1306 : vector<16xi32>
    %select_n3A_1308 = arith.select %and3A_1305, %add3A_1307, %rem3A_1293 : vector<16xi1>, vector<16xi32>
    %broadcast_in_dim3A_1309 = arith.constant 0 : i32
    %broadcast_in_dim3A_1310 = vector.broadcast %broadcast_in_dim3A_1309 : i32 to vector<16xi32>
    %gather3A_1311 = tpu.vector_load_idx %arg12[%broadcast_in_dim3A_1310, %add3A_1284, %select_n3A_1308] : memref<4x128x16xi32, #tpu.memory_space<vmem>>[vector<16xi32>, vector<16xi32>, vector<16xi32>], vector<16xi32>,
    %swap3A_1312 = arith.constant 0 : i32
    %swap3A_1313 = arith.index_cast %swap3A_1312 : i32 to index
    %swap3A_1314 = arith.constant 48 : index
    %swap3A_1315 = tpu.vector_load %arg14[%swap3A_1313, %swap3A_1314] {strides = array<i32>} : memref<4x128xi32, #tpu.memory_space<vmem>>, vector<16xi32>,
    tpu.vector_store %arg14[%swap3A_1313, %swap3A_1314], %gather3A_1311 {strides = array<i32>} : memref<4x128xi32, #tpu.memory_space<vmem>>, vector<16xi32>,
    %broadcast_in_dim3A_1316 = arith.constant 0 : i32
    %broadcast_in_dim3A_1317 = vector.broadcast %broadcast_in_dim3A_1316 : i32 to vector<16xi32>
    %gather3A_1318 = tpu.vector_load_idx %arg13[%broadcast_in_dim3A_1317, %add3A_1284, %select_n3A_1308] : memref<4x128x16xf32, #tpu.memory_space<vmem>>[vector<16xi32>, vector<16xi32>, vector<16xi32>], vector<16xf32>,
    %swap3A_1319 = arith.constant 0 : i32
    %swap3A_1320 = arith.index_cast %swap3A_1319 : i32 to index
    %swap3A_1321 = arith.constant 48 : index
    %swap3A_1322 = tpu.vector_load %arg15[%swap3A_1320, %swap3A_1321] {strides = array<i32>} : memref<4x128xf32, #tpu.memory_space<vmem>>, vector<16xf32>,
    tpu.vector_store %arg15[%swap3A_1320, %swap3A_1321], %gather3A_1318 {strides = array<i32>} : memref<4x128xf32, #tpu.memory_space<vmem>>, vector<16xf32>,
    %broadcast_in_dim3A_1323 = arith.constant 1 : i32
    %broadcast_in_dim3A_1324 = vector.broadcast %broadcast_in_dim3A_1323 : i32 to vector<16xi32>
    %gather3A_1325 = tpu.vector_load_idx %arg12[%broadcast_in_dim3A_1324, %add3A_1284, %select_n3A_1308] : memref<4x128x16xi32, #tpu.memory_space<vmem>>[vector<16xi32>, vector<16xi32>, vector<16xi32>], vector<16xi32>,
    %swap3A_1326 = arith.constant 1 : i32
    %swap3A_1327 = arith.index_cast %swap3A_1326 : i32 to index
    %swap3A_1328 = arith.constant 48 : index
    %swap3A_1329 = tpu.vector_load %arg14[%swap3A_1327, %swap3A_1328] {strides = array<i32>} : memref<4x128xi32, #tpu.memory_space<vmem>>, vector<16xi32>,
    tpu.vector_store %arg14[%swap3A_1327, %swap3A_1328], %gather3A_1325 {strides = array<i32>} : memref<4x128xi32, #tpu.memory_space<vmem>>, vector<16xi32>,
    %broadcast_in_dim3A_1330 = arith.constant 1 : i32
    %broadcast_in_dim3A_1331 = vector.broadcast %broadcast_in_dim3A_1330 : i32 to vector<16xi32>
    %gather3A_1332 = tpu.vector_load_idx %arg13[%broadcast_in_dim3A_1331, %add3A_1284, %select_n3A_1308] : memref<4x128x16xf32, #tpu.memory_space<vmem>>[vector<16xi32>, vector<16xi32>, vector<16xi32>], vector<16xf32>,
    %swap3A_1333 = arith.constant 1 : i32
    %swap3A_1334 = arith.index_cast %swap3A_1333 : i32 to index
    %swap3A_1335 = arith.constant 48 : index
    %swap3A_1336 = tpu.vector_load %arg15[%swap3A_1334, %swap3A_1335] {strides = array<i32>} : memref<4x128xf32, #tpu.memory_space<vmem>>, vector<16xf32>,
    tpu.vector_store %arg15[%swap3A_1334, %swap3A_1335], %gather3A_1332 {strides = array<i32>} : memref<4x128xf32, #tpu.memory_space<vmem>>, vector<16xf32>,
    %broadcast_in_dim3A_1337 = arith.constant 2 : i32
    %broadcast_in_dim3A_1338 = vector.broadcast %broadcast_in_dim3A_1337 : i32 to vector<16xi32>
    %gather3A_1339 = tpu.vector_load_idx %arg12[%broadcast_in_dim3A_1338, %add3A_1284, %select_n3A_1308] : memref<4x128x16xi32, #tpu.memory_space<vmem>>[vector<16xi32>, vector<16xi32>, vector<16xi32>], vector<16xi32>,
    %swap3A_1340 = arith.constant 2 : i32
    %swap3A_1341 = arith.index_cast %swap3A_1340 : i32 to index
    %swap3A_1342 = arith.constant 48 : index
    %swap3A_1343 = tpu.vector_load %arg14[%swap3A_1341, %swap3A_1342] {strides = array<i32>} : memref<4x128xi32, #tpu.memory_space<vmem>>, vector<16xi32>,
    tpu.vector_store %arg14[%swap3A_1341, %swap3A_1342], %gather3A_1339 {strides = array<i32>} : memref<4x128xi32, #tpu.memory_space<vmem>>, vector<16xi32>,
    %broadcast_in_dim3A_1344 = arith.constant 2 : i32
    %broadcast_in_dim3A_1345 = vector.broadcast %broadcast_in_dim3A_1344 : i32 to vector<16xi32>
    %gather3A_1346 = tpu.vector_load_idx %arg13[%broadcast_in_dim3A_1345, %add3A_1284, %select_n3A_1308] : memref<4x128x16xf32, #tpu.memory_space<vmem>>[vector<16xi32>, vector<16xi32>, vector<16xi32>], vector<16xf32>,
    %swap3A_1347 = arith.constant 2 : i32
    %swap3A_1348 = arith.index_cast %swap3A_1347 : i32 to index
    %swap3A_1349 = arith.constant 48 : index
    %swap3A_1350 = tpu.vector_load %arg15[%swap3A_1348, %swap3A_1349] {strides = array<i32>} : memref<4x128xf32, #tpu.memory_space<vmem>>, vector<16xf32>,
    tpu.vector_store %arg15[%swap3A_1348, %swap3A_1349], %gather3A_1346 {strides = array<i32>} : memref<4x128xf32, #tpu.memory_space<vmem>>, vector<16xf32>,
    %broadcast_in_dim3A_1351 = arith.constant 3 : i32
    %broadcast_in_dim3A_1352 = vector.broadcast %broadcast_in_dim3A_1351 : i32 to vector<16xi32>
    %gather3A_1353 = tpu.vector_load_idx %arg12[%broadcast_in_dim3A_1352, %add3A_1284, %select_n3A_1308] : memref<4x128x16xi32, #tpu.memory_space<vmem>>[vector<16xi32>, vector<16xi32>, vector<16xi32>], vector<16xi32>,
    %swap3A_1354 = arith.constant 3 : i32
    %swap3A_1355 = arith.index_cast %swap3A_1354 : i32 to index
    %swap3A_1356 = arith.constant 48 : index
    %swap3A_1357 = tpu.vector_load %arg14[%swap3A_1355, %swap3A_1356] {strides = array<i32>} : memref<4x128xi32, #tpu.memory_space<vmem>>, vector<16xi32>,
    tpu.vector_store %arg14[%swap3A_1355, %swap3A_1356], %gather3A_1353 {strides = array<i32>} : memref<4x128xi32, #tpu.memory_space<vmem>>, vector<16xi32>,
    %broadcast_in_dim3A_1358 = arith.constant 3 : i32
    %broadcast_in_dim3A_1359 = vector.broadcast %broadcast_in_dim3A_1358 : i32 to vector<16xi32>
    %gather3A_1360 = tpu.vector_load_idx %arg13[%broadcast_in_dim3A_1359, %add3A_1284, %select_n3A_1308] : memref<4x128x16xf32, #tpu.memory_space<vmem>>[vector<16xi32>, vector<16xi32>, vector<16xi32>], vector<16xf32>,
    %swap3A_1361 = arith.constant 3 : i32
    %swap3A_1362 = arith.index_cast %swap3A_1361 : i32 to index
    %swap3A_1363 = arith.constant 48 : index
    %swap3A_1364 = tpu.vector_load %arg15[%swap3A_1362, %swap3A_1363] {strides = array<i32>} : memref<4x128xf32, #tpu.memory_space<vmem>>, vector<16xf32>,
    tpu.vector_store %arg15[%swap3A_1362, %swap3A_1363], %gather3A_1360 {strides = array<i32>} : memref<4x128xf32, #tpu.memory_space<vmem>>, vector<16xf32>,
    %add3A_1365 = arith.constant 64 : i32
    %add3A_1366 = vector.broadcast %add3A_1365 : i32 to vector<16xi32>
    %add3A_1367 = arith.addi %iota3A, %add3A_1366 : vector<16xi32>
    %get3A_1368 = arith.constant 64 : index
    %get3A_1369 = tpu.vector_load %arg10[%get3A_1368] {strides = array<i32>} : memref<128xi32, #tpu.memory_space<vmem>>, vector<16xi32>,
    %jit3A_1370 = arith.constant 16 : i32
    %eq3A_1371 = arith.constant 0 : i32
    %eq3A_1372 = arith.cmpi eq, %jit3A_1370, %eq3A_1371 : i32
    %jit3A_1373 = arith.constant 1 : i32
    %select_n3A_1374 = arith.select %eq3A_1372, %jit3A_1373, %jit3A_1370 : i32
    %rem3A_1375 = vector.broadcast %select_n3A_1374 : i32 to vector<16xi32>
    %rem3A_1376 = arith.remsi %get3A_1369, %rem3A_1375 : vector<16xi32>
    %ne3A_1377 = arith.constant 0 : i32
    %ne3A_1378 = vector.broadcast %ne3A_1377 : i32 to vector<16xi32>
    %ne3A_1379 = arith.cmpi ne, %rem3A_1376, %ne3A_1378 : vector<16xi32>
    %lt3A_1380 = arith.constant 0 : i32
    %lt3A_1381 = vector.broadcast %lt3A_1380 : i32 to vector<16xi32>
    %lt3A_1382 = arith.cmpi slt, %rem3A_1376, %lt3A_1381 : vector<16xi32>
    %lt3A_1383 = arith.constant 0 : i32
    %lt3A_1384 = arith.cmpi slt, %select_n3A_1374, %lt3A_1383 : i32
    %ne3A_1385 = vector.broadcast %lt3A_1384 : i1 to vector<16xi1>
    %ne3A_1386 = vector.broadcast %ne3A_1385 : vector<16xi1> to vector<16xi1>
    %ne3A_1387 = arith.xori %lt3A_1382, %ne3A_1386 : vector<16xi1>
    %and3A_1388 = arith.andi %ne3A_1387, %ne3A_1379 : vector<16xi1>
    %add3A_1389 = vector.broadcast %select_n3A_1374 : i32 to vector<16xi32>
    %add3A_1390 = arith.addi %rem3A_1376, %add3A_1389 : vector<16xi32>
    %select_n3A_1391 = arith.select %and3A_1388, %add3A_1390, %rem3A_1376 : vector<16xi1>, vector<16xi32>
    %broadcast_in_dim3A_1392 = arith.constant 0 : i32
    %broadcast_in_dim3A_1393 = vector.broadcast %broadcast_in_dim3A_1392 : i32 to vector<16xi32>
    %gather3A_1394 = tpu.vector_load_idx %arg12[%broadcast_in_dim3A_1393, %add3A_1367, %select_n3A_1391] : memref<4x128x16xi32, #tpu.memory_space<vmem>>[vector<16xi32>, vector<16xi32>, vector<16xi32>], vector<16xi32>,
    %swap3A_1395 = arith.constant 0 : i32
    %swap3A_1396 = arith.index_cast %swap3A_1395 : i32 to index
    %swap3A_1397 = arith.constant 64 : index
    %swap3A_1398 = tpu.vector_load %arg14[%swap3A_1396, %swap3A_1397] {strides = array<i32>} : memref<4x128xi32, #tpu.memory_space<vmem>>, vector<16xi32>,
    tpu.vector_store %arg14[%swap3A_1396, %swap3A_1397], %gather3A_1394 {strides = array<i32>} : memref<4x128xi32, #tpu.memory_space<vmem>>, vector<16xi32>,
    %broadcast_in_dim3A_1399 = arith.constant 0 : i32
    %broadcast_in_dim3A_1400 = vector.broadcast %broadcast_in_dim3A_1399 : i32 to vector<16xi32>
    %gather3A_1401 = tpu.vector_load_idx %arg13[%broadcast_in_dim3A_1400, %add3A_1367, %select_n3A_1391] : memref<4x128x16xf32, #tpu.memory_space<vmem>>[vector<16xi32>, vector<16xi32>, vector<16xi32>], vector<16xf32>,
    %swap3A_1402 = arith.constant 0 : i32
    %swap3A_1403 = arith.index_cast %swap3A_1402 : i32 to index
    %swap3A_1404 = arith.constant 64 : index
    %swap3A_1405 = tpu.vector_load %arg15[%swap3A_1403, %swap3A_1404] {strides = array<i32>} : memref<4x128xf32, #tpu.memory_space<vmem>>, vector<16xf32>,
    tpu.vector_store %arg15[%swap3A_1403, %swap3A_1404], %gather3A_1401 {strides = array<i32>} : memref<4x128xf32, #tpu.memory_space<vmem>>, vector<16xf32>,
    %broadcast_in_dim3A_1406 = arith.constant 1 : i32
    %broadcast_in_dim3A_1407 = vector.broadcast %broadcast_in_dim3A_1406 : i32 to vector<16xi32>
    %gather3A_1408 = tpu.vector_load_idx %arg12[%broadcast_in_dim3A_1407, %add3A_1367, %select_n3A_1391] : memref<4x128x16xi32, #tpu.memory_space<vmem>>[vector<16xi32>, vector<16xi32>, vector<16xi32>], vector<16xi32>,
    %swap3A_1409 = arith.constant 1 : i32
    %swap3A_1410 = arith.index_cast %swap3A_1409 : i32 to index
    %swap3A_1411 = arith.constant 64 : index
    %swap3A_1412 = tpu.vector_load %arg14[%swap3A_1410, %swap3A_1411] {strides = array<i32>} : memref<4x128xi32, #tpu.memory_space<vmem>>, vector<16xi32>,
    tpu.vector_store %arg14[%swap3A_1410, %swap3A_1411], %gather3A_1408 {strides = array<i32>} : memref<4x128xi32, #tpu.memory_space<vmem>>, vector<16xi32>,
    %broadcast_in_dim3A_1413 = arith.constant 1 : i32
    %broadcast_in_dim3A_1414 = vector.broadcast %broadcast_in_dim3A_1413 : i32 to vector<16xi32>
    %gather3A_1415 = tpu.vector_load_idx %arg13[%broadcast_in_dim3A_1414, %add3A_1367, %select_n3A_1391] : memref<4x128x16xf32, #tpu.memory_space<vmem>>[vector<16xi32>, vector<16xi32>, vector<16xi32>], vector<16xf32>,
    %swap3A_1416 = arith.constant 1 : i32
    %swap3A_1417 = arith.index_cast %swap3A_1416 : i32 to index
    %swap3A_1418 = arith.constant 64 : index
    %swap3A_1419 = tpu.vector_load %arg15[%swap3A_1417, %swap3A_1418] {strides = array<i32>} : memref<4x128xf32, #tpu.memory_space<vmem>>, vector<16xf32>,
    tpu.vector_store %arg15[%swap3A_1417, %swap3A_1418], %gather3A_1415 {strides = array<i32>} : memref<4x128xf32, #tpu.memory_space<vmem>>, vector<16xf32>,
    %broadcast_in_dim3A_1420 = arith.constant 2 : i32
    %broadcast_in_dim3A_1421 = vector.broadcast %broadcast_in_dim3A_1420 : i32 to vector<16xi32>
    %gather3A_1422 = tpu.vector_load_idx %arg12[%broadcast_in_dim3A_1421, %add3A_1367, %select_n3A_1391] : memref<4x128x16xi32, #tpu.memory_space<vmem>>[vector<16xi32>, vector<16xi32>, vector<16xi32>], vector<16xi32>,
    %swap3A_1423 = arith.constant 2 : i32
    %swap3A_1424 = arith.index_cast %swap3A_1423 : i32 to index
    %swap3A_1425 = arith.constant 64 : index
    %swap3A_1426 = tpu.vector_load %arg14[%swap3A_1424, %swap3A_1425] {strides = array<i32>} : memref<4x128xi32, #tpu.memory_space<vmem>>, vector<16xi32>,
    tpu.vector_store %arg14[%swap3A_1424, %swap3A_1425], %gather3A_1422 {strides = array<i32>} : memref<4x128xi32, #tpu.memory_space<vmem>>, vector<16xi32>,
    %broadcast_in_dim3A_1427 = arith.constant 2 : i32
    %broadcast_in_dim3A_1428 = vector.broadcast %broadcast_in_dim3A_1427 : i32 to vector<16xi32>
    %gather3A_1429 = tpu.vector_load_idx %arg13[%broadcast_in_dim3A_1428, %add3A_1367, %select_n3A_1391] : memref<4x128x16xf32, #tpu.memory_space<vmem>>[vector<16xi32>, vector<16xi32>, vector<16xi32>], vector<16xf32>,
    %swap3A_1430 = arith.constant 2 : i32
    %swap3A_1431 = arith.index_cast %swap3A_1430 : i32 to index
    %swap3A_1432 = arith.constant 64 : index
    %swap3A_1433 = tpu.vector_load %arg15[%swap3A_1431, %swap3A_1432] {strides = array<i32>} : memref<4x128xf32, #tpu.memory_space<vmem>>, vector<16xf32>,
    tpu.vector_store %arg15[%swap3A_1431, %swap3A_1432], %gather3A_1429 {strides = array<i32>} : memref<4x128xf32, #tpu.memory_space<vmem>>, vector<16xf32>,
    %broadcast_in_dim3A_1434 = arith.constant 3 : i32
    %broadcast_in_dim3A_1435 = vector.broadcast %broadcast_in_dim3A_1434 : i32 to vector<16xi32>
    %gather3A_1436 = tpu.vector_load_idx %arg12[%broadcast_in_dim3A_1435, %add3A_1367, %select_n3A_1391] : memref<4x128x16xi32, #tpu.memory_space<vmem>>[vector<16xi32>, vector<16xi32>, vector<16xi32>], vector<16xi32>,
    %swap3A_1437 = arith.constant 3 : i32
    %swap3A_1438 = arith.index_cast %swap3A_1437 : i32 to index
    %swap3A_1439 = arith.constant 64 : index
    %swap3A_1440 = tpu.vector_load %arg14[%swap3A_1438, %swap3A_1439] {strides = array<i32>} : memref<4x128xi32, #tpu.memory_space<vmem>>, vector<16xi32>,
    tpu.vector_store %arg14[%swap3A_1438, %swap3A_1439], %gather3A_1436 {strides = array<i32>} : memref<4x128xi32, #tpu.memory_space<vmem>>, vector<16xi32>,
    %broadcast_in_dim3A_1441 = arith.constant 3 : i32
    %broadcast_in_dim3A_1442 = vector.broadcast %broadcast_in_dim3A_1441 : i32 to vector<16xi32>
    %gather3A_1443 = tpu.vector_load_idx %arg13[%broadcast_in_dim3A_1442, %add3A_1367, %select_n3A_1391] : memref<4x128x16xf32, #tpu.memory_space<vmem>>[vector<16xi32>, vector<16xi32>, vector<16xi32>], vector<16xf32>,
    %swap3A_1444 = arith.constant 3 : i32
    %swap3A_1445 = arith.index_cast %swap3A_1444 : i32 to index
    %swap3A_1446 = arith.constant 64 : index
    %swap3A_1447 = tpu.vector_load %arg15[%swap3A_1445, %swap3A_1446] {strides = array<i32>} : memref<4x128xf32, #tpu.memory_space<vmem>>, vector<16xf32>,
    tpu.vector_store %arg15[%swap3A_1445, %swap3A_1446], %gather3A_1443 {strides = array<i32>} : memref<4x128xf32, #tpu.memory_space<vmem>>, vector<16xf32>,
    %add3A_1448 = arith.constant 80 : i32
    %add3A_1449 = vector.broadcast %add3A_1448 : i32 to vector<16xi32>
    %add3A_1450 = arith.addi %iota3A, %add3A_1449 : vector<16xi32>
    %get3A_1451 = arith.constant 80 : index
    %get3A_1452 = tpu.vector_load %arg10[%get3A_1451] {strides = array<i32>} : memref<128xi32, #tpu.memory_space<vmem>>, vector<16xi32>,
    %jit3A_1453 = arith.constant 16 : i32
    %eq3A_1454 = arith.constant 0 : i32
    %eq3A_1455 = arith.cmpi eq, %jit3A_1453, %eq3A_1454 : i32
    %jit3A_1456 = arith.constant 1 : i32
    %select_n3A_1457 = arith.select %eq3A_1455, %jit3A_1456, %jit3A_1453 : i32
    %rem3A_1458 = vector.broadcast %select_n3A_1457 : i32 to vector<16xi32>
    %rem3A_1459 = arith.remsi %get3A_1452, %rem3A_1458 : vector<16xi32>
    %ne3A_1460 = arith.constant 0 : i32
    %ne3A_1461 = vector.broadcast %ne3A_1460 : i32 to vector<16xi32>
    %ne3A_1462 = arith.cmpi ne, %rem3A_1459, %ne3A_1461 : vector<16xi32>
    %lt3A_1463 = arith.constant 0 : i32
    %lt3A_1464 = vector.broadcast %lt3A_1463 : i32 to vector<16xi32>
    %lt3A_1465 = arith.cmpi slt, %rem3A_1459, %lt3A_1464 : vector<16xi32>
    %lt3A_1466 = arith.constant 0 : i32
    %lt3A_1467 = arith.cmpi slt, %select_n3A_1457, %lt3A_1466 : i32
    %ne3A_1468 = vector.broadcast %lt3A_1467 : i1 to vector<16xi1>
    %ne3A_1469 = vector.broadcast %ne3A_1468 : vector<16xi1> to vector<16xi1>
    %ne3A_1470 = arith.xori %lt3A_1465, %ne3A_1469 : vector<16xi1>
    %and3A_1471 = arith.andi %ne3A_1470, %ne3A_1462 : vector<16xi1>
    %add3A_1472 = vector.broadcast %select_n3A_1457 : i32 to vector<16xi32>
    %add3A_1473 = arith.addi %rem3A_1459, %add3A_1472 : vector<16xi32>
    %select_n3A_1474 = arith.select %and3A_1471, %add3A_1473, %rem3A_1459 : vector<16xi1>, vector<16xi32>
    %broadcast_in_dim3A_1475 = arith.constant 0 : i32
    %broadcast_in_dim3A_1476 = vector.broadcast %broadcast_in_dim3A_1475 : i32 to vector<16xi32>
    %gather3A_1477 = tpu.vector_load_idx %arg12[%broadcast_in_dim3A_1476, %add3A_1450, %select_n3A_1474] : memref<4x128x16xi32, #tpu.memory_space<vmem>>[vector<16xi32>, vector<16xi32>, vector<16xi32>], vector<16xi32>,
    %swap3A_1478 = arith.constant 0 : i32
    %swap3A_1479 = arith.index_cast %swap3A_1478 : i32 to index
    %swap3A_1480 = arith.constant 80 : index
    %swap3A_1481 = tpu.vector_load %arg14[%swap3A_1479, %swap3A_1480] {strides = array<i32>} : memref<4x128xi32, #tpu.memory_space<vmem>>, vector<16xi32>,
    tpu.vector_store %arg14[%swap3A_1479, %swap3A_1480], %gather3A_1477 {strides = array<i32>} : memref<4x128xi32, #tpu.memory_space<vmem>>, vector<16xi32>,
    %broadcast_in_dim3A_1482 = arith.constant 0 : i32
    %broadcast_in_dim3A_1483 = vector.broadcast %broadcast_in_dim3A_1482 : i32 to vector<16xi32>
    %gather3A_1484 = tpu.vector_load_idx %arg13[%broadcast_in_dim3A_1483, %add3A_1450, %select_n3A_1474] : memref<4x128x16xf32, #tpu.memory_space<vmem>>[vector<16xi32>, vector<16xi32>, vector<16xi32>], vector<16xf32>,
    %swap3A_1485 = arith.constant 0 : i32
    %swap3A_1486 = arith.index_cast %swap3A_1485 : i32 to index
    %swap3A_1487 = arith.constant 80 : index
    %swap3A_1488 = tpu.vector_load %arg15[%swap3A_1486, %swap3A_1487] {strides = array<i32>} : memref<4x128xf32, #tpu.memory_space<vmem>>, vector<16xf32>,
    tpu.vector_store %arg15[%swap3A_1486, %swap3A_1487], %gather3A_1484 {strides = array<i32>} : memref<4x128xf32, #tpu.memory_space<vmem>>, vector<16xf32>,
    %broadcast_in_dim3A_1489 = arith.constant 1 : i32
    %broadcast_in_dim3A_1490 = vector.broadcast %broadcast_in_dim3A_1489 : i32 to vector<16xi32>
    %gather3A_1491 = tpu.vector_load_idx %arg12[%broadcast_in_dim3A_1490, %add3A_1450, %select_n3A_1474] : memref<4x128x16xi32, #tpu.memory_space<vmem>>[vector<16xi32>, vector<16xi32>, vector<16xi32>], vector<16xi32>,
    %swap3A_1492 = arith.constant 1 : i32
    %swap3A_1493 = arith.index_cast %swap3A_1492 : i32 to index
    %swap3A_1494 = arith.constant 80 : index
    %swap3A_1495 = tpu.vector_load %arg14[%swap3A_1493, %swap3A_1494] {strides = array<i32>} : memref<4x128xi32, #tpu.memory_space<vmem>>, vector<16xi32>,
    tpu.vector_store %arg14[%swap3A_1493, %swap3A_1494], %gather3A_1491 {strides = array<i32>} : memref<4x128xi32, #tpu.memory_space<vmem>>, vector<16xi32>,
    %broadcast_in_dim3A_1496 = arith.constant 1 : i32
    %broadcast_in_dim3A_1497 = vector.broadcast %broadcast_in_dim3A_1496 : i32 to vector<16xi32>
    %gather3A_1498 = tpu.vector_load_idx %arg13[%broadcast_in_dim3A_1497, %add3A_1450, %select_n3A_1474] : memref<4x128x16xf32, #tpu.memory_space<vmem>>[vector<16xi32>, vector<16xi32>, vector<16xi32>], vector<16xf32>,
    %swap3A_1499 = arith.constant 1 : i32
    %swap3A_1500 = arith.index_cast %swap3A_1499 : i32 to index
    %swap3A_1501 = arith.constant 80 : index
    %swap3A_1502 = tpu.vector_load %arg15[%swap3A_1500, %swap3A_1501] {strides = array<i32>} : memref<4x128xf32, #tpu.memory_space<vmem>>, vector<16xf32>,
    tpu.vector_store %arg15[%swap3A_1500, %swap3A_1501], %gather3A_1498 {strides = array<i32>} : memref<4x128xf32, #tpu.memory_space<vmem>>, vector<16xf32>,
    %broadcast_in_dim3A_1503 = arith.constant 2 : i32
    %broadcast_in_dim3A_1504 = vector.broadcast %broadcast_in_dim3A_1503 : i32 to vector<16xi32>
    %gather3A_1505 = tpu.vector_load_idx %arg12[%broadcast_in_dim3A_1504, %add3A_1450, %select_n3A_1474] : memref<4x128x16xi32, #tpu.memory_space<vmem>>[vector<16xi32>, vector<16xi32>, vector<16xi32>], vector<16xi32>,
    %swap3A_1506 = arith.constant 2 : i32
    %swap3A_1507 = arith.index_cast %swap3A_1506 : i32 to index
    %swap3A_1508 = arith.constant 80 : index
    %swap3A_1509 = tpu.vector_load %arg14[%swap3A_1507, %swap3A_1508] {strides = array<i32>} : memref<4x128xi32, #tpu.memory_space<vmem>>, vector<16xi32>,
    tpu.vector_store %arg14[%swap3A_1507, %swap3A_1508], %gather3A_1505 {strides = array<i32>} : memref<4x128xi32, #tpu.memory_space<vmem>>, vector<16xi32>,
    %broadcast_in_dim3A_1510 = arith.constant 2 : i32
    %broadcast_in_dim3A_1511 = vector.broadcast %broadcast_in_dim3A_1510 : i32 to vector<16xi32>
    %gather3A_1512 = tpu.vector_load_idx %arg13[%broadcast_in_dim3A_1511, %add3A_1450, %select_n3A_1474] : memref<4x128x16xf32, #tpu.memory_space<vmem>>[vector<16xi32>, vector<16xi32>, vector<16xi32>], vector<16xf32>,
    %swap3A_1513 = arith.constant 2 : i32
    %swap3A_1514 = arith.index_cast %swap3A_1513 : i32 to index
    %swap3A_1515 = arith.constant 80 : index
    %swap3A_1516 = tpu.vector_load %arg15[%swap3A_1514, %swap3A_1515] {strides = array<i32>} : memref<4x128xf32, #tpu.memory_space<vmem>>, vector<16xf32>,
    tpu.vector_store %arg15[%swap3A_1514, %swap3A_1515], %gather3A_1512 {strides = array<i32>} : memref<4x128xf32, #tpu.memory_space<vmem>>, vector<16xf32>,
    %broadcast_in_dim3A_1517 = arith.constant 3 : i32
    %broadcast_in_dim3A_1518 = vector.broadcast %broadcast_in_dim3A_1517 : i32 to vector<16xi32>
    %gather3A_1519 = tpu.vector_load_idx %arg12[%broadcast_in_dim3A_1518, %add3A_1450, %select_n3A_1474] : memref<4x128x16xi32, #tpu.memory_space<vmem>>[vector<16xi32>, vector<16xi32>, vector<16xi32>], vector<16xi32>,
    %swap3A_1520 = arith.constant 3 : i32
    %swap3A_1521 = arith.index_cast %swap3A_1520 : i32 to index
    %swap3A_1522 = arith.constant 80 : index
    %swap3A_1523 = tpu.vector_load %arg14[%swap3A_1521, %swap3A_1522] {strides = array<i32>} : memref<4x128xi32, #tpu.memory_space<vmem>>, vector<16xi32>,
    tpu.vector_store %arg14[%swap3A_1521, %swap3A_1522], %gather3A_1519 {strides = array<i32>} : memref<4x128xi32, #tpu.memory_space<vmem>>, vector<16xi32>,
    %broadcast_in_dim3A_1524 = arith.constant 3 : i32
    %broadcast_in_dim3A_1525 = vector.broadcast %broadcast_in_dim3A_1524 : i32 to vector<16xi32>
    %gather3A_1526 = tpu.vector_load_idx %arg13[%broadcast_in_dim3A_1525, %add3A_1450, %select_n3A_1474] : memref<4x128x16xf32, #tpu.memory_space<vmem>>[vector<16xi32>, vector<16xi32>, vector<16xi32>], vector<16xf32>,
    %swap3A_1527 = arith.constant 3 : i32
    %swap3A_1528 = arith.index_cast %swap3A_1527 : i32 to index
    %swap3A_1529 = arith.constant 80 : index
    %swap3A_1530 = tpu.vector_load %arg15[%swap3A_1528, %swap3A_1529] {strides = array<i32>} : memref<4x128xf32, #tpu.memory_space<vmem>>, vector<16xf32>,
    tpu.vector_store %arg15[%swap3A_1528, %swap3A_1529], %gather3A_1526 {strides = array<i32>} : memref<4x128xf32, #tpu.memory_space<vmem>>, vector<16xf32>,
    %add3A_1531 = arith.constant 96 : i32
    %add3A_1532 = vector.broadcast %add3A_1531 : i32 to vector<16xi32>
    %add3A_1533 = arith.addi %iota3A, %add3A_1532 : vector<16xi32>
    %get3A_1534 = arith.constant 96 : index
    %get3A_1535 = tpu.vector_load %arg10[%get3A_1534] {strides = array<i32>} : memref<128xi32, #tpu.memory_space<vmem>>, vector<16xi32>,
    %jit3A_1536 = arith.constant 16 : i32
    %eq3A_1537 = arith.constant 0 : i32
    %eq3A_1538 = arith.cmpi eq, %jit3A_1536, %eq3A_1537 : i32
    %jit3A_1539 = arith.constant 1 : i32
    %select_n3A_1540 = arith.select %eq3A_1538, %jit3A_1539, %jit3A_1536 : i32
    %rem3A_1541 = vector.broadcast %select_n3A_1540 : i32 to vector<16xi32>
    %rem3A_1542 = arith.remsi %get3A_1535, %rem3A_1541 : vector<16xi32>
    %ne3A_1543 = arith.constant 0 : i32
    %ne3A_1544 = vector.broadcast %ne3A_1543 : i32 to vector<16xi32>
    %ne3A_1545 = arith.cmpi ne, %rem3A_1542, %ne3A_1544 : vector<16xi32>
    %lt3A_1546 = arith.constant 0 : i32
    %lt3A_1547 = vector.broadcast %lt3A_1546 : i32 to vector<16xi32>
    %lt3A_1548 = arith.cmpi slt, %rem3A_1542, %lt3A_1547 : vector<16xi32>
    %lt3A_1549 = arith.constant 0 : i32
    %lt3A_1550 = arith.cmpi slt, %select_n3A_1540, %lt3A_1549 : i32
    %ne3A_1551 = vector.broadcast %lt3A_1550 : i1 to vector<16xi1>
    %ne3A_1552 = vector.broadcast %ne3A_1551 : vector<16xi1> to vector<16xi1>
    %ne3A_1553 = arith.xori %lt3A_1548, %ne3A_1552 : vector<16xi1>
    %and3A_1554 = arith.andi %ne3A_1553, %ne3A_1545 : vector<16xi1>
    %add3A_1555 = vector.broadcast %select_n3A_1540 : i32 to vector<16xi32>
    %add3A_1556 = arith.addi %rem3A_1542, %add3A_1555 : vector<16xi32>
    %select_n3A_1557 = arith.select %and3A_1554, %add3A_1556, %rem3A_1542 : vector<16xi1>, vector<16xi32>
    %broadcast_in_dim3A_1558 = arith.constant 0 : i32
    %broadcast_in_dim3A_1559 = vector.broadcast %broadcast_in_dim3A_1558 : i32 to vector<16xi32>
    %gather3A_1560 = tpu.vector_load_idx %arg12[%broadcast_in_dim3A_1559, %add3A_1533, %select_n3A_1557] : memref<4x128x16xi32, #tpu.memory_space<vmem>>[vector<16xi32>, vector<16xi32>, vector<16xi32>], vector<16xi32>,
    %swap3A_1561 = arith.constant 0 : i32
    %swap3A_1562 = arith.index_cast %swap3A_1561 : i32 to index
    %swap3A_1563 = arith.constant 96 : index
    %swap3A_1564 = tpu.vector_load %arg14[%swap3A_1562, %swap3A_1563] {strides = array<i32>} : memref<4x128xi32, #tpu.memory_space<vmem>>, vector<16xi32>,
    tpu.vector_store %arg14[%swap3A_1562, %swap3A_1563], %gather3A_1560 {strides = array<i32>} : memref<4x128xi32, #tpu.memory_space<vmem>>, vector<16xi32>,
    %broadcast_in_dim3A_1565 = arith.constant 0 : i32
    %broadcast_in_dim3A_1566 = vector.broadcast %broadcast_in_dim3A_1565 : i32 to vector<16xi32>
    %gather3A_1567 = tpu.vector_load_idx %arg13[%broadcast_in_dim3A_1566, %add3A_1533, %select_n3A_1557] : memref<4x128x16xf32, #tpu.memory_space<vmem>>[vector<16xi32>, vector<16xi32>, vector<16xi32>], vector<16xf32>,
    %swap3A_1568 = arith.constant 0 : i32
    %swap3A_1569 = arith.index_cast %swap3A_1568 : i32 to index
    %swap3A_1570 = arith.constant 96 : index
    %swap3A_1571 = tpu.vector_load %arg15[%swap3A_1569, %swap3A_1570] {strides = array<i32>} : memref<4x128xf32, #tpu.memory_space<vmem>>, vector<16xf32>,
    tpu.vector_store %arg15[%swap3A_1569, %swap3A_1570], %gather3A_1567 {strides = array<i32>} : memref<4x128xf32, #tpu.memory_space<vmem>>, vector<16xf32>,
    %broadcast_in_dim3A_1572 = arith.constant 1 : i32
    %broadcast_in_dim3A_1573 = vector.broadcast %broadcast_in_dim3A_1572 : i32 to vector<16xi32>
    %gather3A_1574 = tpu.vector_load_idx %arg12[%broadcast_in_dim3A_1573, %add3A_1533, %select_n3A_1557] : memref<4x128x16xi32, #tpu.memory_space<vmem>>[vector<16xi32>, vector<16xi32>, vector<16xi32>], vector<16xi32>,
    %swap3A_1575 = arith.constant 1 : i32
    %swap3A_1576 = arith.index_cast %swap3A_1575 : i32 to index
    %swap3A_1577 = arith.constant 96 : index
    %swap3A_1578 = tpu.vector_load %arg14[%swap3A_1576, %swap3A_1577] {strides = array<i32>} : memref<4x128xi32, #tpu.memory_space<vmem>>, vector<16xi32>,
    tpu.vector_store %arg14[%swap3A_1576, %swap3A_1577], %gather3A_1574 {strides = array<i32>} : memref<4x128xi32, #tpu.memory_space<vmem>>, vector<16xi32>,
    %broadcast_in_dim3A_1579 = arith.constant 1 : i32
    %broadcast_in_dim3A_1580 = vector.broadcast %broadcast_in_dim3A_1579 : i32 to vector<16xi32>
    %gather3A_1581 = tpu.vector_load_idx %arg13[%broadcast_in_dim3A_1580, %add3A_1533, %select_n3A_1557] : memref<4x128x16xf32, #tpu.memory_space<vmem>>[vector<16xi32>, vector<16xi32>, vector<16xi32>], vector<16xf32>,
    %swap3A_1582 = arith.constant 1 : i32
    %swap3A_1583 = arith.index_cast %swap3A_1582 : i32 to index
    %swap3A_1584 = arith.constant 96 : index
    %swap3A_1585 = tpu.vector_load %arg15[%swap3A_1583, %swap3A_1584] {strides = array<i32>} : memref<4x128xf32, #tpu.memory_space<vmem>>, vector<16xf32>,
    tpu.vector_store %arg15[%swap3A_1583, %swap3A_1584], %gather3A_1581 {strides = array<i32>} : memref<4x128xf32, #tpu.memory_space<vmem>>, vector<16xf32>,
    %broadcast_in_dim3A_1586 = arith.constant 2 : i32
    %broadcast_in_dim3A_1587 = vector.broadcast %broadcast_in_dim3A_1586 : i32 to vector<16xi32>
    %gather3A_1588 = tpu.vector_load_idx %arg12[%broadcast_in_dim3A_1587, %add3A_1533, %select_n3A_1557] : memref<4x128x16xi32, #tpu.memory_space<vmem>>[vector<16xi32>, vector<16xi32>, vector<16xi32>], vector<16xi32>,
    %swap3A_1589 = arith.constant 2 : i32
    %swap3A_1590 = arith.index_cast %swap3A_1589 : i32 to index
    %swap3A_1591 = arith.constant 96 : index
    %swap3A_1592 = tpu.vector_load %arg14[%swap3A_1590, %swap3A_1591] {strides = array<i32>} : memref<4x128xi32, #tpu.memory_space<vmem>>, vector<16xi32>,
    tpu.vector_store %arg14[%swap3A_1590, %swap3A_1591], %gather3A_1588 {strides = array<i32>} : memref<4x128xi32, #tpu.memory_space<vmem>>, vector<16xi32>,
    %broadcast_in_dim3A_1593 = arith.constant 2 : i32
    %broadcast_in_dim3A_1594 = vector.broadcast %broadcast_in_dim3A_1593 : i32 to vector<16xi32>
    %gather3A_1595 = tpu.vector_load_idx %arg13[%broadcast_in_dim3A_1594, %add3A_1533, %select_n3A_1557] : memref<4x128x16xf32, #tpu.memory_space<vmem>>[vector<16xi32>, vector<16xi32>, vector<16xi32>], vector<16xf32>,
    %swap3A_1596 = arith.constant 2 : i32
    %swap3A_1597 = arith.index_cast %swap3A_1596 : i32 to index
    %swap3A_1598 = arith.constant 96 : index
    %swap3A_1599 = tpu.vector_load %arg15[%swap3A_1597, %swap3A_1598] {strides = array<i32>} : memref<4x128xf32, #tpu.memory_space<vmem>>, vector<16xf32>,
    tpu.vector_store %arg15[%swap3A_1597, %swap3A_1598], %gather3A_1595 {strides = array<i32>} : memref<4x128xf32, #tpu.memory_space<vmem>>, vector<16xf32>,
    %broadcast_in_dim3A_1600 = arith.constant 3 : i32
    %broadcast_in_dim3A_1601 = vector.broadcast %broadcast_in_dim3A_1600 : i32 to vector<16xi32>
    %gather3A_1602 = tpu.vector_load_idx %arg12[%broadcast_in_dim3A_1601, %add3A_1533, %select_n3A_1557] : memref<4x128x16xi32, #tpu.memory_space<vmem>>[vector<16xi32>, vector<16xi32>, vector<16xi32>], vector<16xi32>,
    %swap3A_1603 = arith.constant 3 : i32
    %swap3A_1604 = arith.index_cast %swap3A_1603 : i32 to index
    %swap3A_1605 = arith.constant 96 : index
    %swap3A_1606 = tpu.vector_load %arg14[%swap3A_1604, %swap3A_1605] {strides = array<i32>} : memref<4x128xi32, #tpu.memory_space<vmem>>, vector<16xi32>,
    tpu.vector_store %arg14[%swap3A_1604, %swap3A_1605], %gather3A_1602 {strides = array<i32>} : memref<4x128xi32, #tpu.memory_space<vmem>>, vector<16xi32>,
    %broadcast_in_dim3A_1607 = arith.constant 3 : i32
    %broadcast_in_dim3A_1608 = vector.broadcast %broadcast_in_dim3A_1607 : i32 to vector<16xi32>
    %gather3A_1609 = tpu.vector_load_idx %arg13[%broadcast_in_dim3A_1608, %add3A_1533, %select_n3A_1557] : memref<4x128x16xf32, #tpu.memory_space<vmem>>[vector<16xi32>, vector<16xi32>, vector<16xi32>], vector<16xf32>,
    %swap3A_1610 = arith.constant 3 : i32
    %swap3A_1611 = arith.index_cast %swap3A_1610 : i32 to index
    %swap3A_1612 = arith.constant 96 : index
    %swap3A_1613 = tpu.vector_load %arg15[%swap3A_1611, %swap3A_1612] {strides = array<i32>} : memref<4x128xf32, #tpu.memory_space<vmem>>, vector<16xf32>,
    tpu.vector_store %arg15[%swap3A_1611, %swap3A_1612], %gather3A_1609 {strides = array<i32>} : memref<4x128xf32, #tpu.memory_space<vmem>>, vector<16xf32>,
    %add3A_1614 = arith.constant 112 : i32
    %add3A_1615 = vector.broadcast %add3A_1614 : i32 to vector<16xi32>
    %add3A_1616 = arith.addi %iota3A, %add3A_1615 : vector<16xi32>
    %get3A_1617 = arith.constant 112 : index
    %get3A_1618 = tpu.vector_load %arg10[%get3A_1617] {strides = array<i32>} : memref<128xi32, #tpu.memory_space<vmem>>, vector<16xi32>,
    %jit3A_1619 = arith.constant 16 : i32
    %eq3A_1620 = arith.constant 0 : i32
    %eq3A_1621 = arith.cmpi eq, %jit3A_1619, %eq3A_1620 : i32
    %jit3A_1622 = arith.constant 1 : i32
    %select_n3A_1623 = arith.select %eq3A_1621, %jit3A_1622, %jit3A_1619 : i32
    %rem3A_1624 = vector.broadcast %select_n3A_1623 : i32 to vector<16xi32>
    %rem3A_1625 = arith.remsi %get3A_1618, %rem3A_1624 : vector<16xi32>
    %ne3A_1626 = arith.constant 0 : i32
    %ne3A_1627 = vector.broadcast %ne3A_1626 : i32 to vector<16xi32>
    %ne3A_1628 = arith.cmpi ne, %rem3A_1625, %ne3A_1627 : vector<16xi32>
    %lt3A_1629 = arith.constant 0 : i32
    %lt3A_1630 = vector.broadcast %lt3A_1629 : i32 to vector<16xi32>
    %lt3A_1631 = arith.cmpi slt, %rem3A_1625, %lt3A_1630 : vector<16xi32>
    %lt3A_1632 = arith.constant 0 : i32
    %lt3A_1633 = arith.cmpi slt, %select_n3A_1623, %lt3A_1632 : i32
    %ne3A_1634 = vector.broadcast %lt3A_1633 : i1 to vector<16xi1>
    %ne3A_1635 = vector.broadcast %ne3A_1634 : vector<16xi1> to vector<16xi1>
    %ne3A_1636 = arith.xori %lt3A_1631, %ne3A_1635 : vector<16xi1>
    %and3A_1637 = arith.andi %ne3A_1636, %ne3A_1628 : vector<16xi1>
    %add3A_1638 = vector.broadcast %select_n3A_1623 : i32 to vector<16xi32>
    %add3A_1639 = arith.addi %rem3A_1625, %add3A_1638 : vector<16xi32>
    %select_n3A_1640 = arith.select %and3A_1637, %add3A_1639, %rem3A_1625 : vector<16xi1>, vector<16xi32>
    %broadcast_in_dim3A_1641 = arith.constant 0 : i32
    %broadcast_in_dim3A_1642 = vector.broadcast %broadcast_in_dim3A_1641 : i32 to vector<16xi32>
    %gather3A_1643 = tpu.vector_load_idx %arg12[%broadcast_in_dim3A_1642, %add3A_1616, %select_n3A_1640] : memref<4x128x16xi32, #tpu.memory_space<vmem>>[vector<16xi32>, vector<16xi32>, vector<16xi32>], vector<16xi32>,
    %swap3A_1644 = arith.constant 0 : i32
    %swap3A_1645 = arith.index_cast %swap3A_1644 : i32 to index
    %swap3A_1646 = arith.constant 112 : index
    %swap3A_1647 = tpu.vector_load %arg14[%swap3A_1645, %swap3A_1646] {strides = array<i32>} : memref<4x128xi32, #tpu.memory_space<vmem>>, vector<16xi32>,
    tpu.vector_store %arg14[%swap3A_1645, %swap3A_1646], %gather3A_1643 {strides = array<i32>} : memref<4x128xi32, #tpu.memory_space<vmem>>, vector<16xi32>,
    %broadcast_in_dim3A_1648 = arith.constant 0 : i32
    %broadcast_in_dim3A_1649 = vector.broadcast %broadcast_in_dim3A_1648 : i32 to vector<16xi32>
    %gather3A_1650 = tpu.vector_load_idx %arg13[%broadcast_in_dim3A_1649, %add3A_1616, %select_n3A_1640] : memref<4x128x16xf32, #tpu.memory_space<vmem>>[vector<16xi32>, vector<16xi32>, vector<16xi32>], vector<16xf32>,
    %swap3A_1651 = arith.constant 0 : i32
    %swap3A_1652 = arith.index_cast %swap3A_1651 : i32 to index
    %swap3A_1653 = arith.constant 112 : index
    %swap3A_1654 = tpu.vector_load %arg15[%swap3A_1652, %swap3A_1653] {strides = array<i32>} : memref<4x128xf32, #tpu.memory_space<vmem>>, vector<16xf32>,
    tpu.vector_store %arg15[%swap3A_1652, %swap3A_1653], %gather3A_1650 {strides = array<i32>} : memref<4x128xf32, #tpu.memory_space<vmem>>, vector<16xf32>,
    %broadcast_in_dim3A_1655 = arith.constant 1 : i32
    %broadcast_in_dim3A_1656 = vector.broadcast %broadcast_in_dim3A_1655 : i32 to vector<16xi32>
    %gather3A_1657 = tpu.vector_load_idx %arg12[%broadcast_in_dim3A_1656, %add3A_1616, %select_n3A_1640] : memref<4x128x16xi32, #tpu.memory_space<vmem>>[vector<16xi32>, vector<16xi32>, vector<16xi32>], vector<16xi32>,
    %swap3A_1658 = arith.constant 1 : i32
    %swap3A_1659 = arith.index_cast %swap3A_1658 : i32 to index
    %swap3A_1660 = arith.constant 112 : index
    %swap3A_1661 = tpu.vector_load %arg14[%swap3A_1659, %swap3A_1660] {strides = array<i32>} : memref<4x128xi32, #tpu.memory_space<vmem>>, vector<16xi32>,
    tpu.vector_store %arg14[%swap3A_1659, %swap3A_1660], %gather3A_1657 {strides = array<i32>} : memref<4x128xi32, #tpu.memory_space<vmem>>, vector<16xi32>,
    %broadcast_in_dim3A_1662 = arith.constant 1 : i32
    %broadcast_in_dim3A_1663 = vector.broadcast %broadcast_in_dim3A_1662 : i32 to vector<16xi32>
    %gather3A_1664 = tpu.vector_load_idx %arg13[%broadcast_in_dim3A_1663, %add3A_1616, %select_n3A_1640] : memref<4x128x16xf32, #tpu.memory_space<vmem>>[vector<16xi32>, vector<16xi32>, vector<16xi32>], vector<16xf32>,
    %swap3A_1665 = arith.constant 1 : i32
    %swap3A_1666 = arith.index_cast %swap3A_1665 : i32 to index
    %swap3A_1667 = arith.constant 112 : index
    %swap3A_1668 = tpu.vector_load %arg15[%swap3A_1666, %swap3A_1667] {strides = array<i32>} : memref<4x128xf32, #tpu.memory_space<vmem>>, vector<16xf32>,
    tpu.vector_store %arg15[%swap3A_1666, %swap3A_1667], %gather3A_1664 {strides = array<i32>} : memref<4x128xf32, #tpu.memory_space<vmem>>, vector<16xf32>,
    %broadcast_in_dim3A_1669 = arith.constant 2 : i32
    %broadcast_in_dim3A_1670 = vector.broadcast %broadcast_in_dim3A_1669 : i32 to vector<16xi32>
    %gather3A_1671 = tpu.vector_load_idx %arg12[%broadcast_in_dim3A_1670, %add3A_1616, %select_n3A_1640] : memref<4x128x16xi32, #tpu.memory_space<vmem>>[vector<16xi32>, vector<16xi32>, vector<16xi32>], vector<16xi32>,
    %swap3A_1672 = arith.constant 2 : i32
    %swap3A_1673 = arith.index_cast %swap3A_1672 : i32 to index
    %swap3A_1674 = arith.constant 112 : index
    %swap3A_1675 = tpu.vector_load %arg14[%swap3A_1673, %swap3A_1674] {strides = array<i32>} : memref<4x128xi32, #tpu.memory_space<vmem>>, vector<16xi32>,
    tpu.vector_store %arg14[%swap3A_1673, %swap3A_1674], %gather3A_1671 {strides = array<i32>} : memref<4x128xi32, #tpu.memory_space<vmem>>, vector<16xi32>,
    %broadcast_in_dim3A_1676 = arith.constant 2 : i32
    %broadcast_in_dim3A_1677 = vector.broadcast %broadcast_in_dim3A_1676 : i32 to vector<16xi32>
    %gather3A_1678 = tpu.vector_load_idx %arg13[%broadcast_in_dim3A_1677, %add3A_1616, %select_n3A_1640] : memref<4x128x16xf32, #tpu.memory_space<vmem>>[vector<16xi32>, vector<16xi32>, vector<16xi32>], vector<16xf32>,
    %swap3A_1679 = arith.constant 2 : i32
    %swap3A_1680 = arith.index_cast %swap3A_1679 : i32 to index
    %swap3A_1681 = arith.constant 112 : index
    %swap3A_1682 = tpu.vector_load %arg15[%swap3A_1680, %swap3A_1681] {strides = array<i32>} : memref<4x128xf32, #tpu.memory_space<vmem>>, vector<16xf32>,
    tpu.vector_store %arg15[%swap3A_1680, %swap3A_1681], %gather3A_1678 {strides = array<i32>} : memref<4x128xf32, #tpu.memory_space<vmem>>, vector<16xf32>,
    %broadcast_in_dim3A_1683 = arith.constant 3 : i32
    %broadcast_in_dim3A_1684 = vector.broadcast %broadcast_in_dim3A_1683 : i32 to vector<16xi32>
    %gather3A_1685 = tpu.vector_load_idx %arg12[%broadcast_in_dim3A_1684, %add3A_1616, %select_n3A_1640] : memref<4x128x16xi32, #tpu.memory_space<vmem>>[vector<16xi32>, vector<16xi32>, vector<16xi32>], vector<16xi32>,
    %swap3A_1686 = arith.constant 3 : i32
    %swap3A_1687 = arith.index_cast %swap3A_1686 : i32 to index
    %swap3A_1688 = arith.constant 112 : index
    %swap3A_1689 = tpu.vector_load %arg14[%swap3A_1687, %swap3A_1688] {strides = array<i32>} : memref<4x128xi32, #tpu.memory_space<vmem>>, vector<16xi32>,
    tpu.vector_store %arg14[%swap3A_1687, %swap3A_1688], %gather3A_1685 {strides = array<i32>} : memref<4x128xi32, #tpu.memory_space<vmem>>, vector<16xi32>,
    %broadcast_in_dim3A_1690 = arith.constant 3 : i32
    %broadcast_in_dim3A_1691 = vector.broadcast %broadcast_in_dim3A_1690 : i32 to vector<16xi32>
    %gather3A_1692 = tpu.vector_load_idx %arg13[%broadcast_in_dim3A_1691, %add3A_1616, %select_n3A_1640] : memref<4x128x16xf32, #tpu.memory_space<vmem>>[vector<16xi32>, vector<16xi32>, vector<16xi32>], vector<16xf32>,
    %swap3A_1693 = arith.constant 3 : i32
    %swap3A_1694 = arith.index_cast %swap3A_1693 : i32 to index
    %swap3A_1695 = arith.constant 112 : index
    %swap3A_1696 = tpu.vector_load %arg15[%swap3A_1694, %swap3A_1695] {strides = array<i32>} : memref<4x128xf32, #tpu.memory_space<vmem>>, vector<16xf32>,
    tpu.vector_store %arg15[%swap3A_1694, %swap3A_1695], %gather3A_1692 {strides = array<i32>} : memref<4x128xf32, #tpu.memory_space<vmem>>, vector<16xf32>,
    "tpu.region"() ({
      %run_scoped3A = tpu.sem_alloc : memref<!tpu.dma_semaphore, #tpu.memory_space<semaphore_mem>>
      %dma_start3A_1697 = arith.constant 0 : i32
      %dma_start3A_1698 = tpu.memref_slice %arg6[%dma_start3A_1697, %mul3A_2] : memref<4x4096xi32, #tpu.memory_space<hbm>> -> memref<4x128xi32, #tpu.memory_space<hbm>>
      %dma_start3A_1699 = arith.constant 0 : i32
      %dma_start3A_1700 = tpu.memref_slice %arg6[%dma_start3A_1699, %mul3A_2] : memref<4x4096xi32, #tpu.memory_space<hbm>> -> memref<4x128xi32, #tpu.memory_space<hbm>>
      tpu.enqueue_dma source(%arg14 : memref<4x128xi32, #tpu.memory_space<vmem>>) target(%dma_start3A_1700 : memref<4x128xi32, #tpu.memory_space<hbm>>) target_semaphore(%run_scoped3A : memref<!tpu.dma_semaphore, #tpu.memory_space<semaphore_mem>>)
      %dma_wait3A_1701 = arith.constant 0 : i32
      %dma_wait3A_1702 = tpu.memref_slice %arg6[%dma_wait3A_1701, %mul3A_2] : memref<4x4096xi32, #tpu.memory_space<hbm>> -> memref<4x128xi32, #tpu.memory_space<hbm>>
      %dma_wait3A_1703 = arith.constant 0 : i32
      %dma_wait3A_1704 = tpu.memref_slice %arg6[%dma_wait3A_1703, %mul3A_2] : memref<4x4096xi32, #tpu.memory_space<hbm>> -> memref<4x128xi32, #tpu.memory_space<hbm>>
      tpu.wait_dma2 semaphore(%run_scoped3A : memref<!tpu.dma_semaphore, #tpu.memory_space<semaphore_mem>>) src(%arg14 : memref<4x128xi32, #tpu.memory_space<vmem>>) dst(%dma_wait3A_1704 : memref<4x128xi32, #tpu.memory_space<hbm>>)
      tpu.yield
    }) : () -> ()
    "tpu.region"() ({
      %run_scoped3A = tpu.sem_alloc : memref<!tpu.dma_semaphore, #tpu.memory_space<semaphore_mem>>
      %dma_start3A_1697 = arith.constant 0 : i32
      %dma_start3A_1698 = tpu.memref_slice %arg7[%dma_start3A_1697, %mul3A_2] : memref<4x4096xf32, #tpu.memory_space<hbm>> -> memref<4x128xf32, #tpu.memory_space<hbm>>
      %dma_start3A_1699 = arith.constant 0 : i32
      %dma_start3A_1700 = tpu.memref_slice %arg7[%dma_start3A_1699, %mul3A_2] : memref<4x4096xf32, #tpu.memory_space<hbm>> -> memref<4x128xf32, #tpu.memory_space<hbm>>
      tpu.enqueue_dma source(%arg15 : memref<4x128xf32, #tpu.memory_space<vmem>>) target(%dma_start3A_1700 : memref<4x128xf32, #tpu.memory_space<hbm>>) target_semaphore(%run_scoped3A : memref<!tpu.dma_semaphore, #tpu.memory_space<semaphore_mem>>)
      %dma_wait3A_1701 = arith.constant 0 : i32
      %dma_wait3A_1702 = tpu.memref_slice %arg7[%dma_wait3A_1701, %mul3A_2] : memref<4x4096xf32, #tpu.memory_space<hbm>> -> memref<4x128xf32, #tpu.memory_space<hbm>>
      %dma_wait3A_1703 = arith.constant 0 : i32
      %dma_wait3A_1704 = tpu.memref_slice %arg7[%dma_wait3A_1703, %mul3A_2] : memref<4x4096xf32, #tpu.memory_space<hbm>> -> memref<4x128xf32, #tpu.memory_space<hbm>>
      tpu.wait_dma2 semaphore(%run_scoped3A : memref<!tpu.dma_semaphore, #tpu.memory_space<semaphore_mem>>) src(%arg15 : memref<4x128xf32, #tpu.memory_space<vmem>>) dst(%dma_wait3A_1704 : memref<4x128xf32, #tpu.memory_space<hbm>>)
      tpu.yield
    }) : () -> ()
    return
  }
}

module attributes {stable_mosaic.version = 14 : i64} {
  func.func @_tc_body(%arg0: memref<4096x64xf32, #tpu.memory_space<vmem>>, %arg1: memref<32x64x16xi32, #tpu.memory_space<vmem>>, %arg2: memref<4x4096xi32, #tpu.memory_space<vmem>>, %arg3: memref<4x4096xf32, #tpu.memory_space<vmem>>, %arg4: memref<1x1xf32, #tpu.memory_space<vmem>>) attributes {dimension_semantics = [], scalar_prefetch = 0 : i64, scratch_operands = 0 : i64, tpu.core_type = #tpu.core_type<tc>} {
    %get3A = arith.constant 0 : index
    %get3A_0 = arith.constant 0 : index
    %get3A_1 = vector.load %arg0[%get3A, %get3A_0] : memref<4096x64xf32, #tpu.memory_space<vmem>>, vector<4096x64xf32>
    %get3A_2 = arith.constant 0 : index
    %get3A_3 = arith.constant 0 : index
    %get3A_4 = arith.constant 0 : index
    %get3A_5 = vector.load %arg1[%get3A_2, %get3A_3, %get3A_4] : memref<32x64x16xi32, #tpu.memory_space<vmem>>, vector<32x64x16xi32>
    %convert_element_type3A = arith.sitofp %get3A_5 : vector<32x64x16xi32> to vector<32x64x16xf32>
    %reduce_sum3A = arith.constant dense<0.000000e+00> : vector<64xf32>
    %reduce_sum3A_6 = vector.multi_reduction <add>, %convert_element_type3A, %reduce_sum3A [0, 2] : vector<32x64x16xf32> to vector<64xf32>
    %sqrt3A = math.sqrt %reduce_sum3A_6 : vector<64xf32>
    %rsqrt3A = math.rsqrt %sqrt3A : vector<64xf32>
    %mul3A = arith.constant 1.000000e+00 : f32
    %mul3A_7 = vector.broadcast %mul3A : f32 to vector<64xf32>
    %mul3A_8 = arith.mulf %mul3A_7, %rsqrt3A : vector<64xf32>
    %reshape3A = vector.shape_cast %mul3A_8 : vector<64xf32> to vector<1x64xf32>
    %iota3A = tpu.iota {dimensions = array<i32: 0>} : vector<4x64xi32>
    %iota3A_9 = tpu.iota {dimensions = array<i32: 1>} : vector<4x64xi32>
    %jit3A = arith.constant 16 : i32
    %div3A = vector.broadcast %jit3A : i32 to vector<4x64xi32>
    %div3A_10 = arith.divsi %iota3A_9, %div3A : vector<4x64xi32>
    %sign3A = arith.constant 0 : i32
    %sign3A_11 = vector.broadcast %sign3A : i32 to vector<4x64xi32>
    %sign3A_12 = arith.cmpi sgt, %iota3A_9, %sign3A_11 : vector<4x64xi32>
    %sign3A_13 = arith.extui %sign3A_12 : vector<4x64xi1> to vector<4x64xi32>
    %sign3A_14 = arith.constant 0 : i32
    %sign3A_15 = vector.broadcast %sign3A_14 : i32 to vector<4x64xi32>
    %sign3A_16 = arith.cmpi slt, %iota3A_9, %sign3A_15 : vector<4x64xi32>
    %sign3A_17 = arith.extui %sign3A_16 : vector<4x64xi1> to vector<4x64xi32>
    %sign3A_18 = arith.subi %sign3A_13, %sign3A_17 : vector<4x64xi32>
    %sign3A_19 = arith.constant 0 : i32
    %sign3A_20 = arith.cmpi sgt, %jit3A, %sign3A_19 : i32
    %sign3A_21 = arith.extui %sign3A_20 : i1 to i32
    %sign3A_22 = arith.constant 0 : i32
    %sign3A_23 = arith.cmpi slt, %jit3A, %sign3A_22 : i32
    %sign3A_24 = arith.extui %sign3A_23 : i1 to i32
    %sign3A_25 = arith.subi %sign3A_21, %sign3A_24 : i32
    %ne3A = vector.broadcast %sign3A_25 : i32 to vector<4x64xi32>
    %ne3A_26 = arith.cmpi ne, %sign3A_18, %ne3A : vector<4x64xi32>
    %rem3A = vector.broadcast %jit3A : i32 to vector<4x64xi32>
    %rem3A_27 = arith.remsi %iota3A_9, %rem3A : vector<4x64xi32>
    %ne3A_28 = arith.constant 0 : i32
    %ne3A_29 = vector.broadcast %ne3A_28 : i32 to vector<4x64xi32>
    %ne3A_30 = arith.cmpi ne, %rem3A_27, %ne3A_29 : vector<4x64xi32>
    %and3A = arith.andi %ne3A_26, %ne3A_30 : vector<4x64xi1>
    %sub3A = arith.constant 1 : i32
    %sub3A_31 = vector.broadcast %sub3A : i32 to vector<4x64xi32>
    %sub3A_32 = arith.subi %div3A_10, %sub3A_31 : vector<4x64xi32>
    %select_n3A = arith.select %and3A, %sub3A_32, %div3A_10 : vector<4x64xi1>, vector<4x64xi32>
    %eq3A = arith.cmpi eq, %iota3A, %select_n3A : vector<4x64xi32>
    %convert_element_type3A_33 = arith.extui %eq3A : vector<4x64xi1> to vector<4x64xi32>
    %convert_element_type3A_34 = arith.sitofp %convert_element_type3A_33 : vector<4x64xi32> to vector<4x64xf32>
    %reduce_max3A = arith.constant dense<0xFF800000> : vector<4096xf32>
    %reduce_max3A_35 = vector.multi_reduction <maximumf>, %get3A_1, %reduce_max3A [1] : vector<4096x64xf32> to vector<4096xf32>
    %broadcast_in_dim3A = vector.shape_cast %reduce_max3A_35 : vector<4096xf32> to vector<4096x1xf32>
    %sub3A_36 = vector.broadcast %broadcast_in_dim3A : vector<4096x1xf32> to vector<4096x64xf32>
    %sub3A_37 = arith.subf %get3A_1, %sub3A_36 : vector<4096x64xf32>
    %exp3A = math.exp %sub3A_37 : vector<4096x64xf32>
    %dot_general3A = arith.constant dense<0.000000e+00> : vector<4096x4xf32>
    %dot_general3A_38 = tpu.matmul %exp3A, %convert_element_type3A_34, %dot_general3A {dimension_numbers = #tpu.dot_dimension_numbers<[1], [1], [0], [0], [0, 0, 1, 0], [], []>, transpose_lhs_hint = false} : vector<4096x64xf32>, vector<4x64xf32>, vector<4096x4xf32> -> vector<4096x4xf32>
    %log3A = math.log %dot_general3A_38 : vector<4096x4xf32>
    %dot_general3A_39 = arith.constant dense<0.000000e+00> : vector<4096x64xf32>
    %dot_general3A_40 = tpu.matmul %log3A, %convert_element_type3A_34, %dot_general3A_39 {dimension_numbers = #tpu.dot_dimension_numbers<[1], [0], [0], [1], [0, 0, 1, 1], [], []>, transpose_lhs_hint = false} : vector<4096x4xf32>, vector<4x64xf32>, vector<4096x64xf32> -> vector<4096x64xf32>
    %add3A = vector.broadcast %broadcast_in_dim3A : vector<4096x1xf32> to vector<4096x64xf32>
    %add3A_41 = arith.addf %dot_general3A_40, %add3A : vector<4096x64xf32>
    %get3A_42 = arith.constant 0 : index
    %get3A_43 = arith.constant 0 : index
    %get3A_44 = vector.load %arg2[%get3A_42, %get3A_43] : memref<4x4096xi32, #tpu.memory_space<vmem>>, vector<4x4096xi32>
    %convert_element_type3A_45 = arith.sitofp %get3A_44 : vector<4x4096xi32> to vector<4x4096xf32>
    %dot_general3A_46 = arith.constant dense<0.000000e+00> : vector<4096x64xf32>
    %dot_general3A_47 = tpu.matmul %convert_element_type3A_45, %convert_element_type3A_34, %dot_general3A_46 {dimension_numbers = #tpu.dot_dimension_numbers<[0], [0], [1], [1], [0, 1, 1, 1], [], []>, transpose_lhs_hint = false} : vector<4x4096xf32>, vector<4x64xf32>, vector<4096x64xf32> -> vector<4096x64xf32>
    %get3A_48 = arith.constant 0 : index
    %get3A_49 = arith.constant 0 : index
    %get3A_50 = vector.load %arg3[%get3A_48, %get3A_49] : memref<4x4096xf32, #tpu.memory_space<vmem>>, vector<4x4096xf32>
    %dot_general3A_51 = arith.constant dense<0.000000e+00> : vector<4096x64xf32>
    %dot_general3A_52 = tpu.matmul %get3A_50, %convert_element_type3A_34, %dot_general3A_51 {dimension_numbers = #tpu.dot_dimension_numbers<[0], [0], [1], [1], [0, 1, 1, 1], [], []>, transpose_lhs_hint = false} : vector<4x4096xf32>, vector<4x64xf32>, vector<4096x64xf32> -> vector<4096x64xf32>
    %iota3A_53 = tpu.iota {dimensions = array<i32: 1>} : vector<4096x64xi32>
    %jit3A_54 = arith.constant 16 : i32
    %eq3A_55 = arith.constant 0 : i32
    %eq3A_56 = arith.cmpi eq, %jit3A_54, %eq3A_55 : i32
    %jit3A_57 = arith.constant 1 : i32
    %select_n3A_58 = arith.select %eq3A_56, %jit3A_57, %jit3A_54 : i32
    %rem3A_59 = vector.broadcast %select_n3A_58 : i32 to vector<4096x64xi32>
    %rem3A_60 = arith.remsi %iota3A_53, %rem3A_59 : vector<4096x64xi32>
    %ne3A_61 = arith.constant 0 : i32
    %ne3A_62 = vector.broadcast %ne3A_61 : i32 to vector<4096x64xi32>
    %ne3A_63 = arith.cmpi ne, %rem3A_60, %ne3A_62 : vector<4096x64xi32>
    %lt3A = arith.constant 0 : i32
    %lt3A_64 = vector.broadcast %lt3A : i32 to vector<4096x64xi32>
    %lt3A_65 = arith.cmpi slt, %rem3A_60, %lt3A_64 : vector<4096x64xi32>
    %lt3A_66 = arith.constant 0 : i32
    %lt3A_67 = arith.cmpi slt, %select_n3A_58, %lt3A_66 : i32
    %ne3A_68 = vector.broadcast %lt3A_67 : i1 to vector<4096x64xi1>
    %ne3A_69 = vector.broadcast %ne3A_68 : vector<4096x64xi1> to vector<4096x64xi1>
    %ne3A_70 = arith.xori %lt3A_65, %ne3A_69 : vector<4096x64xi1>
    %and3A_71 = arith.andi %ne3A_70, %ne3A_63 : vector<4096x64xi1>
    %add3A_72 = vector.broadcast %select_n3A_58 : i32 to vector<4096x64xi32>
    %add3A_73 = arith.addi %rem3A_60, %add3A_72 : vector<4096x64xi32>
    %select_n3A_74 = arith.select %and3A_71, %add3A_73, %rem3A_60 : vector<4096x64xi1>, vector<4096x64xi32>
    %convert_element_type3A_75 = arith.sitofp %select_n3A_74 : vector<4096x64xi32> to vector<4096x64xf32>
    %eq3A_76 = arith.cmpf oeq, %convert_element_type3A_75, %dot_general3A_47 : vector<4096x64xf32>
    %convert_element_type3A_77 = arith.extui %eq3A_76 : vector<4096x64xi1> to vector<4096x64xi32>
    %convert_element_type3A_78 = arith.sitofp %convert_element_type3A_77 : vector<4096x64xi32> to vector<4096x64xf32>
    %sub3A_79 = arith.subf %add3A_41, %get3A_1 : vector<4096x64xf32>
    %sub3A_80 = vector.broadcast %reshape3A : vector<1x64xf32> to vector<4096x64xf32>
    %sub3A_81 = arith.subf %sub3A_79, %sub3A_80 : vector<4096x64xf32>
    %max3A = arith.constant 0.000000e+00 : f32
    %max3A_82 = vector.broadcast %max3A : f32 to vector<4096x64xf32>
    %max3A_83 = arith.maximumf %sub3A_81, %max3A_82 : vector<4096x64xf32>
    %mul3A_84 = arith.mulf %convert_element_type3A_78, %max3A_83 : vector<4096x64xf32>
    %mul3A_85 = arith.mulf %mul3A_84, %dot_general3A_52 : vector<4096x64xf32>
    %reduce_sum3A_86 = vector.shape_cast %mul3A_85 : vector<4096x64xf32> to vector<1x4096x64xf32>
    %reduce_sum3A_87 = arith.constant dense<0.000000e+00> : vector<1xf32>
    %reduce_sum3A_88 = vector.multi_reduction <add>, %reduce_sum3A_86, %reduce_sum3A_87 [1, 2] : vector<1x4096x64xf32> to vector<1xf32>
    %reduce_sum3A_89 = vector.shape_cast %reduce_sum3A_88 : vector<1xf32> to vector<1x1x1xf32>
    %reduce_sum3A_90 = vector.extract %reduce_sum3A_89[0, 0, 0] : f32 from vector<1x1x1xf32>
    %mul3A_91 = arith.constant 6.10351563E-5 : f32
    %mul3A_92 = arith.mulf %reduce_sum3A_90, %mul3A_91 : f32
    %reshape3A_93 = vector.broadcast %mul3A_92 : f32 to vector<1x1xf32>
    %swap3A = arith.constant 0 : index
    %swap3A_94 = arith.constant 0 : index
    %swap3A_95 = vector.load %arg4[%swap3A, %swap3A_94] : memref<1x1xf32, #tpu.memory_space<vmem>>, vector<1x1xf32>
    tpu.vector_store %arg4[%swap3A, %swap3A_94], %reshape3A_93 {strides = array<i32>} : memref<1x1xf32, #tpu.memory_space<vmem>>, vector<1x1xf32>,
    return
  }
}

</mosaic_0001>

<sc_bundles>
// kernel: kernel.4.cloned.1.call-start
scs
__scs_entry_jumppad:
0x0: {  	(pc) =	sbr.rel $0x88, $3  }
0x1: {  	(tag) =	ssettag $0x0;
	lr =	simm.s32 $0x1  }
0x2: {  	[smem:$0x3F9D] =	sst lr;
	_ =	strace $0xD0000000  }
0x3: {  	_ = 	snop  }
0x4: {  	_ = 	snop  }
0x5: {  	_ = 	snop  }
0x6: {  	_ = 	snop  }
0x7: {  	_ = 	snop  }
__scs_overlays_trampoline_lowered:
0x8: {  	[smem:$0x3FAC] =	sst s0  }
0x9: {  	[smem:$0x3FAD] =	sst s1  }
0xa: {  	[smem:$0x3FAE] =	sst s2  }
0xb: {  	[smem:$0x3FAF] =	sst s3  }
0xc: {  	[smem:$0x3FB0] =	sst s4  }
0xd: {  	[smem:$0x3FB1] =	sst s5  }
0xe: {  	[smem:$0x3FB2] =	sst s6  }
0xf: {  	[smem:$0x3FB3] =	sst s7  }
0x10: {  	[smem:$0x3FB4] =	sst s8  }
0x11: {  	[smem:$0x3FB5] =	sst s9;
	s0 =	simm.s32 @!p0 $0x0  }
0x12: {  	s1 =	sld [smem:$0x3F9B];
	s0 =	simm.s32 @p0 $0x1  }
0x13: {  	[smem:$0x3FB6] =	sst s0;
	s0 =	simm.s32 @!p1 $0x0  }
0x14: {  	s2 =	sld [smem:$0x3F9A];
	s0 =	simm.s32 @p1 $0x1  }
0x15: {  	[smem:$0x3FB7] =	sst s0;
	s0 =	simm.s32 @!p2 $0x0  }
0x16: {  	s3 =	sld [smem:$0x3FDB];
	s0 =	simm.s32 @p2 $0x1  }
0x17: {  	s4 =	simm.s32 $0x1BF5;
	[smem:$0x3FB9] =	sst s0  }
0x18: {  	s0 =	sld [smem:$0x3F9C];
	_ =	swait.ge [sflag:s4], $0x0  }
0x19: {  	s7 =	sld [smem:$0x3F9D]  }
0x1a: {  	s8 =	sadd.s32 $0xFFFFE003, lr  }
0x1b: {  	s9 =	sadd.s32 $0xFFFFFEF7, lr;
	s5 =	simm.s32 $0xFFFFFFFF;
	p2 =	slt.u32 s8, $0xFFFFF086  }
0x1c: {  	p1 =	slt.u32 s9, $0xF7A;
	s5 =	simm.s32 @!p2 $0x0  }
0x1d: {  	s5 =	simm.s32 @p1 $0x1;
	p0 =	seq.s32 s7, s2  }
0x1e: {  	s7 =	smul.u32 @!p0 $0xF7A, s2;
	p2 =	seq.s32 @!p0 s5, $0x0  }
0x1f: {  	s9 =	smul.u32 $0xF7A, s1;
	s8 =	simm.s32 @!p0 $0x1BF5;
	p2 =	por !p2, p0  }
0x20: {  	[sflag:s8] =	ssyncset.s32 @!p0 $0xFFFFF086;
	s6 =	sadd.s32 @!p0 s3, s7;
	s7 =	simm.s32 @!p0 $0x108  }
0x21: {  	s3 =	sadd.s32 s3, s9;
	s6 =	sadd.s32 @!p0 $0x88, s6;
	s7 =	simm.s32 @p2 $0x1082  }
0x22: {  	[simem:s7], [sflag:s8] =	dma.local @!p0 [hbm:s6], $0xF7A  }
0x23: {  	s9 =	sor.u32 $0xD0000000, s2;
	s6 =	simm.s32 $0x108;
	_ =	swait.ge @!p0 [sflag:s8], $0x0  }
0x24: {  	s3 =	sadd.s32 $0x88, s3;
	s6 =	simm.s32 @!p1 $0x1082;
	[sflag:s4] =	ssyncset.s32 $0xFFFFF086  }
0x25: {  	[simem:s6], [sflag:s4] =	dma.local [hbm:s3], $0xF7A  }
0x26: {  	[smem:$0x3F9D] =	sst s1;
	(tag) =	ssettag s2;
	_ =	strace s9  }
0x27: {  	s1 =	sld [smem:$0x3FAD]  }
0x28: {  	s2 =	sld [smem:$0x3FAE]  }
0x29: {  	s4 =	sld [smem:$0x3FB0]  }
0x2a: {  	p0 =	seq.s32 s5, $0x0;
	s5 =	sld [smem:$0x3FB1]  }
0x2b: {  	s6 =	sld [smem:$0x3FB2]  }
0x2c: {  	s7 =	sld [smem:$0x3FB3]  }
0x2d: {  	s3 =	simm.s32 $0x108;
	s8 =	sld [smem:$0x3FB4]  }
0x2e: {  	s3 =	simm.s32 @!p0 $0x1082;
	s9 =	sld [smem:$0x3FB5]  }
0x2f: {  	lr =	sadd.s32 s0, s3;
	s0 =	sld [smem:$0x3FAC]  }
0x30: {  	s3 =	sld [smem:$0x3FAF]  }
0x31: {  	[smem:$0x3FB8] =	sst s10  }
0x32: {  	s10 =	sld [smem:$0x3FB6];
	_ =	sdelay $0x3  }
0x33: {  	p0 =	seq.s32 s10, $0x1;
	s10 =	sld [smem:$0x3FB8];
	_ =	sdelay $0x3  }
0x34: {  	[smem:$0x3FB8] =	sst s10  }
0x35: {  	s10 =	sld [smem:$0x3FB7];
	_ =	sdelay $0x3  }
0x36: {  	p1 =	seq.s32 s10, $0x1;
	s10 =	sld [smem:$0x3FB8];
	_ =	sdelay $0x3  }
0x37: {  	[smem:$0x3FB8] =	sst s10  }
0x38: {  	s10 =	sld [smem:$0x3FB9]  }
0x39: {  	_ = 	snop;
	(pc) =	sbr.ind lr, $3  }
0x3a: {  	_ = 	snop  }
0x3b: {  	_ = 	snop  }
0x3c: {  	p2 =	seq.s32 s10, $0x1;
	s10 =	sld [smem:$0x3FB8]  }
0x3d: {  	_ =	shalt  }
0x3e: {  	_ =	shalt  }
0x3f: {  	_ =	shalt  }
0x40: {  	_ =	shalt  }
0x41: {  	_ =	shalt  }
0x42: {  	_ =	shalt  }
0x43: {  	_ =	shalt  }
0x44: {  	_ =	shalt  }
0x45: {  	_ =	shalt  }
0x46: {  	_ =	shalt  }
0x47: {  	_ =	shalt  }
0x48: {  	_ =	shalt  }
0x49: {  	_ =	shalt  }
0x4a: {  	_ =	shalt  }
0x4b: {  	_ =	shalt  }
0x4c: {  	_ =	shalt  }
0x4d: {  	_ =	shalt  }
0x4e: {  	_ =	shalt  }
0x4f: {  	_ =	shalt  }
0x50: {  	_ =	shalt  }
0x51: {  	_ =	shalt  }
0x52: {  	_ =	shalt  }
0x53: {  	_ =	shalt  }
0x54: {  	_ =	shalt  }
0x55: {  	_ =	shalt  }
0x56: {  	_ =	shalt  }
0x57: {  	_ =	shalt  }
0x58: {  	_ =	shalt  }
0x59: {  	_ =	shalt  }
0x5a: {  	_ =	shalt  }
0x5b: {  	_ =	shalt  }
0x5c: {  	_ =	shalt  }
0x5d: {  	_ =	shalt  }
0x5e: {  	_ =	shalt  }
0x5f: {  	_ =	shalt  }
0x60: {  	_ =	shalt  }
0x61: {  	_ =	shalt  }
0x62: {  	_ =	shalt  }
0x63: {  	_ =	shalt  }
0x64: {  	_ =	shalt  }
0x65: {  	_ =	shalt  }
0x66: {  	_ =	shalt  }
0x67: {  	_ =	shalt  }
0x68: {  	_ =	shalt  }
0x69: {  	_ =	shalt  }
0x6a: {  	_ =	shalt  }
0x6b: {  	_ =	shalt  }
0x6c: {  	_ =	shalt  }
0x6d: {  	_ =	shalt  }
0x6e: {  	_ =	shalt  }
0x6f: {  	_ =	shalt  }
0x70: {  	_ =	shalt  }
0x71: {  	_ =	shalt  }
0x72: {  	_ =	shalt  }
0x73: {  	_ =	shalt  }
0x74: {  	_ =	shalt  }
0x75: {  	_ =	shalt  }
0x76: {  	_ =	shalt  }
0x77: {  	_ =	shalt  }
0x78: {  	_ =	shalt  }
0x79: {  	_ =	shalt  }
0x7a: {  	_ =	shalt  }
0x7b: {  	_ =	shalt  }
0x7c: {  	_ =	shalt  }
0x7d: {  	_ =	shalt  }
0x7e: {  	_ =	shalt  }
0x7f: {  	_ =	shalt  }
0x80: {  	_ =	shalt  }
0x81: {  	_ =	shalt  }
0x82: {  	_ =	shalt  }
0x83: {  	_ =	shalt  }
0x84: {  	_ =	shalt  }
0x85: {  	_ =	shalt  }
0x86: {  	_ =	shalt  }
0x87: {  	_ =	shalt  }
.Lfunc_end0:
.L_simem_size_0:
called_computation_lowered:
.L_overlay_start_0:
0x88: {  	s2 =	sld [smem:$0x3FD9]  }
0x89: {  	s3 =	sld [smem:$0x3FFE];
	_ =	sdelay $0x1  }
0x8a: {  	s1 =	srdreg.scid  }
0x8b: {  	s0 =	sand.u32 $0x1, s1  }
0x8c: {  	s17 =	sshll.u32 s0, $0xA;
	s2 =	sadd.s32 s3, s2  }
0x8d: {  	s2 =	sadd.s32 s2, s17  }
0x8e: {  	[smem:$0x3FC4] =	sst s2  }
0x8f: {  	_ = 	snop  }
0x90: {  	s2 =	sld [smem:$0x3FC6];
	(tm) =	ssettm $0x1  }
0x91: {  	s18 =	sld [smem:$0x3FFB];
	_ =	sdelay $0x3  }
0x92: {  	_ =	strace s18  }
0x93: {  	s3 =	sld [smem:$0x3FFC];
	_ =	sdelay $0x3  }
0x94: {  	_ =	strace s3  }
0x95: {  	s3 =	sld [smem:$0x3FFD];
	_ =	sdelay $0x3  }
0x96: {  	_ =	strace s3  }
0x97: {  	_ =	strace $0x8FFFFFFF  }
0x98: {  	s19 =	sld [smem:$0x3FDB];
	_ =	sdelay $0x1  }
0x99: {  	s4 =	simm.s32 $_scs_section_size  }
0x9a: {  	s5 =	simm.s32 $_size__tile_overlayer_lowered;
	s6 =	simm.s32 $_tile_overlayer_lowered  }
0x9b: {  	s22 =	simm.s32 $0x1BFF;
	s21 =	sshll.u32 s6, $0x1;
	s3 =	sadd.s32 s4, s19  }
0x9c: {  	s7 =	simm.s32 $0x0;
	s20 =	sshll.u32 s5, $0x1;
	s5 =	sadd.s32 s21, s3  }
0x9d: {  	[timem:s7], [sflag:s22] =	dma.local [hbm:s5], s20  }
0x9e: {  	_ =	swait.ge [sflag:s22], s20  }
0x9f: {  	s4 =	ssub.s32 $0x0, s20;
	[sflag:s22] =	ssyncset.done $0x0  }
0xa0: {  	[sflag:s22] =	ssyncadd.s32 s4;
	_ =	sdelay $0x1  }
0xa1: {  	s23 =	simm.s32 $0x1B8B  }
0xa2: {  	_ =	swait.ge [sflag:s23], $0x1  }
0xa3: {  	[sflag:s23] =	ssyncset.done $0x0  }
0xa4: {  	s25 =	simm.s32 $0x1B8E;
	s24 =	sld [smem:$0x3FFE];
	[sflag:s23] =	ssyncadd.s32 $0xFFFFFFFF  }
0xa5: {  	s26 =	simm.s32 $execute0_lowered;
	[smem:$0x3FD2] =	sst s25  }
0xa6: {  	s5 =	sshll.u32 s26, $0x1;
	_ =	strace $0x80000046;
	[dreg:$0x1] =	wrdreg $0xFFFFFFFF  }
0xa7: {  	s28 =	simm.s32 $_size_execute0_lowered;
	s3 =	sadd.s32 s3, s5;
	[dreg:$0x0] =	wrdreg $0x0  }
0xa8: {  	s5 =	sshll.u32 s28, $0x1;
	[dreg:$0x2] =	wrdreg s3  }
0xa9: {  	[dreg:$0x3] =	wrdreg s5  }
0xaa: {  	[dreg:$0x4] =	wrdreg $0xC0  }
0xab: {  	_ =	task [dreg:s7], $0x5FFFF  }
0xac: {  	[dreg:$0x1] =	wrdreg $0xFFFFFFFF  }
0xad: {  	[dreg:$0x0] =	wrdreg $0x60  }
0xae: {  	[dreg:$0x2] =	wrdreg s24  }
0xaf: {  	[dreg:$0x3] =	wrdreg s2  }
0xb0: {  	[dreg:$0x4] =	wrdreg $0x9  }
0xb1: {  	_ =	task.clear_ibuf [dreg:s7], $0x5FFFF;
	_ =	strace $0x90000046  }
0xb2: {  	s29 =	simm.s32 $0x9;
	_ =	strace $0x80000048  }
0xb3: {  	_ =	swait.ge [sflag:s29], $0x1  }
0xb4: {  	[sflag:s29] =	ssyncadd.s32 $0xFFFFFFFF  }
0xb5: {  	_ =	strace $0x90000048  }
0xb6: {  	_ =	sfence  }
0xb7: {  	s30 =	sld [smem:$0x0];
	_ =	sdelay $0x2  }
0xb8: {  	s31 =	sshll.u32 s1, $0xD;
	s1 =	sshrl.u32 s1, $0x2  }
0xb9: {  	s3 =	sand.u32 $0x4000, s31;
	s1 =	sadd.s32 s1, s30  }
0xba: {  	s0 =	sor.u32 s3, s0;
	s1 =	sshll.u32 s1, $0x11  }
0xbb: {  	s0 =	sor.u32 s1, s0  }
0xbc: {  	s0 =	sadd.s32 $0x8F2B, s0  }
0xbd: {  	[sflag:s0] =	ssyncadd.remote.s32 $0x1  }
0xbe: {  	_ =	sfence.sel $0xFFFF  }
0xbf: {  	[dreg:$0x0] =	wrdreg $0xFFFFFFFF;
	(pc) =	sbr.abs _section_cstart, $3  }
0xc0: {  	[dreg:$0x1] =	wrdreg $0xFFFFFFFF  }
0xc1: {  	_ =	task.clear_ibuf [dreg:s7], $0x2FFFF;
	_ =	strace $0x9FFFFFFF  }
0xc2: {  	(tm) =	ssettm $0x7FFFFFFF  }
0xc3: {  	_ =	shalt  }
tec
execute0_lowered:
.L_overlay_start_1:
0x0: {  	(tag) =	ssettag $0x1  }
0x1: {  	s0 =	rddreg [dreg:$0x0]  }
0x2: {  	s1 =	rddreg [dreg:$0x1]  }
0x3: {  	s3 =	srdreg.scid;
	s4 =	stileid.u32  }
0x4: {  	s2 =	simm.s32 $0x0;
	s12 =	simm.s32 $0x3;
	s13 =	simm.s32 $0x80  }
0x5: {  	s14 =	simm.s32 $0x3580;
	s15 =	simm.s32 $0x3780;
	s16 =	simm.s32 $0x5780  }
0x6: {  	v0 =	vlaneseq.u32;
	s17 =	simm.s32 $0x3600;
	s20 =	simm.s32 $0x3680;
	s22 =	simm.s32 $0x6780  }
0x7: {  	s23 =	simm.s32 $0x3700;
	s28 =	simm.s32 $0x1;
	s7 =	sshrl.u32 s4, $0x2;
	v1 =	vmul.u32 $0x10, v0  }
0x8: {  	v3 =	vimm.s32 $0x0;
	s29 =	simm.s32 $0x2;
	s8 =	smul.u32 $0x186A, s7;
	s7 =	sshll.u32 s7, $0x4  }
0x9: {  	v4 =	vimm.s32 $0x1;
	s30 =	simm.s32 $0x1000;
	s31 =	simm.s32 $0x7780;
	s5 =	sand.u32 $0x1, s3;
	v2 =	vmov s7;
	v5 =	vor.u32 $0x800, v1  }
0xa: {  	s24 =	sshll.u32 s4, $0x1;
	[smem:$0x7FF] =	sst s2;
	s3 =	sadd.s32 $0xD000, s0;
	v6 =	vor.u32 $0x1000, v1;
	v7 =	vor.u32 $0x1800, v1;
	v8 =	vor.u32 $0x100, v1  }
0xb: {  	s4 =	sadd.s32 $0xC00, s0;
	s6 =	sor.u32 s5, s24;
	_ =	strace $0x80000047;
	v9 =	vor.u32 $0x900, v1;
	v10 =	vor.u32 $0x1100, v1;
	v11 =	vor.u32 $0x1900, v1  }
0xc: {  	s5 =	ssub.s32 $0x2, s5;
	s24 =	simm.s32 $0x4F80;
	s11 =	sand.u32 $0x7, s6;
	v12 =	vor.u32 $0x200, v1;
	v13 =	vor.u32 $0xA00, v1;
	v14 =	vor.u32 $0x1200, v1  }
0xd: {  	s9 =	sshll.u32 s6, $0x7;
	s6 =	sshll.u32 s6, $0x4;
	s25 =	sshrl.u32 s5, $0x1;
	v15 =	vor.u32 $0x1A00, v1;
	v16 =	vor.u32 $0x300, v1;
	v17 =	vor.u32 $0xB00, v1  }
0xe: {  	v18 =	vor.u32 $0x1300, v1;
	v19 =	vor.u32 $0x1B00, v1;
	v20 =	vor.u32 $0x400, v1;
	s10 =	smul.u32 $0x310, s11;
	s9 =	sadd.s32 s9, s0;
	s0 =	sadd.s32 s6, s0  }
.Ltmp0:
0xf: {  	v21 =	vor.u32 $0xC00, v1;
	v22 =	vor.u32 $0x1400, v1;
	v23 =	vor.u32 $0x1C00, v1;
	s26 =	ssub.s32 s5, s25;
	s5 =	sadd.s32 s1, s6;
	(pc) =	sbr.rel .LBB2_1-.Ltmp0, $4  }
0x10: {  	v24 =	vor.u32 $0x500, v1;
	v25 =	vor.u32 $0xD00, v1;
	v26 =	vor.u32 $0x1500, v1;
	p0 =	seq.s32 s11, $0x7;
	s25 =	simm.s32 $0x6F80;
	s1 =	simm.s32 $0x0  }
0x11: {  	v27 =	vor.u32 $0x1D00, v1;
	v28 =	vor.u32 $0x600, v1;
	v29 =	vor.u32 $0xE00, v1;
	s7 =	sadd.s32 $0x1A400, s9;
	s9 =	sadd.s32 $0x19C00, s0;
	s8 =	sadd.s32 s8, s10  }
0x12: {  	v30 =	vor.u32 $0x1600, v1;
	v31 =	vor.u32 $0x1E00, v1;
	v32 =	vor.u32 $0x700, v1;
	s10 =	smax.u32 s26, $0x1;
	s26 =	simm.s32 $0x3100;
	s8 =	sshll.u32 s8, $0x1  }
0x13: {  	v33 =	vor.u32 $0xF00, v1;
	v34 =	vor.u32 $0x1700, v1;
	v35 =	vor.u32 $0x1F00, v1;
	s6 =	sadd.s32 s3, s8;
	s8 =	sadd.s32 $0x19400, s0;
	s0 =	simm.s32 $0x7980  }
.LBB2_6:
0x14: {  	_ =	sdelay $0x3  }
0x15: {  	[tilespmem:v36+s26+$0x0] =	vst.idx.add.s32.msk $0xffff, v4  }
.LBB2_7:
0x16: {  	[hbm4b:s7+s2] =	stream.linear.scatter [tilespmem:s26], [sflag:$0x3], $0x400, $0x38;
	[tilespmem:$0x7B80] =	vst v63  }
0x17: {  	_ =	swait.ge [sflag:s12], $0x400  }
0x18: {  	[sflag:s12] =	ssyncset.done $0x0  }
0x19: {  	[sflag:s12] =	ssyncadd.s32 $0xFFFFFC00  }
0x1a: {  	_ =	swait.ge [sflag:s28], $0x800  }
0x1b: {  	[sflag:s28] =	ssyncset.done $0x0  }
0x1c: {  	[sflag:s28] =	ssyncadd.s32 $0xFFFFF800  }
0x1d: {  	_ =	swait.ge [sflag:s29], $0x800  }
0x1e: {  	[sflag:s29] =	ssyncset.done $0x0  }
0x1f: {  	[sflag:s29] =	ssyncadd.s32 $0xFFFFF800  }
0x20: {  	_ =	swait.ge [sflag:s28], $0x800  }
0x21: {  	[sflag:s28] =	ssyncset.done $0x0  }
0x22: {  	[sflag:s28] =	ssyncadd.s32 $0xFFFFF800  }
0x23: {  	_ =	swait.ge [sflag:s29], $0x800  }
0x24: {  	[sflag:s29] =	ssyncset.done $0x0  }
0x25: {  	[sflag:s29] =	ssyncadd.s32 $0xFFFFF800  }
0x26: {  	_ =	swait.ge [sflag:s28], $0x800  }
0x27: {  	[sflag:s28] =	ssyncset.done $0x0  }
0x28: {  	[sflag:s28] =	ssyncadd.s32 $0xFFFFF800  }
0x29: {  	_ =	swait.ge [sflag:s29], $0x800  }
0x2a: {  	[sflag:s29] =	ssyncset.done $0x0  }
0x2b: {  	[sflag:s29] =	ssyncadd.s32 $0xFFFFF800  }
0x2c: {  	_ =	swait.ge [sflag:s28], $0x800  }
0x2d: {  	[sflag:s28] =	ssyncset.done $0x0  }
0x2e: {  	[sflag:s28] =	ssyncadd.s32 $0xFFFFF800  }
0x2f: {  	_ =	swait.ge [sflag:s29], $0x800  }
0x30: {  	[sflag:s29] =	ssyncset.done $0x0  }
0x31: {  	[sflag:s29] =	ssyncadd.s32 $0xFFFFF800  }
0x32: {  	v36 =	vld [tilespmem:$0x3500];
	_ =	sdelay $0x4  }
0x33: {  	v36 =	vand.u32 $0xF, v36  }
0x34: {  	v37 =	vor.u32 v1, v36;
	_ =	sdelay $0x4  }
0x35: {  	v38 =	vld.idx.msk [tilespmem:v37+s15+$0x0], $0xffff;
	_ =	sdelay $0x4  }
0x36: {  	[tilespmem:$0x7780] =	vst v38  }
0x37: {  	v37 =	vld.idx.msk [tilespmem:v37+s16+$0x0], $0xffff  }
0x38: {  	v58 =	vor.u32 v5, v36;
	_ =	sdelay $0x3  }
0x39: {  	[tilespmem:$0x7980] =	vst v37  }
0x3a: {  	v37 =	vld.idx.msk [tilespmem:v58+s15+$0x0], $0xffff;
	_ =	sdelay $0x4  }
0x3b: {  	[tilespmem:$0x7800] =	vst v37  }
0x3c: {  	v37 =	vld.idx.msk [tilespmem:v58+s16+$0x0], $0xffff  }
0x3d: {  	v59 =	vor.u32 v6, v36;
	_ =	sdelay $0x3  }
0x3e: {  	[tilespmem:$0x7A00] =	vst v37  }
0x3f: {  	v37 =	vld.idx.msk [tilespmem:v59+s15+$0x0], $0xffff;
	_ =	sdelay $0x4  }
0x40: {  	[tilespmem:$0x7880] =	vst v37  }
0x41: {  	v37 =	vld.idx.msk [tilespmem:v59+s16+$0x0], $0xffff  }
0x42: {  	v36 =	vor.u32 v7, v36;
	_ =	sdelay $0x3  }
0x43: {  	[tilespmem:$0x7A80] =	vst v37  }
0x44: {  	v37 =	vld.idx.msk [tilespmem:v36+s15+$0x0], $0xffff  }
0x45: {  	v60 =	vld [tilespmem:$0x3510];
	_ =	sdelay $0x3  }
0x46: {  	[tilespmem:$0x7900] =	vst v37  }
0x47: {  	v61 =	vand.u32 $0xF, v60;
	v36 =	vld.idx.msk [tilespmem:v36+s16+$0x0], $0xffff  }
0x48: {  	v38 =	vor.u32 v8, v61;
	_ =	sdelay $0x3  }
0x49: {  	[tilespmem:$0x7B00] =	vst v36  }
0x4a: {  	v36 =	vld.idx.msk [tilespmem:v38+s15+$0x0], $0xffff;
	_ =	sdelay $0x4  }
0x4b: {  	[tilespmem:$0x7790] =	vst v36  }
0x4c: {  	v36 =	vld.idx.msk [tilespmem:v38+s16+$0x0], $0xffff  }
0x4d: {  	v62 =	vor.u32 v9, v61;
	_ =	sdelay $0x3  }
0x4e: {  	[tilespmem:$0x7990] =	vst v36  }
0x4f: {  	v36 =	vld.idx.msk [tilespmem:v62+s15+$0x0], $0xffff;
	_ =	sdelay $0x4  }
0x50: {  	[tilespmem:$0x7810] =	vst v36  }
0x51: {  	v36 =	vld.idx.msk [tilespmem:v62+s16+$0x0], $0xffff  }
0x52: {  	v63 =	vor.u32 v10, v61;
	_ =	sdelay $0x3  }
0x53: {  	[tilespmem:$0x7A10] =	vst v36  }
0x54: {  	v36 =	vld.idx.msk [tilespmem:v63+s15+$0x0], $0xffff;
	_ =	sdelay $0x4  }
0x55: {  	[tilespmem:$0x7890] =	vst v36  }
0x56: {  	v36 =	vld.idx.msk [tilespmem:v63+s16+$0x0], $0xffff  }
0x57: {  	v37 =	vor.u32 v11, v61;
	_ =	sdelay $0x3  }
0x58: {  	[tilespmem:$0x7A90] =	vst v36  }
0x59: {  	v36 =	vld.idx.msk [tilespmem:v37+s15+$0x0], $0xffff  }
0x5a: {  	v40 =	vld [tilespmem:$0x3520];
	_ =	sdelay $0x3  }
0x5b: {  	[tilespmem:$0x7910] =	vst v36  }
0x5c: {  	v41 =	vand.u32 $0xF, v40;
	v36 =	vld.idx.msk [tilespmem:v37+s16+$0x0], $0xffff  }
0x5d: {  	v38 =	vor.u32 v12, v41;
	_ =	sdelay $0x3  }
0x5e: {  	[tilespmem:$0x7B10] =	vst v36  }
0x5f: {  	v36 =	vld.idx.msk [tilespmem:v38+s15+$0x0], $0xffff;
	_ =	sdelay $0x4  }
0x60: {  	[tilespmem:$0x77A0] =	vst v36  }
0x61: {  	v36 =	vld.idx.msk [tilespmem:v38+s16+$0x0], $0xffff  }
0x62: {  	v42 =	vor.u32 v13, v41;
	_ =	sdelay $0x3  }
0x63: {  	[tilespmem:$0x79A0] =	vst v36  }
0x64: {  	v36 =	vld.idx.msk [tilespmem:v42+s15+$0x0], $0xffff;
	_ =	sdelay $0x4  }
0x65: {  	[tilespmem:$0x7820] =	vst v36  }
0x66: {  	v36 =	vld.idx.msk [tilespmem:v42+s16+$0x0], $0xffff  }
0x67: {  	v43 =	vor.u32 v14, v41;
	_ =	sdelay $0x3  }
0x68: {  	[tilespmem:$0x7A20] =	vst v36  }
0x69: {  	v36 =	vld.idx.msk [tilespmem:v43+s15+$0x0], $0xffff;
	_ =	sdelay $0x4  }
0x6a: {  	[tilespmem:$0x78A0] =	vst v36  }
0x6b: {  	v36 =	vld.idx.msk [tilespmem:v43+s16+$0x0], $0xffff  }
0x6c: {  	v37 =	vor.u32 v15, v41;
	_ =	sdelay $0x3  }
0x6d: {  	[tilespmem:$0x7AA0] =	vst v36  }
0x6e: {  	v36 =	vld.idx.msk [tilespmem:v37+s15+$0x0], $0xffff  }
0x6f: {  	v44 =	vld [tilespmem:$0x3530];
	_ =	sdelay $0x3  }
0x70: {  	[tilespmem:$0x7920] =	vst v36  }
0x71: {  	v45 =	vand.u32 $0xF, v44;
	v36 =	vld.idx.msk [tilespmem:v37+s16+$0x0], $0xffff  }
0x72: {  	v38 =	vor.u32 v16, v45;
	_ =	sdelay $0x3  }
0x73: {  	[tilespmem:$0x7B20] =	vst v36  }
0x74: {  	v36 =	vld.idx.msk [tilespmem:v38+s15+$0x0], $0xffff;
	_ =	sdelay $0x4  }
0x75: {  	[tilespmem:$0x77B0] =	vst v36  }
0x76: {  	v36 =	vld.idx.msk [tilespmem:v38+s16+$0x0], $0xffff  }
0x77: {  	v46 =	vor.u32 v17, v45;
	_ =	sdelay $0x3  }
0x78: {  	[tilespmem:$0x79B0] =	vst v36  }
0x79: {  	v36 =	vld.idx.msk [tilespmem:v46+s15+$0x0], $0xffff;
	_ =	sdelay $0x4  }
0x7a: {  	[tilespmem:$0x7830] =	vst v36  }
0x7b: {  	v36 =	vld.idx.msk [tilespmem:v46+s16+$0x0], $0xffff  }
0x7c: {  	v47 =	vor.u32 v18, v45;
	_ =	sdelay $0x3  }
0x7d: {  	[tilespmem:$0x7A30] =	vst v36  }
0x7e: {  	v36 =	vld.idx.msk [tilespmem:v47+s15+$0x0], $0xffff;
	_ =	sdelay $0x4  }
0x7f: {  	[tilespmem:$0x78B0] =	vst v36  }
0x80: {  	v36 =	vld.idx.msk [tilespmem:v47+s16+$0x0], $0xffff  }
0x81: {  	v37 =	vor.u32 v19, v45;
	_ =	sdelay $0x3  }
0x82: {  	[tilespmem:$0x7AB0] =	vst v36  }
0x83: {  	v36 =	vld.idx.msk [tilespmem:v37+s15+$0x0], $0xffff  }
0x84: {  	v48 =	vld [tilespmem:$0x3540];
	_ =	sdelay $0x3  }
0x85: {  	[tilespmem:$0x7930] =	vst v36  }
0x86: {  	v49 =	vand.u32 $0xF, v48;
	v36 =	vld.idx.msk [tilespmem:v37+s16+$0x0], $0xffff  }
0x87: {  	v38 =	vor.u32 v20, v49;
	_ =	sdelay $0x3  }
0x88: {  	[tilespmem:$0x7B30] =	vst v36  }
0x89: {  	v36 =	vld.idx.msk [tilespmem:v38+s15+$0x0], $0xffff;
	_ =	sdelay $0x4  }
0x8a: {  	[tilespmem:$0x77C0] =	vst v36  }
0x8b: {  	v36 =	vld.idx.msk [tilespmem:v38+s16+$0x0], $0xffff  }
0x8c: {  	v50 =	vor.u32 v21, v49;
	_ =	sdelay $0x3  }
0x8d: {  	[tilespmem:$0x79C0] =	vst v36  }
0x8e: {  	v36 =	vld.idx.msk [tilespmem:v50+s15+$0x0], $0xffff;
	_ =	sdelay $0x4  }
0x8f: {  	[tilespmem:$0x7840] =	vst v36  }
0x90: {  	v36 =	vld.idx.msk [tilespmem:v50+s16+$0x0], $0xffff  }
0x91: {  	v51 =	vor.u32 v22, v49;
	_ =	sdelay $0x3  }
0x92: {  	[tilespmem:$0x7A40] =	vst v36  }
0x93: {  	v36 =	vld.idx.msk [tilespmem:v51+s15+$0x0], $0xffff;
	_ =	sdelay $0x4  }
0x94: {  	[tilespmem:$0x78C0] =	vst v36  }
0x95: {  	v36 =	vld.idx.msk [tilespmem:v51+s16+$0x0], $0xffff  }
0x96: {  	v37 =	vor.u32 v23, v49;
	_ =	sdelay $0x3  }
0x97: {  	[tilespmem:$0x7AC0] =	vst v36  }
0x98: {  	v36 =	vld.idx.msk [tilespmem:v37+s15+$0x0], $0xffff  }
0x99: {  	v52 =	vld [tilespmem:$0x3550];
	_ =	sdelay $0x3  }
0x9a: {  	[tilespmem:$0x7940] =	vst v36  }
0x9b: {  	v53 =	vand.u32 $0xF, v52;
	v36 =	vld.idx.msk [tilespmem:v37+s16+$0x0], $0xffff  }
0x9c: {  	v38 =	vor.u32 v24, v53;
	_ =	sdelay $0x3  }
0x9d: {  	[tilespmem:$0x7B40] =	vst v36  }
0x9e: {  	v36 =	vld.idx.msk [tilespmem:v38+s15+$0x0], $0xffff;
	_ =	sdelay $0x4  }
0x9f: {  	[tilespmem:$0x77D0] =	vst v36  }
0xa0: {  	v36 =	vld.idx.msk [tilespmem:v38+s16+$0x0], $0xffff  }
0xa1: {  	v54 =	vor.u32 v25, v53;
	_ =	sdelay $0x3  }
0xa2: {  	[tilespmem:$0x79D0] =	vst v36  }
0xa3: {  	v36 =	vld.idx.msk [tilespmem:v54+s15+$0x0], $0xffff;
	_ =	sdelay $0x4  }
0xa4: {  	[tilespmem:$0x7850] =	vst v36  }
0xa5: {  	v36 =	vld.idx.msk [tilespmem:v54+s16+$0x0], $0xffff  }
0xa6: {  	v55 =	vor.u32 v26, v53;
	_ =	sdelay $0x3  }
0xa7: {  	[tilespmem:$0x7A50] =	vst v36  }
0xa8: {  	v36 =	vld.idx.msk [tilespmem:v55+s15+$0x0], $0xffff;
	_ =	sdelay $0x4  }
0xa9: {  	[tilespmem:$0x78D0] =	vst v36  }
0xaa: {  	v36 =	vld.idx.msk [tilespmem:v55+s16+$0x0], $0xffff  }
0xab: {  	v37 =	vor.u32 v27, v53;
	_ =	sdelay $0x3  }
0xac: {  	[tilespmem:$0x7AD0] =	vst v36  }
0xad: {  	v36 =	vld.idx.msk [tilespmem:v37+s15+$0x0], $0xffff  }
0xae: {  	v56 =	vld [tilespmem:$0x3560];
	_ =	sdelay $0x3  }
0xaf: {  	[tilespmem:$0x7950] =	vst v36  }
0xb0: {  	v57 =	vand.u32 $0xF, v56;
	v36 =	vld.idx.msk [tilespmem:v37+s16+$0x0], $0xffff  }
0xb1: {  	v38 =	vor.u32 v28, v57;
	_ =	sdelay $0x3  }
0xb2: {  	[tilespmem:$0x7B50] =	vst v36  }
0xb3: {  	v36 =	vld.idx.msk [tilespmem:v38+s15+$0x0], $0xffff;
	_ =	sdelay $0x4  }
0xb4: {  	[tilespmem:$0x77E0] =	vst v36  }
0xb5: {  	v36 =	vld.idx.msk [tilespmem:v38+s16+$0x0], $0xffff  }
0xb6: {  	v58 =	vor.u32 v29, v57;
	_ =	sdelay $0x3  }
0xb7: {  	[tilespmem:$0x79E0] =	vst v36  }
0xb8: {  	v36 =	vld.idx.msk [tilespmem:v58+s15+$0x0], $0xffff;
	_ =	sdelay $0x4  }
0xb9: {  	[tilespmem:$0x7860] =	vst v36  }
0xba: {  	v36 =	vld.idx.msk [tilespmem:v58+s16+$0x0], $0xffff  }
0xbb: {  	v59 =	vor.u32 v30, v57;
	_ =	sdelay $0x3  }
0xbc: {  	[tilespmem:$0x7A60] =	vst v36  }
0xbd: {  	v36 =	vld.idx.msk [tilespmem:v59+s15+$0x0], $0xffff;
	_ =	sdelay $0x4  }
0xbe: {  	[tilespmem:$0x78E0] =	vst v36  }
0xbf: {  	v36 =	vld.idx.msk [tilespmem:v59+s16+$0x0], $0xffff  }
0xc0: {  	v37 =	vor.u32 v31, v57;
	_ =	sdelay $0x3  }
0xc1: {  	[tilespmem:$0x7AE0] =	vst v36  }
0xc2: {  	v36 =	vld.idx.msk [tilespmem:v37+s15+$0x0], $0xffff  }
0xc3: {  	v60 =	vld [tilespmem:$0x3570];
	_ =	sdelay $0x3  }
0xc4: {  	[tilespmem:$0x7960] =	vst v36  }
0xc5: {  	v61 =	vand.u32 $0xF, v60;
	v36 =	vld.idx.msk [tilespmem:v37+s16+$0x0], $0xffff  }
0xc6: {  	v38 =	vor.u32 v32, v61;
	_ =	sdelay $0x3  }
0xc7: {  	[tilespmem:$0x7B60] =	vst v36  }
0xc8: {  	v36 =	vld.idx.msk [tilespmem:v38+s15+$0x0], $0xffff;
	_ =	sdelay $0x4  }
0xc9: {  	[tilespmem:$0x77F0] =	vst v36  }
0xca: {  	v36 =	vld.idx.msk [tilespmem:v38+s16+$0x0], $0xffff  }
0xcb: {  	v62 =	vor.u32 v33, v61;
	_ =	sdelay $0x3  }
0xcc: {  	[tilespmem:$0x79F0] =	vst v36  }
0xcd: {  	v36 =	vld.idx.msk [tilespmem:v62+s15+$0x0], $0xffff;
	_ =	sdelay $0x4  }
0xce: {  	[tilespmem:$0x7870] =	vst v36  }
0xcf: {  	v36 =	vld.idx.msk [tilespmem:v62+s16+$0x0], $0xffff  }
0xd0: {  	v63 =	vor.u32 v34, v61;
	_ =	sdelay $0x3  }
0xd1: {  	[tilespmem:$0x7A70] =	vst v36  }
0xd2: {  	v36 =	vld.idx.msk [tilespmem:v63+s15+$0x0], $0xffff;
	_ =	sdelay $0x4  }
0xd3: {  	[tilespmem:$0x78F0] =	vst v36  }
0xd4: {  	v36 =	vld.idx.msk [tilespmem:v63+s16+$0x0], $0xffff  }
0xd5: {  	v37 =	vor.u32 v35, v61;
	_ =	sdelay $0x3  }
0xd6: {  	[tilespmem:$0x7AF0] =	vst v36  }
0xd7: {  	v36 =	vld.idx.msk [tilespmem:v37+s15+$0x0], $0xffff;
	_ =	sdelay $0x4  }
0xd8: {  	[tilespmem:$0x7970] =	vst v36  }
0xd9: {  	v36 =	vld.idx.msk [tilespmem:v37+s16+$0x0], $0xffff;
	_ =	sdelay $0x4  }
0xda: {  	[tilespmem:$0x7B70] =	vst v36  }
0xdb: {  	[hbm4b:s8+s13] =	stream.strided.scatter [tilespmem:s31], [sflag:$0x3], $0x200, s30, s13, $0x38;
	[tilespmem:$0x7B80] =	vst v63  }
0xdc: {  	s1 =	sadd.s32 $0x1, s1;
	_ =	swait.ge [sflag:s12], $0x200  }
0xdd: {  	p1 =	sne.s32 s1, s10;
	[sflag:s12] =	ssyncset.done $0x0  }
.Ltmp1:
0xde: {  	[sflag:s12] =	ssyncadd.s32 $0xFFFFFE00;
	(pc) =	sbr.rel @!p1 .LBB2_8-.Ltmp1, $4  }
0xdf: {  	[hbm4b:s9+s13] =	stream.strided.scatter [tilespmem:s0], [sflag:$0x3], $0x200, s30, s13, $0x38;
	[tilespmem:$0x7B80] =	vst v63  }
0xe0: {  	_ =	swait.ge [sflag:s12], $0x200  }
0xe1: {  	[sflag:s12] =	ssyncset.done $0x0  }
0xe2: {  	[sflag:s12] =	ssyncadd.s32 $0xFFFFFE00  }
.LBB2_1:
0xe3: {  	s11 =	simm.s32 $0x3500  }
0xe4: {  	[tilespmem:s11], [sflag:$0x3] =	stream.linear.gather [hbm4b:s5+s2], $0x80, $0x38;
	[tilespmem:$0x7B80] =	vst v63  }
0xe5: {  	_ =	swait.ge [sflag:s12], $0x80  }
0xe6: {  	[sflag:s12] =	ssyncset.done $0x0  }
0xe7: {  	[sflag:s12] =	ssyncadd.s32 $0xFFFFFF80  }
0xe8: {  	v36 =	vld [tilespmem:$0x3500]  }
0xe9: {  	v37 =	vld [tilespmem:$0x3510]  }
0xea: {  	v41 =	vld [tilespmem:$0x3520];
	_ =	sdelay $0x2  }
0xeb: {  	v59 =	vld [tilespmem:$0x3530];
	v38 =	vshra.s32 v36, $0x1F  }
0xec: {  	v39 =	vand.u32 $0xF, v36;
	vm0 =	vlt.s32 v36, $0x1;
	v55 =	vshra.s32 v37, $0x1F  }
0xed: {  	v40 =	vand.u32 $0xF, v37;
	vm14 =	vlt.s32 v37, $0x1;
	v43 =	vshra.s32 v41, $0x1F  }
0xee: {  	v44 =	vand.u32 $0xF, v41;
	v38 =	vshrl.u32 v38, $0x1C;
	vm1 =	vne.s32 v39, $0x0  }
0xef: {  	v50 =	vld [tilespmem:$0x3540];
	vm4 =	vlt.s32 v41, $0x1;
	v36 =	vadd.s32 v38, v36;
	vm0 =	vmand vm0, vm1  }
0xf0: {  	v53 =	vld [tilespmem:$0x3550];
	v48 =	vshra.s32 v59, $0x1F;
	v54 =	vsel vm0, $0xFFFFFFFF, v3;
	v36 =	vshra.s32 v36, $0x4  }
0xf1: {  	v49 =	vand.u32 $0xF, v59;
	vm6 =	vlt.s32 v59, $0x1;
	v36 =	vadd.s32 v54, v36  }
0xf2: {  	v39 =	vshrl.u32 v55, $0x1C;
	vm15 =	vne.s32 v40, $0x0;
	v57 =	vadd.s32 $0x186A, v36;
	[tilespmem:$0x3580] =	vst v36  }
0xf3: {  	v37 =	vadd.s32 v39, v37;
	vm0 =	vmand vm14, vm15;
	v58 =	vadd.s32 $0x30D4, v36;
	[tilespmem:$0x3600] =	vst v57  }
0xf4: {  	v37 =	vshra.s32 v37, $0x4;
	v56 =	vsel vm0, $0xFFFFFFFF, v3;
	v36 =	vadd.s32 $0x493E, v36;
	[tilespmem:$0x3680] =	vst v58  }
0xf5: {  	vm8 =	vlt.s32 v50, $0x1;
	v45 =	vshra.s32 v53, $0x1F;
	v37 =	vadd.s32 v56, v37;
	[tilespmem:$0x3700] =	vst v36  }
0xf6: {  	v43 =	vshrl.u32 v43, $0x1C;
	vm5 =	vne.s32 v44, $0x0;
	v42 =	vadd.s32 $0x186A, v37;
	[tilespmem:$0x3590] =	vst v37  }
0xf7: {  	v61 =	vadd.s32 v43, v41;
	vm0 =	vmand vm4, vm5;
	v60 =	vadd.s32 $0x30D4, v37;
	[tilespmem:$0x3610] =	vst v42  }
0xf8: {  	v40 =	vshra.s32 v61, $0x4;
	v63 =	vsel vm0, $0xFFFFFFFF, v3;
	v62 =	vadd.s32 $0x493E, v37;
	[tilespmem:$0x3690] =	vst v60  }
0xf9: {  	vm11 =	vlt.s32 v53, $0x1;
	v41 =	vshrl.u32 v48, $0x1C;
	v37 =	vadd.s32 v63, v40;
	[tilespmem:$0x3710] =	vst v62  }
0xfa: {  	vm7 =	vne.s32 v49, $0x0;
	v38 =	vadd.s32 v41, v59;
	v51 =	vadd.s32 $0x186A, v37;
	[tilespmem:$0x35A0] =	vst v37  }
0xfb: {  	v38 =	vshra.s32 v38, $0x4;
	vm0 =	vmand vm6, vm7;
	v54 =	vadd.s32 $0x30D4, v37;
	[tilespmem:$0x3620] =	vst v51  }
0xfc: {  	v56 =	vshra.s32 v50, $0x1F;
	v52 =	vsel vm0, $0xFFFFFFFF, v3;
	v37 =	vadd.s32 $0x493E, v37;
	[tilespmem:$0x36A0] =	vst v54  }
0xfd: {  	v57 =	vand.u32 $0xF, v50;
	v39 =	vshrl.u32 v56, $0x1C;
	v38 =	vadd.s32 v52, v38;
	[tilespmem:$0x3720] =	vst v37  }
0xfe: {  	vm9 =	vne.s32 v57, $0x0;
	v58 =	vadd.s32 v39, v50;
	v55 =	vadd.s32 $0x186A, v38;
	[tilespmem:$0x35B0] =	vst v38  }
0xff: {  	v63 =	vld [tilespmem:$0x3560];
	v62 =	vand.u32 $0xF, v53;
	v59 =	vadd.s32 $0x30D4, v38;
	vm0 =	vmand vm8, vm9;
	[tilespmem:$0x3630] =	vst v55  }
0x100: {  	v60 =	vshra.s32 v58, $0x4;
	v38 =	vadd.s32 $0x493E, v38;
	v61 =	vsel vm0, $0xFFFFFFFF, v3;
	[tilespmem:$0x36B0] =	vst v59  }
0x101: {  	vm10 =	vne.s32 v62, $0x0;
	v37 =	vshrl.u32 v45, $0x1C;
	[tilespmem:$0x3730] =	vst v38;
	v36 =	vadd.s32 v61, v60  }
0x102: {  	v37 =	vadd.s32 v37, v53;
	vm0 =	vmand vm11, vm10;
	v46 =	vadd.s32 $0x186A, v36;
	[tilespmem:$0x35C0] =	vst v36  }
0x103: {  	v50 =	vld [tilespmem:$0x3570];
	v37 =	vshra.s32 v37, $0x4;
	v48 =	vsel vm0, $0xFFFFFFFF, v3;
	v47 =	vadd.s32 $0x30D4, v36;
	[tilespmem:$0x3640] =	vst v46  }
0x104: {  	v37 =	vadd.s32 v48, v37;
	v49 =	vand.u32 $0xF, v63;
	v36 =	vadd.s32 $0x493E, v36;
	[tilespmem:$0x36C0] =	vst v47  }
0x105: {  	v51 =	vshra.s32 v63, $0x1F;
	vm13 =	vlt.s32 v63, $0x1;
	vm12 =	vne.s32 v49, $0x0;
	[tilespmem:$0x3740] =	vst v36  }
0x106: {  	v52 =	vadd.s32 $0x186A, v37;
	v38 =	vshrl.u32 v51, $0x1C;
	v54 =	vadd.s32 $0x30D4, v37;
	[tilespmem:$0x35D0] =	vst v37  }
0x107: {  	v37 =	vadd.s32 $0x493E, v37;
	[tilespmem:$0x3650] =	vst v52;
	v53 =	vadd.s32 v38, v63;
	vm0 =	vmand vm13, vm12  }
0x108: {  	v56 =	vand.u32 $0xF, v50;
	[tilespmem:$0x36D0] =	vst v54;
	v36 =	vshra.s32 v53, $0x4;
	v55 =	vsel vm0, $0xFFFFFFFF, v3  }
0x109: {  	v58 =	vshra.s32 v50, $0x1F;
	vm15 =	vlt.s32 v50, $0x1;
	[tilespmem:$0x3750] =	vst v37;
	v36 =	vadd.s32 v55, v36  }
0x10a: {  	vm14 =	vne.s32 v56, $0x0;
	v38 =	vshrl.u32 v58, $0x1C;
	v57 =	vadd.s32 $0x186A, v36;
	[tilespmem:$0x35E0] =	vst v36  }
0x10b: {  	v60 =	vadd.s32 v38, v50;
	vm0 =	vmand vm15, vm14;
	v59 =	vadd.s32 $0x30D4, v36;
	[tilespmem:$0x3660] =	vst v57  }
0x10c: {  	v37 =	vshra.s32 v60, $0x4;
	v61 =	vsel vm0, $0xFFFFFFFF, v3;
	v36 =	vadd.s32 $0x493E, v36;
	[tilespmem:$0x36E0] =	vst v59  }
0x10d: {  	v62 =	vadd.s32 v61, v37;
	[tilespmem:$0x3760] =	vst v36  }
0x10e: {  	[tilespmem:$0x35F0] =	vst v62;
	v37 =	vadd.s32 $0x186A, v62  }
0x10f: {  	v63 =	vadd.s32 $0x30D4, v62;
	[tilespmem:$0x3670] =	vst v37  }
0x110: {  	v36 =	vadd.s32 $0x493E, v62;
	[tilespmem:$0x36F0] =	vst v63  }
0x111: {  	[tilespmem:$0x3770] =	vst v36  }
0x112: {  	[tilespmem:s15], [sflag:$0x1] =	stream.indirect.gather [hbm4b:s3+s13], $0x10, s14, s13, $0xb8;
	[tilespmem:$0x7B80] =	vst v63  }
0x113: {  	_ = 	snop  }
0x114: {  	[tilespmem:s16], [sflag:$0x2] =	stream.indirect.gather [hbm4b:s4+s13], $0x10, s14, s13, $0xb8;
	[tilespmem:$0x7B80] =	vst v63  }
0x115: {  	s18 =	simm.s32 $0x3F80  }
0x116: {  	[tilespmem:s18], [sflag:$0x1] =	stream.indirect.gather [hbm4b:s3+s13], $0x10, s17, s13, $0xb8;
	[tilespmem:$0x7B80] =	vst v63  }
0x117: {  	s19 =	simm.s32 $0x5F80  }
0x118: {  	[tilespmem:s19], [sflag:$0x2] =	stream.indirect.gather [hbm4b:s4+s13], $0x10, s17, s13, $0xb8;
	[tilespmem:$0x7B80] =	vst v63  }
0x119: {  	s21 =	simm.s32 $0x4780  }
0x11a: {  	[tilespmem:s21], [sflag:$0x1] =	stream.indirect.gather [hbm4b:s3+s13], $0x10, s20, s13, $0xb8;
	[tilespmem:$0x7B80] =	vst v63  }
0x11b: {  	_ = 	snop  }
0x11c: {  	[tilespmem:s22], [sflag:$0x2] =	stream.indirect.gather [hbm4b:s4+s13], $0x10, s20, s13, $0xb8;
	[tilespmem:$0x7B80] =	vst v63  }
0x11d: {  	_ = 	snop  }
0x11e: {  	[tilespmem:s24], [sflag:$0x1] =	stream.indirect.gather [hbm4b:s3+s13], $0x10, s23, s13, $0xb8;
	[tilespmem:$0x7B80] =	vst v63  }
0x11f: {  	_ = 	snop  }
0x120: {  	[tilespmem:s25], [sflag:$0x2] =	stream.indirect.gather [hbm4b:s4+s13], $0x10, s23, s13, $0xb8;
	[tilespmem:$0x7B80] =	vst v63  }
0x121: {  	s11 =	simm.s32 @p0 $0x0  }
0x122: {  	[tilespmem:s11], [sflag:$0x3] =	stream.linear.gather @p0 [hbm4b:s6+s11], $0x2FA0, $0x38;
	[tilespmem:$0x7B80] =	vst v63  }
0x123: {  	s11 =	simm.s32 @p0 $0x3  }
0x124: {  	_ =	swait.ge @p0 [sflag:s11], $0x2FA0  }
0x125: {  	[sflag:s11] =	ssyncset.done @p0 $0x0  }
0x126: {  	[sflag:s11] =	ssyncadd.s32 @p0 $0xFFFFD060;
	s11 =	simm.s32 @!p0 $0x0  }
0x127: {  	[tilespmem:s11], [sflag:$0x3] =	stream.linear.gather @!p0 [hbm4b:s6+s11], $0x3100, $0x38;
	[tilespmem:$0x7B80] =	vst v63  }
0x128: {  	s11 =	simm.s32 @!p0 $0x3  }
0x129: {  	_ =	swait.ge @!p0 [sflag:s11], $0x3100  }
0x12a: {  	[sflag:s11] =	ssyncset.done @!p0 $0x0  }
0x12b: {  	[sflag:s11] =	ssyncadd.s32 @!p0 $0xFFFFCF00  }
0x12c: {  	[tilespmem:$0x3100] =	vst v3  }
0x12d: {  	[tilespmem:$0x3110] =	vst v3  }
0x12e: {  	[tilespmem:$0x3120] =	vst v3  }
0x12f: {  	[tilespmem:$0x3130] =	vst v3  }
0x130: {  	[tilespmem:$0x3140] =	vst v3  }
0x131: {  	[tilespmem:$0x3150] =	vst v3  }
0x132: {  	[tilespmem:$0x3160] =	vst v3  }
0x133: {  	[tilespmem:$0x3170] =	vst v3  }
0x134: {  	[tilespmem:$0x3180] =	vst v3  }
0x135: {  	[tilespmem:$0x3190] =	vst v3  }
0x136: {  	[tilespmem:$0x31A0] =	vst v3  }
0x137: {  	[tilespmem:$0x31B0] =	vst v3  }
0x138: {  	[tilespmem:$0x31C0] =	vst v3  }
0x139: {  	[tilespmem:$0x31D0] =	vst v3  }
0x13a: {  	[tilespmem:$0x31E0] =	vst v3  }
0x13b: {  	[tilespmem:$0x31F0] =	vst v3  }
0x13c: {  	[tilespmem:$0x3200] =	vst v3  }
0x13d: {  	[tilespmem:$0x3210] =	vst v3  }
0x13e: {  	[tilespmem:$0x3220] =	vst v3  }
0x13f: {  	[tilespmem:$0x3230] =	vst v3  }
0x140: {  	[tilespmem:$0x3240] =	vst v3  }
0x141: {  	[tilespmem:$0x3250] =	vst v3  }
0x142: {  	[tilespmem:$0x3260] =	vst v3  }
0x143: {  	[tilespmem:$0x3270] =	vst v3  }
0x144: {  	[tilespmem:$0x3280] =	vst v3  }
0x145: {  	[tilespmem:$0x3290] =	vst v3  }
0x146: {  	[tilespmem:$0x32A0] =	vst v3  }
0x147: {  	[tilespmem:$0x32B0] =	vst v3  }
0x148: {  	[tilespmem:$0x32C0] =	vst v3  }
0x149: {  	[tilespmem:$0x32D0] =	vst v3  }
0x14a: {  	[tilespmem:$0x32E0] =	vst v3  }
0x14b: {  	[tilespmem:$0x32F0] =	vst v3  }
0x14c: {  	[tilespmem:$0x3300] =	vst v3  }
0x14d: {  	[tilespmem:$0x3310] =	vst v3  }
0x14e: {  	[tilespmem:$0x3320] =	vst v3  }
0x14f: {  	[tilespmem:$0x3330] =	vst v3  }
0x150: {  	[tilespmem:$0x3340] =	vst v3  }
0x151: {  	[tilespmem:$0x3350] =	vst v3  }
0x152: {  	[tilespmem:$0x3360] =	vst v3  }
0x153: {  	[tilespmem:$0x3370] =	vst v3  }
0x154: {  	[tilespmem:$0x3380] =	vst v3  }
0x155: {  	[tilespmem:$0x3390] =	vst v3  }
0x156: {  	[tilespmem:$0x33A0] =	vst v3  }
0x157: {  	[tilespmem:$0x33B0] =	vst v3  }
0x158: {  	[tilespmem:$0x33C0] =	vst v3  }
0x159: {  	[tilespmem:$0x33D0] =	vst v3  }
0x15a: {  	[tilespmem:$0x33E0] =	vst v3  }
0x15b: {  	[tilespmem:$0x33F0] =	vst v3  }
0x15c: {  	[tilespmem:$0x3400] =	vst v3  }
0x15d: {  	[tilespmem:$0x3410] =	vst v3  }
0x15e: {  	[tilespmem:$0x3420] =	vst v3  }
0x15f: {  	[tilespmem:$0x3430] =	vst v3  }
0x160: {  	[tilespmem:$0x3440] =	vst v3  }
0x161: {  	[tilespmem:$0x3450] =	vst v3  }
0x162: {  	[tilespmem:$0x3460] =	vst v3  }
0x163: {  	[tilespmem:$0x3470] =	vst v3  }
0x164: {  	[tilespmem:$0x3480] =	vst v3  }
0x165: {  	[tilespmem:$0x3490] =	vst v3  }
0x166: {  	[tilespmem:$0x34A0] =	vst v3  }
0x167: {  	[tilespmem:$0x34B0] =	vst v3  }
0x168: {  	s11 =	simm.s32 @!p0 $0x310;
	[tilespmem:$0x34C0] =	vst v3  }
0x169: {  	s11 =	simm.s32 @p0 $0x2FA;
	[tilespmem:$0x34D0] =	vst v3  }
0x16a: {  	[tilespmem:$0x34E0] =	vst v3;
	s21 =	sshrl.u32 s11, $0x3  }
0x16b: {  	s19 =	simm.s32 $0x40;
	[tilespmem:$0x34F0] =	vst v3;
	s18 =	smov.u32 s21  }
.LBB2_2:
0x16c: {  	v36 =	vld [tilespmem:s19+$0xFFFFFFC0];
	_ =	sdelay $0x4  }
0x16d: {  	v36 =	vadd.s32 v2, v36  }
0x16e: {  	v36 =	vshll.u32 v36, $0x4  }
0x16f: {  	v36 =	vor.u32 v0, v36;
	_ =	sdelay $0x4  }
0x170: {  	[tilespmem:v36+s26+$0x0] =	vst.idx.add.s32.msk $0xffff, v4  }
0x171: {  	v36 =	vld [tilespmem:s19+$0xFFFFFFD0];
	_ =	sdelay $0x4  }
0x172: {  	v36 =	vadd.s32 v2, v36  }
0x173: {  	v36 =	vshll.u32 v36, $0x4  }
0x174: {  	v36 =	vor.u32 v0, v36;
	_ =	sdelay $0x4  }
0x175: {  	[tilespmem:v36+s26+$0x0] =	vst.idx.add.s32.msk $0xffff, v4  }
0x176: {  	v36 =	vld [tilespmem:s19+$0xFFFFFFE0];
	_ =	sdelay $0x4  }
0x177: {  	v36 =	vadd.s32 v2, v36  }
0x178: {  	v36 =	vshll.u32 v36, $0x4  }
0x179: {  	v36 =	vor.u32 v0, v36;
	_ =	sdelay $0x4  }
0x17a: {  	[tilespmem:v36+s26+$0x0] =	vst.idx.add.s32.msk $0xffff, v4  }
0x17b: {  	v36 =	vld [tilespmem:s19+$0xFFFFFFF0];
	_ =	sdelay $0x4  }
0x17c: {  	v36 =	vadd.s32 v2, v36  }
0x17d: {  	v36 =	vshll.u32 v36, $0x4  }
0x17e: {  	v36 =	vor.u32 v0, v36;
	_ =	sdelay $0x4  }
0x17f: {  	[tilespmem:v36+s26+$0x0] =	vst.idx.add.s32.msk $0xffff, v4  }
0x180: {  	v36 =	vld [tilespmem:s19+$0x0];
	_ =	sdelay $0x4  }
0x181: {  	v36 =	vadd.s32 v2, v36  }
0x182: {  	v36 =	vshll.u32 v36, $0x4  }
0x183: {  	v36 =	vor.u32 v0, v36;
	_ =	sdelay $0x4  }
0x184: {  	[tilespmem:v36+s26+$0x0] =	vst.idx.add.s32.msk $0xffff, v4  }
0x185: {  	v36 =	vld [tilespmem:s19+$0x10];
	_ =	sdelay $0x4  }
0x186: {  	v36 =	vadd.s32 v2, v36  }
0x187: {  	v36 =	vshll.u32 v36, $0x4  }
0x188: {  	v36 =	vor.u32 v0, v36;
	_ =	sdelay $0x4  }
0x189: {  	[tilespmem:v36+s26+$0x0] =	vst.idx.add.s32.msk $0xffff, v4  }
0x18a: {  	v36 =	vld [tilespmem:s19+$0x20];
	_ =	sdelay $0x4  }
0x18b: {  	v36 =	vadd.s32 v2, v36  }
0x18c: {  	v36 =	vshll.u32 v36, $0x4  }
0x18d: {  	v36 =	vor.u32 v0, v36;
	_ =	sdelay $0x4  }
0x18e: {  	[tilespmem:v36+s26+$0x0] =	vst.idx.add.s32.msk $0xffff, v4  }
0x18f: {  	v36 =	vld [tilespmem:s19+$0x30];
	_ =	sdelay $0x4  }
0x190: {  	v36 =	vadd.s32 v2, v36  }
0x191: {  	v36 =	vshll.u32 v36, $0x4  }
0x192: {  	p1 =	sne.s32 s18, $0x1;
	v36 =	vor.u32 v0, v36  }
.Ltmp2:
0x193: {  	_ = 	snop;
	(pc) =	sbr.rel @p1 .LBB2_2-.Ltmp2, $2  }
0x194: {  	_ =	sdelay $0x2  }
0x195: {  	s18 =	sadd.s32 $0xFFFFFFFF, s18;
	s19 =	sadd.s32 $0x80, s19;
	[tilespmem:v36+s26+$0x0] =	vst.idx.add.s32.msk $0xffff, v4  }
0x196: {  	s19 =	sand.u32 $0x3F8, s11  }
0x197: {  	p1 =	seq.s32 s19, s11  }
.Ltmp3:
0x198: {  	_ = 	snop;
	(pc) =	sbr.rel @p1 .LBB2_7-.Ltmp3, $1  }
0x199: {  	_ =	sdelay $0x3  }
0x19a: {  	s18 =	sshll.u32 s21, $0x7  }
0x19b: {  	v36 =	vld [tilespmem:s18+$0x0];
	_ =	sdelay $0x4  }
0x19c: {  	s19 =	sadd.s32 $0x1, s19;
	v36 =	vadd.s32 v2, v36  }
0x19d: {  	p1 =	slt.u32 s19, s11;
	v36 =	vshll.u32 v36, $0x4  }
.Ltmp4:
0x19e: {  	v36 =	vor.u32 v0, v36;
	(pc) =	sbr.rel @!p1 .LBB2_6-.Ltmp4, $1  }
0x19f: {  	_ =	sdelay $0x3  }
.LBB2_5:
0x1a0: {  	s19 =	sadd.s32 $0x1, s19;
	[tilespmem:v36+s26+$0x0] =	vst.idx.add.s32.msk $0xffff, v4;
	s18 =	sadd.s32 $0x10, s18  }
0x1a1: {  	v36 =	vld [tilespmem:s18+$0x0];
	p1 =	slt.u32 s19, s11;
	_ =	sdelay $0x2  }
.Ltmp5:
0x1a2: {  	(pc) =	sbr.rel @p1 .LBB2_5-.Ltmp5, $4  }
0x1a3: {  	_ = 	snop  }
0x1a4: {  	v36 =	vadd.s32 v2, v36  }
0x1a5: {  	v36 =	vshll.u32 v36, $0x4  }
0x1a6: {  	v36 =	vor.u32 v0, v36  }
.Ltmp6:
0x1a7: {  	_ = 	snop;
	(pc) =	sbr.rel .LBB2_6-.Ltmp6, $1  }
0x1a8: {  	_ =	sdelay $0x3  }
.LBB2_8:
0x1a9: {  	_ =	sfence.sel $0x180000  }
0x1aa: {  	[bflag:$0x0] =	sbarrier.arrive $0xFFFF  }
0x1ab: {  	_ =	strace $0x90000047  }
0x1ac: {  	s0 =	stileid.u32;
	[bflag:$0x2] =	sbarrier.arrive $0xFFFF  }
0x1ad: {  	p0 =	sne.s32 s0, $0x0;
	s0 =	rddreg [dreg:$0x2]  }
0x1ae: {  	s0 =	sadd.s32 @!p0 $0x100000, s0  }
0x1af: {  	[sflag:s0] =	ssyncadd.tile.s32 @!p0 $0x1;
	_ =	shalt  }
.Lfunc_end2:
_tile_overlayer_lowered:
.L_overlay_start_2:
0x1b0: {  	(tag) =	ssettag $0x2  }
0x1b1: {  	s0 =	rddreg [dreg:$0x0];
	s2 =	stileid.u32  }
0x1b2: {  	s1 =	rddreg [dreg:$0x1];
	p0 =	sne.s32 s2, $0x0  }
0x1b3: {  	s3 =	rddreg [dreg:$0x2];
	[bflag:$0x3] =	sbarrier.arrive $0xFFFF;
	s2 =	simm.s32 @!p0 $0x1C03  }
0x1b4: {  	[timem:s3], [sflag:s2] =	dma.local @!p0 [hbm:s0], s1  }
0x1b5: {  	s0 =	simm.s32 @!p0 $0x3  }
0x1b6: {  	_ =	swait.ge @!p0 [sflag:s0], s1  }
0x1b7: {  	s1 =	ssub.s32 @!p0 $0x0, s1;
	[sflag:s0] =	ssyncset.done @!p0 $0x0  }
0x1b8: {  	[sflag:s0] =	ssyncadd.s32 @!p0 s1  }
0x1b9: {  	[bflag:$0x3] =	sbarrier.arrive $0xFFFF  }
0x1ba: {  	_ =	shalt  }

</sc_bundles>
